<compile_context>
chip_gen: v7x
topology: tpu7x:2x2x1
jax: 0.10.2.dev20260603
libtpu: 0.0.44.dev20260713+nightly
codegen_flags: <defaults>
</compile_context>

<pallas_src>
import jax
import jax.numpy as jnp
from jax import lax
from jax.experimental import pallas as pl
from jax.experimental.pallas import tpu as pltpu, tpu_sc as plsc

N_NODE = 10000
E = 320000
D = 128
R_PAD = 10240
B_PAD = 10240
CHUNK = 32
NUM_CHUNKS = E // CHUNK
NW = 32
T_ITER = 314
AGG = 10000
ROWS_PER_TILE = 632
C2_PER_TILE = B_PAD // 16


def _rnd16(v):
    u = jax.lax.bitcast_convert_type(v, jnp.uint32)
    return (u + jnp.uint32(0x7FFF) + ((u >> 16) & jnp.uint32(1))) >> 16


def _pack2(att, emb):
    return jax.lax.bitcast_convert_type(
        _rnd16(att) | (_rnd16(emb) << 16), jnp.int32)


def _tab_body(hid_ref, rela_ref, ws_ref, wr_ref, wqr_ref, bqr_ref,
              osub_ref, orel_ref, oc_ref):
    i = pl.program_id(0)

    @pl.when(i < 25)
    def _():
        x = hid_ref[...]
        a = jnp.dot(x, ws_ref[...], preferred_element_type=jnp.float32)
        osub_ref[...] = _pack2(a, x)

    @pl.when(i >= 25)
    def _():
        x = rela_ref[...]
        a = jnp.dot(x, wr_ref[...], preferred_element_type=jnp.float32)
        orel_ref[...] = _pack2(a, x)
        oc_ref[...] = (jnp.dot(x, wqr_ref[...],
                               preferred_element_type=jnp.float32)
                       + bqr_ref[...])


def _fin_body(p_ref, w_ref, o_ref):
    x = p_ref[0] + p_ref[1]
    o_ref[...] = jnp.dot(x, w_ref[...], preferred_element_type=jnp.float32)


def _sc_body(edges_hbm, subt_hbm, relt_hbm, tabc_hbm, qrel_hbm, wvec_hbm,
             out_hbm, c2_hbm,
             edg0, edg1, cols0, cols1, obj0, obj1, sobj0, sobj1,
             sr0, sr1, c0, c1, m0, m1, c2i, c2f, w_v, agg_sh,
             sem_e0, sem_e1, sem_g0, sem_g1, sem_s0, sem_s1):
    c = lax.axis_index("c")
    s = lax.axis_index("s")
    wid = s * 2 + c

    edg = (edg0, edg1)
    cols = (cols0, cols1)
    obj = (obj0, obj1)
    sobj = (sobj0, sobj1)
    sr = (sr0, sr1)
    cb = (c0, c1)
    msg = (m0, m1)
    sem_e = (sem_e0, sem_e1)
    sem_g = (sem_g0, sem_g1)
    sem_s = (sem_s0, sem_s1)

    pltpu.sync_copy(wvec_hbm, w_v)
    row0 = s * ROWS_PER_TILE

    def c2_body(t, carry):
        off = s * C2_PER_TILE + t * (2 * CHUNK)
        pltpu.sync_copy(qrel_hbm.at[pl.ds(off, 2 * CHUNK)], c2i)
        pltpu.async_copy(tabc_hbm.at[c2i], c2f, sem_g0).wait()
        pltpu.sync_copy(c2f, c2_hbm.at[pl.ds(c * B_PAD + off, 2 * CHUNK)])
        return carry

    lax.fori_loop(0, C2_PER_TILE // (2 * CHUNK), c2_body, 0)

    zf = jnp.zeros((16,), jnp.float32)

    def zero_body(e, cc):
        for k in range(8):
            m0[e, pl.ds(16 * k, 16)] = zf
        return cc

    lax.fori_loop(0, CHUNK, zero_body, 0)

    @pl.when(s < 15)
    def _():
        for t in range(19):
            pltpu.sync_copy(m0, agg_sh.at[pl.ds(row0 + 32 * t, 32)])
        pltpu.sync_copy(m0.at[pl.ds(0, 24)],
                        agg_sh.at[pl.ds(row0 + 608, 24)])

    @pl.when(s == 15)
    def _():
        for t in range(16):
            pltpu.sync_copy(m0, agg_sh.at[pl.ds(row0 + 32 * t, 32)])
        pltpu.sync_copy(m0.at[pl.ds(0, 8)],
                        agg_sh.at[pl.ds(row0 + 512, 8)])

    plsc.subcore_barrier()

    wv = [w_v[pl.ds(16 * k, 16)] for k in range(8)]
    sbv = w_v[pl.ds(128, 16)]
    c2off = jnp.full((16,), 1, jnp.int32) * (c * B_PAD)

    def fire_edges(ii, b):
        chunk = wid + ii * NW
        pltpu.async_copy(edges_hbm.at[pl.ds(chunk * (CHUNK * 6), CHUNK * 6)],
                         edg[b], sem_e[b])

    def drain_edges(b):
        pltpu.make_async_copy(edges_hbm.at[pl.ds(0, CHUNK * 6)],
                              edg[b], sem_e[b]).wait()

    def prep_and_fire(b):
        for g in range(CHUNK // 16):
            idx6 = (lax.iota(jnp.int32, 16) + g * 16) * 6
            r16 = plsc.load_gather(edg[b], [idx6])
            rel16 = plsc.load_gather(edg[b], [idx6 + 2])
            sub16 = plsc.load_gather(edg[b], [idx6 + 4])
            obj16 = jnp.minimum(plsc.load_gather(edg[b], [idx6 + 5]),
                                N_NODE - 1)
            sl = pl.ds(g * 16, 16)
            cols[b][0, sl] = sub16
            cols[b][1, sl] = rel16
            cols[b][2, sl] = r16 + c2off
            obj[b][sl] = obj16
        pltpu.async_copy(subt_hbm.at[cols[b].at[0]],
                         sr[b].at[pl.ds(0, CHUNK)], sem_g[b])
        pltpu.async_copy(relt_hbm.at[cols[b].at[1]],
                         sr[b].at[pl.ds(CHUNK, CHUNK)], sem_g[b])
        pltpu.async_copy(c2_hbm.at[cols[b].at[2]], cb[b], sem_g[b])

    def drain_gathers(b):
        pltpu.make_async_copy(subt_hbm.at[pl.ds(0, 2 * CHUNK)],
                              sr[b], sem_g[b]).wait()
        pltpu.make_async_copy(tabc_hbm.at[pl.ds(0, CHUNK)],
                              cb[b], sem_g[b]).wait()

    def compute_and_scatter(ii, b):
        sr_v = sr[b]
        c_v = cb[b]
        m_v = msg[b]
        fmt = plsc.PackFormat.INTERLEAVED
        bf16 = jnp.bfloat16

        @pl.when(ii >= 2)
        def _():
            pltpu.make_async_copy(m_v, agg_sh.at[sobj[b]],
                                  sem_s[b]).wait()

        def up(x):
            return plsc.unpack(plsc.bitcast(x, bf16), format=fmt,
                               preferred_element_type=jnp.float32)

        def edge_body(e, carry2):
            p = jnp.zeros((16,), jnp.float32)
            hsum = []
            for k in range(8):
                ksl = pl.ds(16 * k, 16)
                aat, ahid = up(sr_v[e, ksl])
                bat, bhid = up(sr_v[CHUNK + e, ksl])
                t = aat + bat + c_v[e, ksl]
                p = p + jnp.maximum(t, 0.0) * wv[k]
                hsum.append(ahid + bhid)
            sval = jnp.sum(p)
            svec = jnp.full((16,), sval, jnp.float32) + sbv
            alpha = 1.0 / (1.0 + jnp.exp(-svec))
            for k in range(8):
                m_v[e, pl.ds(16 * k, 16)] = alpha * hsum[k]
            return carry2

        lax.fori_loop(0, CHUNK, edge_body, 0)
        for g in range(CHUNK // 16):
            gsl = pl.ds(16 * g, 16)
            sobj[b][gsl] = obj[b][gsl]
        pltpu.async_copy(m_v, agg_sh.at[sobj[b]], sem_s[b], add=True)

    def valid(ii):
        return wid + ii * NW < NUM_CHUNKS

    fire_edges(0, 0)
    drain_edges(0)
    prep_and_fire(0)

    @pl.when(valid(1))
    def _():
        fire_edges(1, 1)

    def step(ii, b, nb):
        @pl.when(valid(ii + 2))
        def _():
            fire_edges(ii + 2, b)

        @pl.when(valid(ii + 1))
        def _():
            drain_edges(nb)
            prep_and_fire(nb)

        @pl.when(valid(ii))
        def _():
            drain_gathers(b)
            compute_and_scatter(ii, b)

    def ring_body(i, carry):
        ii0 = 2 * i
        step(ii0, 0, 1)
        step(ii0 + 1, 1, 0)
        return carry

    lax.fori_loop(0, T_ITER // 2, ring_body, 0)

    for b in range(2):
        @pl.when(valid(b))
        def _():
            pltpu.make_async_copy(msg[b], agg_sh.at[sobj[b]],
                                  sem_s[b]).wait()

    plsc.subcore_barrier()

    @pl.when(s < 15)
    def _():
        pltpu.sync_copy(agg_sh.at[pl.ds(row0, 632)],
                        out_hbm.at[pl.ds(c * AGG + row0, 632)])

    @pl.when(s == 15)
    def _():
        pltpu.sync_copy(agg_sh.at[pl.ds(row0, 520)],
                        out_hbm.at[pl.ds(c * AGG + row0, 520)])


def kernel(q_sub, q_rel, hidden, edges, n_node, old_nodes_new_idx,
           rela_embed, Ws, Wr, Wqr, bqr, w_alpha_w, w_alpha_b, W_h):
    n_emb = rela_embed.shape[0]
    f32 = jnp.float32
    hidden = hidden.astype(f32)
    rela = rela_embed.astype(f32)

    subt, relt, tabC = pl.pallas_call(
        _tab_body,
        grid=(45,),
        in_specs=[
            pl.BlockSpec((400, D), lambda i: (jnp.minimum(i, 24), 0)),
            pl.BlockSpec((512, D),
                         lambda i: (jnp.clip(i - 25, 0, 19), 0)),
            pl.BlockSpec((D, D), lambda i: (0, 0)),
            pl.BlockSpec((D, D), lambda i: (0, 0)),
            pl.BlockSpec((D, D), lambda i: (0, 0)),
            pl.BlockSpec((1, D), lambda i: (0, 0)),
        ],
        out_specs=[
            pl.BlockSpec((400, D), lambda i: (jnp.minimum(i, 24), 0)),
            pl.BlockSpec((512, D), lambda i: (jnp.clip(i - 25, 0, 19), 0)),
            pl.BlockSpec((512, D), lambda i: (jnp.clip(i - 25, 0, 19), 0)),
        ],
        out_shape=[jax.ShapeDtypeStruct((N_NODE, D), jnp.int32),
                   jax.ShapeDtypeStruct((R_PAD, D), jnp.int32),
                   jax.ShapeDtypeStruct((R_PAD, D), f32)],
    )(hidden, rela, Ws.astype(f32), Wr.astype(f32), Wqr.astype(f32),
      bqr.astype(f32).reshape(1, D))

    mesh = plsc.VectorSubcoreMesh(core_axis_name="c", subcore_axis_name="s")
    sc_params = pltpu.CompilerParams(needs_layout_passes=False)

    edges_flat = edges.astype(jnp.int32).reshape(-1)
    q_rel_p = jnp.concatenate(
        [q_rel.astype(jnp.int32),
         jnp.zeros((B_PAD - q_rel.shape[0],), jnp.int32)])
    wvec = jnp.concatenate([w_alpha_w.astype(f32).reshape(-1),
                            jnp.broadcast_to(w_alpha_b.astype(f32), (1,))[0]
                            * jnp.ones((16,), f32)])

    sc_call = pl.kernel(
        _sc_body,
        out_type=[jax.ShapeDtypeStruct((2 * AGG, D), f32),
                  jax.ShapeDtypeStruct((2 * B_PAD, D), f32)],
        mesh=mesh,
        scratch_types=[
            pltpu.VMEM((CHUNK * 6,), jnp.int32),
            pltpu.VMEM((CHUNK * 6,), jnp.int32),
            pltpu.VMEM((3, CHUNK), jnp.int32),
            pltpu.VMEM((3, CHUNK), jnp.int32),
            pltpu.VMEM((CHUNK,), jnp.int32),
            pltpu.VMEM((CHUNK,), jnp.int32),
            pltpu.VMEM((CHUNK,), jnp.int32),
            pltpu.VMEM((CHUNK,), jnp.int32),
            pltpu.VMEM((2 * CHUNK, D), jnp.int32),
            pltpu.VMEM((2 * CHUNK, D), jnp.int32),
            pltpu.VMEM((CHUNK, D), f32),
            pltpu.VMEM((CHUNK, D), f32),
            pltpu.VMEM((CHUNK, D), f32),
            pltpu.VMEM((CHUNK, D), f32),
            pltpu.VMEM((2 * CHUNK,), jnp.int32),
            pltpu.VMEM((2 * CHUNK, D), f32),
            pltpu.VMEM((144,), f32),
            pltpu.VMEM_SHARED((AGG, D), f32),
            pltpu.SemaphoreType.DMA,
            pltpu.SemaphoreType.DMA,
            pltpu.SemaphoreType.DMA,
            pltpu.SemaphoreType.DMA,
            pltpu.SemaphoreType.DMA,
            pltpu.SemaphoreType.DMA,
        ],
        compiler_params=sc_params,
    )
    partial, _ = sc_call(edges_flat, subt, relt, tabC, q_rel_p, wvec)

    part3 = partial.reshape(2, AGG, D)
    out = pl.pallas_call(
        _fin_body,
        grid=(25,),
        in_specs=[pl.BlockSpec((2, 400, D), lambda i: (0, i, 0)),
                  pl.BlockSpec((D, D), lambda i: (0, 0))],
        out_specs=pl.BlockSpec((400, D), lambda i: (i, 0)),
        out_shape=jax.ShapeDtypeStruct((N_NODE, D), f32),
    )(part3, W_h.astype(f32))
    return out

# --- scband reference (transcript-rebuilt; emitter-appended) ---
"""Pipeline reference for scband-distinct-red-gnn-induc-43044162241264 (READ-ONLY COPY).

The authoritative reference and input builder live on the scoring server;
editing this copy changes nothing except your own understanding.
"""

import jax, jax.numpy as jnp
import numpy as np

N_NODE = 10000
E = 320000
IN_DIM = 128
OUT_DIM = 128
ATTN_DIM = 128
N_REL = 5000
B = 10000


def setup_inputs(seed: int = 0) -> dict:
    key = jax.random.key(seed)
    ks = jax.random.split(key, 13)
    n_emb = 2 * N_REL + 1
    inp = {
        "q_sub": jax.random.randint(ks[0], (B,), 0, N_NODE, dtype=jnp.int64 if jax.config.jax_enable_x64 else jnp.int32),
        "q_rel": jax.random.randint(ks[1], (B,), 0, B, dtype=jnp.int64 if jax.config.jax_enable_x64 else jnp.int32),
        "hidden": jax.random.normal(ks[2], (N_NODE, IN_DIM), dtype=jnp.float32),
        "edges": jax.random.randint(ks[3], (E, 6), 0, N_NODE, dtype=jnp.int64 if jax.config.jax_enable_x64 else jnp.int32),
        "n_node": N_NODE,
        "old_nodes_new_idx": jax.random.randint(ks[4], (5000,), 0, N_NODE, dtype=jnp.int64 if jax.config.jax_enable_x64 else jnp.int32),
        # learned parameters
        "rela_embed": jax.random.normal(ks[5], (n_emb, IN_DIM), dtype=jnp.float32) * 0.02,
        "Ws": jax.random.normal(ks[6], (IN_DIM, ATTN_DIM), dtype=jnp.float32) * 0.05,
        "Wr": jax.random.normal(ks[7], (IN_DIM, ATTN_DIM), dtype=jnp.float32) * 0.05,
        "Wqr": jax.random.normal(ks[8], (IN_DIM, ATTN_DIM), dtype=jnp.float32) * 0.05,
        "bqr": jax.random.normal(ks[9], (ATTN_DIM,), dtype=jnp.float32) * 0.05,
        "w_alpha_w": jax.random.normal(ks[10], (ATTN_DIM, 1), dtype=jnp.float32) * 0.05,
        "w_alpha_b": jax.random.normal(ks[11], (1,), dtype=jnp.float32) * 0.05,
        "W_h": jax.random.normal(ks[12], (IN_DIM, OUT_DIM), dtype=jnp.float32) * 0.05,
    }
    return inp


def reference(q_sub, q_rel, hidden, edges, n_node, old_nodes_new_idx,
              rela_embed, Ws, Wr, Wqr, bqr, w_alpha_w, w_alpha_b, W_h):
    # Faithful translation of GNNLayer.forward (act = identity)
    sub = edges[:, 4]
    rel = edges[:, 2]
    obj = jnp.minimum(edges[:, 5], n_node - 1)
    r_idx = edges[:, 0]
    hs = jnp.take(hidden, sub, axis=0)                       # gather [E, in_dim]
    hr = jnp.take(rela_embed, rel, axis=0)                   # embedding lookup [E, in_dim]
    h_qr = jnp.take(jnp.take(rela_embed, q_rel, axis=0), r_idx, axis=0)  # [E, in_dim]
    message = hs + hr
    attn_pre = jax.nn.relu(hs @ Ws + hr @ Wr + (h_qr @ Wqr + bqr))
    alpha = jax.nn.sigmoid(attn_pre @ w_alpha_w + w_alpha_b)  # [E, 1]
    message = alpha * message
    message_agg = jax.ops.segment_sum(message, obj, num_segments=hidden.shape[0])  # scatter-add
    hidden_new = message_agg @ W_h                            # act is identity
    return hidden_new

if __name__ == "__main__":
    import jax
    _d = setup_inputs()
    print(jax.jit(kernel)(*tuple(_d.values())))

</pallas_src>

<mosaic_0001>
#map = affine_map<(d0, d1) -> (0)>
#map1 = affine_map<(d0, d1) -> (0, 0)>
module attributes {stable_mosaic.version = 14 : i64} {
  func.func @_sc_body(%arg0: i32, %arg1: i32, %arg2: memref<1920000xi32, #tpu.memory_space<hbm>>, %arg3: memref<10000x128xi32, #tpu.memory_space<hbm>>, %arg4: memref<10240x128xi32, #tpu.memory_space<hbm>>, %arg5: memref<10240x128xf32, #tpu.memory_space<hbm>>, %arg6: memref<10240xi32, #tpu.memory_space<hbm>>, %arg7: memref<144xf32, #tpu.memory_space<hbm>>, %arg8: memref<20000x128xf32, #tpu.memory_space<hbm>>, %arg9: memref<20480x128xf32, #tpu.memory_space<hbm>>, %arg10: memref<192xi32, #tpu.memory_space<vmem>>, %arg11: memref<192xi32, #tpu.memory_space<vmem>>, %arg12: memref<3x32xi32, #tpu.memory_space<vmem>>, %arg13: memref<3x32xi32, #tpu.memory_space<vmem>>, %arg14: memref<32xi32, #tpu.memory_space<vmem>>, %arg15: memref<32xi32, #tpu.memory_space<vmem>>, %arg16: memref<32xi32, #tpu.memory_space<vmem>>, %arg17: memref<32xi32, #tpu.memory_space<vmem>>, %arg18: memref<64x128xi32, #tpu.memory_space<vmem>>, %arg19: memref<64x128xi32, #tpu.memory_space<vmem>>, %arg20: memref<32x128xf32, #tpu.memory_space<vmem>>, %arg21: memref<32x128xf32, #tpu.memory_space<vmem>>, %arg22: memref<32x128xf32, #tpu.memory_space<vmem>>, %arg23: memref<32x128xf32, #tpu.memory_space<vmem>>, %arg24: memref<64xi32, #tpu.memory_space<vmem>>, %arg25: memref<64x128xf32, #tpu.memory_space<vmem>>, %arg26: memref<144xf32, #tpu.memory_space<vmem>>, %arg27: memref<10000x128xf32, #tpu.memory_space<vmem_shared>>, %arg28: memref<!tpu.dma_semaphore, #tpu.memory_space<semaphore_mem>>, %arg29: memref<!tpu.dma_semaphore, #tpu.memory_space<semaphore_mem>>, %arg30: memref<!tpu.dma_semaphore, #tpu.memory_space<semaphore_mem>>, %arg31: memref<!tpu.dma_semaphore, #tpu.memory_space<semaphore_mem>>, %arg32: memref<!tpu.dma_semaphore, #tpu.memory_space<semaphore_mem>>, %arg33: memref<!tpu.dma_semaphore, #tpu.memory_space<semaphore_mem>>) attributes {dimension_semantics = [#tpu.dimension_semantics<core_parallel>, #tpu.dimension_semantics<subcore_parallel>], iteration_bounds = array<i64: 2, 16>, scalar_prefetch = 0 : i64, scratch_operands = 24 : i64, tpu.core_type = #tpu.core_type<sc_vector_subcore>, window_params = [{transform_indices = #map}, {transform_indices = #map1}, {transform_indices = #map1}, {transform_indices = #map1}, {transform_indices = #map}, {transform_indices = #map}, {transform_indices = #map1}, {transform_indices = #map1}]} {
    %mul3A = arith.constant 2 : i32
    %mul3A_0 = arith.muli %arg1, %mul3A : i32
    %add3A = arith.addi %mul3A_0, %arg0 : i32
    "tpu.region"() ({
      %run_scoped3A = tpu.sem_alloc : memref<!tpu.dma_semaphore, #tpu.memory_space<semaphore_mem>>
      tpu.enqueue_dma source(%arg7 : memref<144xf32, #tpu.memory_space<hbm>>) target(%arg26 : memref<144xf32, #tpu.memory_space<vmem>>) target_semaphore(%run_scoped3A : memref<!tpu.dma_semaphore, #tpu.memory_space<semaphore_mem>>)
      tpu.wait_dma2 semaphore(%run_scoped3A : memref<!tpu.dma_semaphore, #tpu.memory_space<semaphore_mem>>) src(%arg7 : memref<144xf32, #tpu.memory_space<hbm>>) dst(%arg26 : memref<144xf32, #tpu.memory_space<vmem>>)
      tpu.yield
    }) : () -> ()
    %mul3A_1 = arith.constant 632 : i32
    %mul3A_2 = arith.muli %arg1, %mul3A_1 : i32
    %scan3A = arith.constant 0 : i32
    %scan3A_3 = arith.constant 0 : i32
    %scan3A_4 = arith.constant 10 : i32
    %scan3A_5 = arith.addi %scan3A_3, %scan3A_4 : i32
    %scan3A_6 = arith.constant 1 : i32
    scf.for %scan3A_189 = %scan3A_3 to %scan3A_5 step %scan3A_6  : i32 {
      %mul3A_190 = arith.constant 640 : i32
      %mul3A_191 = arith.muli %arg1, %mul3A_190 : i32
      %mul3A_192 = arith.constant 64 : i32
      %mul3A_193 = arith.muli %scan3A_189, %mul3A_192 : i32
      %add3A_194 = arith.addi %mul3A_191, %mul3A_193 : i32
      "tpu.region"() ({
        %run_scoped3A = tpu.sem_alloc : memref<!tpu.dma_semaphore, #tpu.memory_space<semaphore_mem>>
        %dma_start3A_204 = tpu.memref_slice %arg6[%add3A_194] : memref<10240xi32, #tpu.memory_space<hbm>> -> memref<64xi32, #tpu.memory_space<hbm>>
        %dma_start3A_205 = tpu.memref_slice %arg6[%add3A_194] : memref<10240xi32, #tpu.memory_space<hbm>> -> memref<64xi32, #tpu.memory_space<hbm>>
        tpu.enqueue_dma source(%dma_start3A_205 : memref<64xi32, #tpu.memory_space<hbm>>) target(%arg24 : memref<64xi32, #tpu.memory_space<vmem>>) target_semaphore(%run_scoped3A : memref<!tpu.dma_semaphore, #tpu.memory_space<semaphore_mem>>)
        %dma_wait3A_206 = tpu.memref_slice %arg6[%add3A_194] : memref<10240xi32, #tpu.memory_space<hbm>> -> memref<64xi32, #tpu.memory_space<hbm>>
        %dma_wait3A_207 = tpu.memref_slice %arg6[%add3A_194] : memref<10240xi32, #tpu.memory_space<hbm>> -> memref<64xi32, #tpu.memory_space<hbm>>
        tpu.wait_dma2 semaphore(%run_scoped3A : memref<!tpu.dma_semaphore, #tpu.memory_space<semaphore_mem>>) src(%dma_wait3A_207 : memref<64xi32, #tpu.memory_space<hbm>>) dst(%arg24 : memref<64xi32, #tpu.memory_space<vmem>>)
        tpu.yield
      }) : () -> ()
      %dma_start3A_195 = arith.constant 0 : i32
      %dma_start3A_196 = arith.constant 0 : i32
      %dma_start3A_197 = tpu.memref_slice %arg5[%dma_start3A_195, %dma_start3A_196] : memref<10240x128xf32, #tpu.memory_space<hbm>> -> memref<10240x128xf32, #tpu.memory_space<hbm>>
      tpu.enqueue_indirect_dma source(%dma_start3A_197 : memref<10240x128xf32, #tpu.memory_space<hbm>>) target(%arg25 : memref<64x128xf32, #tpu.memory_space<vmem>>) offsets(%arg24 : memref<64xi32, #tpu.memory_space<vmem>>) semaphore(%arg30 : memref<!tpu.dma_semaphore, #tpu.memory_space<semaphore_mem>>)
      %dma_wait3A_198 = arith.constant 0 : i32
      %dma_wait3A_199 = arith.constant 0 : i32
      %dma_wait3A_200 = tpu.memref_slice %arg5[%dma_wait3A_198, %dma_wait3A_199] : memref<10240x128xf32, #tpu.memory_space<hbm>> -> memref<10240x128xf32, #tpu.memory_space<hbm>>
      tpu.wait_indirect_dma semaphore(%arg30 : memref<!tpu.dma_semaphore, #tpu.memory_space<semaphore_mem>>) src(%dma_wait3A_200 : memref<10240x128xf32, #tpu.memory_space<hbm>>) dst(%arg25 : memref<64x128xf32, #tpu.memory_space<vmem>>)
      %mul3A_201 = arith.constant 10240 : i32
      %mul3A_202 = arith.muli %arg0, %mul3A_201 : i32
      %add3A_203 = arith.addi %mul3A_202, %add3A_194 : i32
      "tpu.region"() ({
        %run_scoped3A = tpu.sem_alloc : memref<!tpu.dma_semaphore, #tpu.memory_space<semaphore_mem>>
        %dma_start3A_204 = arith.constant 0 : i32
        %dma_start3A_205 = tpu.memref_slice %arg9[%add3A_203, %dma_start3A_204] : memref<20480x128xf32, #tpu.memory_space<hbm>> -> memref<64x128xf32, #tpu.memory_space<hbm>>
        %dma_start3A_206 = arith.constant 0 : i32
        %dma_start3A_207 = tpu.memref_slice %arg9[%add3A_203, %dma_start3A_206] : memref<20480x128xf32, #tpu.memory_space<hbm>> -> memref<64x128xf32, #tpu.memory_space<hbm>>
        tpu.enqueue_dma source(%arg25 : memref<64x128xf32, #tpu.memory_space<vmem>>) target(%dma_start3A_207 : memref<64x128xf32, #tpu.memory_space<hbm>>) target_semaphore(%run_scoped3A : memref<!tpu.dma_semaphore, #tpu.memory_space<semaphore_mem>>)
        %dma_wait3A_208 = arith.constant 0 : i32
        %dma_wait3A_209 = tpu.memref_slice %arg9[%add3A_203, %dma_wait3A_208] : memref<20480x128xf32, #tpu.memory_space<hbm>> -> memref<64x128xf32, #tpu.memory_space<hbm>>
        %dma_wait3A_210 = arith.constant 0 : i32
        %dma_wait3A_211 = tpu.memref_slice %arg9[%add3A_203, %dma_wait3A_210] : memref<20480x128xf32, #tpu.memory_space<hbm>> -> memref<64x128xf32, #tpu.memory_space<hbm>>
        tpu.wait_dma2 semaphore(%run_scoped3A : memref<!tpu.dma_semaphore, #tpu.memory_space<semaphore_mem>>) src(%arg25 : memref<64x128xf32, #tpu.memory_space<vmem>>) dst(%dma_wait3A_211 : memref<64x128xf32, #tpu.memory_space<hbm>>)
        tpu.yield
      }) : () -> ()
    }
    %scan3A_7 = arith.constant 10 : i32
    %broadcast_in_dim3A = arith.constant 0.000000e+00 : f32
    %broadcast_in_dim3A_8 = vector.broadcast %broadcast_in_dim3A : f32 to vector<16xf32>
    %scan3A_9 = arith.constant 0 : i32
    %scan3A_10 = arith.constant 0 : i32
    %scan3A_11 = arith.constant 32 : i32
    %scan3A_12 = arith.addi %scan3A_10, %scan3A_11 : i32
    %scan3A_13 = arith.constant 1 : i32
    scf.for %scan3A_189 = %scan3A_10 to %scan3A_12 step %scan3A_13  : i32 {
      %swap3A_190 = arith.index_cast %scan3A_189 : i32 to index
      %swap3A_191 = arith.constant 0 : index
      %swap3A_192 = tpu.vector_load %arg22[%swap3A_190, %swap3A_191] {strides = array<i32>} : memref<32x128xf32, #tpu.memory_space<vmem>>, vector<16xf32>,
      tpu.vector_store %arg22[%swap3A_190, %swap3A_191], %broadcast_in_dim3A_8 {strides = array<i32>} : memref<32x128xf32, #tpu.memory_space<vmem>>, vector<16xf32>,
      %swap3A_193 = arith.index_cast %scan3A_189 : i32 to index
      %swap3A_194 = arith.constant 16 : index
      %swap3A_195 = tpu.vector_load %arg22[%swap3A_193, %swap3A_194] {strides = array<i32>} : memref<32x128xf32, #tpu.memory_space<vmem>>, vector<16xf32>,
      tpu.vector_store %arg22[%swap3A_193, %swap3A_194], %broadcast_in_dim3A_8 {strides = array<i32>} : memref<32x128xf32, #tpu.memory_space<vmem>>, vector<16xf32>,
      %swap3A_196 = arith.index_cast %scan3A_189 : i32 to index
      %swap3A_197 = arith.constant 32 : index
      %swap3A_198 = tpu.vector_load %arg22[%swap3A_196, %swap3A_197] {strides = array<i32>} : memref<32x128xf32, #tpu.memory_space<vmem>>, vector<16xf32>,
      tpu.vector_store %arg22[%swap3A_196, %swap3A_197], %broadcast_in_dim3A_8 {strides = array<i32>} : memref<32x128xf32, #tpu.memory_space<vmem>>, vector<16xf32>,
      %swap3A_199 = arith.index_cast %scan3A_189 : i32 to index
      %swap3A_200 = arith.constant 48 : index
      %swap3A_201 = tpu.vector_load %arg22[%swap3A_199, %swap3A_200] {strides = array<i32>} : memref<32x128xf32, #tpu.memory_space<vmem>>, vector<16xf32>,
      tpu.vector_store %arg22[%swap3A_199, %swap3A_200], %broadcast_in_dim3A_8 {strides = array<i32>} : memref<32x128xf32, #tpu.memory_space<vmem>>, vector<16xf32>,
      %swap3A_202 = arith.index_cast %scan3A_189 : i32 to index
      %swap3A_203 = arith.constant 64 : index
      %swap3A_204 = tpu.vector_load %arg22[%swap3A_202, %swap3A_203] {strides = array<i32>} : memref<32x128xf32, #tpu.memory_space<vmem>>, vector<16xf32>,
      tpu.vector_store %arg22[%swap3A_202, %swap3A_203], %broadcast_in_dim3A_8 {strides = array<i32>} : memref<32x128xf32, #tpu.memory_space<vmem>>, vector<16xf32>,
      %swap3A_205 = arith.index_cast %scan3A_189 : i32 to index
      %swap3A_206 = arith.constant 80 : index
      %swap3A_207 = tpu.vector_load %arg22[%swap3A_205, %swap3A_206] {strides = array<i32>} : memref<32x128xf32, #tpu.memory_space<vmem>>, vector<16xf32>,
      tpu.vector_store %arg22[%swap3A_205, %swap3A_206], %broadcast_in_dim3A_8 {strides = array<i32>} : memref<32x128xf32, #tpu.memory_space<vmem>>, vector<16xf32>,
      %swap3A_208 = arith.index_cast %scan3A_189 : i32 to index
      %swap3A_209 = arith.constant 96 : index
      %swap3A_210 = tpu.vector_load %arg22[%swap3A_208, %swap3A_209] {strides = array<i32>} : memref<32x128xf32, #tpu.memory_space<vmem>>, vector<16xf32>,
      tpu.vector_store %arg22[%swap3A_208, %swap3A_209], %broadcast_in_dim3A_8 {strides = array<i32>} : memref<32x128xf32, #tpu.memory_space<vmem>>, vector<16xf32>,
      %swap3A_211 = arith.index_cast %scan3A_189 : i32 to index
      %swap3A_212 = arith.constant 112 : index
      %swap3A_213 = tpu.vector_load %arg22[%swap3A_211, %swap3A_212] {strides = array<i32>} : memref<32x128xf32, #tpu.memory_space<vmem>>, vector<16xf32>,
      tpu.vector_store %arg22[%swap3A_211, %swap3A_212], %broadcast_in_dim3A_8 {strides = array<i32>} : memref<32x128xf32, #tpu.memory_space<vmem>>, vector<16xf32>,
    }
    %scan3A_14 = arith.constant 32 : i32
    %lt3A = arith.constant 15 : i32
    %lt3A_15 = arith.cmpi slt, %arg1, %lt3A : i32
    %convert_element_type3A = arith.extui %lt3A_15 : i1 to i32
    %cond3A = arith.constant 0 : i32
    %cond3A_16 = arith.cmpi ne, %convert_element_type3A, %cond3A : i32
    scf.if %cond3A_16 {
      %add3A_189 = arith.constant 0 : i32
      %add3A_190 = arith.addi %mul3A_2, %add3A_189 : i32
      "tpu.region"() ({
        %run_scoped3A = tpu.sem_alloc : memref<!tpu.dma_semaphore, #tpu.memory_space<semaphore_mem>>
        %dma_start3A_229 = arith.constant 0 : i32
        %dma_start3A_230 = tpu.memref_slice %arg27[%add3A_190, %dma_start3A_229] : memref<10000x128xf32, #tpu.memory_space<vmem_shared>> -> memref<32x128xf32, #tpu.memory_space<vmem_shared>>
        %dma_start3A_231 = arith.constant 0 : i32
        %dma_start3A_232 = tpu.memref_slice %arg27[%add3A_190, %dma_start3A_231] : memref<10000x128xf32, #tpu.memory_space<vmem_shared>> -> memref<32x128xf32, #tpu.memory_space<vmem_shared>>
        tpu.enqueue_dma source(%arg22 : memref<32x128xf32, #tpu.memory_space<vmem>>) target(%dma_start3A_232 : memref<32x128xf32, #tpu.memory_space<vmem_shared>>) target_semaphore(%run_scoped3A : memref<!tpu.dma_semaphore, #tpu.memory_space<semaphore_mem>>)
        %dma_wait3A_233 = arith.constant 0 : i32
        %dma_wait3A_234 = tpu.memref_slice %arg27[%add3A_190, %dma_wait3A_233] : memref<10000x128xf32, #tpu.memory_space<vmem_shared>> -> memref<32x128xf32, #tpu.memory_space<vmem_shared>>
        %dma_wait3A_235 = arith.constant 0 : i32
        %dma_wait3A_236 = tpu.memref_slice %arg27[%add3A_190, %dma_wait3A_235] : memref<10000x128xf32, #tpu.memory_space<vmem_shared>> -> memref<32x128xf32, #tpu.memory_space<vmem_shared>>
        tpu.wait_dma2 semaphore(%run_scoped3A : memref<!tpu.dma_semaphore, #tpu.memory_space<semaphore_mem>>) src(%arg22 : memref<32x128xf32, #tpu.memory_space<vmem>>) dst(%dma_wait3A_236 : memref<32x128xf32, #tpu.memory_space<vmem_shared>>)
        tpu.yield
      }) : () -> ()
      %add3A_191 = arith.constant 32 : i32
      %add3A_192 = arith.addi %mul3A_2, %add3A_191 : i32
      "tpu.region"() ({
        %run_scoped3A = tpu.sem_alloc : memref<!tpu.dma_semaphore, #tpu.memory_space<semaphore_mem>>
        %dma_start3A_229 = arith.constant 0 : i32
        %dma_start3A_230 = tpu.memref_slice %arg27[%add3A_192, %dma_start3A_229] : memref<10000x128xf32, #tpu.memory_space<vmem_shared>> -> memref<32x128xf32, #tpu.memory_space<vmem_shared>>
        %dma_start3A_231 = arith.constant 0 : i32
        %dma_start3A_232 = tpu.memref_slice %arg27[%add3A_192, %dma_start3A_231] : memref<10000x128xf32, #tpu.memory_space<vmem_shared>> -> memref<32x128xf32, #tpu.memory_space<vmem_shared>>
        tpu.enqueue_dma source(%arg22 : memref<32x128xf32, #tpu.memory_space<vmem>>) target(%dma_start3A_232 : memref<32x128xf32, #tpu.memory_space<vmem_shared>>) target_semaphore(%run_scoped3A : memref<!tpu.dma_semaphore, #tpu.memory_space<semaphore_mem>>)
        %dma_wait3A_233 = arith.constant 0 : i32
        %dma_wait3A_234 = tpu.memref_slice %arg27[%add3A_192, %dma_wait3A_233] : memref<10000x128xf32, #tpu.memory_space<vmem_shared>> -> memref<32x128xf32, #tpu.memory_space<vmem_shared>>
        %dma_wait3A_235 = arith.constant 0 : i32
        %dma_wait3A_236 = tpu.memref_slice %arg27[%add3A_192, %dma_wait3A_235] : memref<10000x128xf32, #tpu.memory_space<vmem_shared>> -> memref<32x128xf32, #tpu.memory_space<vmem_shared>>
        tpu.wait_dma2 semaphore(%run_scoped3A : memref<!tpu.dma_semaphore, #tpu.memory_space<semaphore_mem>>) src(%arg22 : memref<32x128xf32, #tpu.memory_space<vmem>>) dst(%dma_wait3A_236 : memref<32x128xf32, #tpu.memory_space<vmem_shared>>)
        tpu.yield
      }) : () -> ()
      %add3A_193 = arith.constant 64 : i32
      %add3A_194 = arith.addi %mul3A_2, %add3A_193 : i32
      "tpu.region"() ({
        %run_scoped3A = tpu.sem_alloc : memref<!tpu.dma_semaphore, #tpu.memory_space<semaphore_mem>>
        %dma_start3A_229 = arith.constant 0 : i32
        %dma_start3A_230 = tpu.memref_slice %arg27[%add3A_194, %dma_start3A_229] : memref<10000x128xf32, #tpu.memory_space<vmem_shared>> -> memref<32x128xf32, #tpu.memory_space<vmem_shared>>
        %dma_start3A_231 = arith.constant 0 : i32
        %dma_start3A_232 = tpu.memref_slice %arg27[%add3A_194, %dma_start3A_231] : memref<10000x128xf32, #tpu.memory_space<vmem_shared>> -> memref<32x128xf32, #tpu.memory_space<vmem_shared>>
        tpu.enqueue_dma source(%arg22 : memref<32x128xf32, #tpu.memory_space<vmem>>) target(%dma_start3A_232 : memref<32x128xf32, #tpu.memory_space<vmem_shared>>) target_semaphore(%run_scoped3A : memref<!tpu.dma_semaphore, #tpu.memory_space<semaphore_mem>>)
        %dma_wait3A_233 = arith.constant 0 : i32
        %dma_wait3A_234 = tpu.memref_slice %arg27[%add3A_194, %dma_wait3A_233] : memref<10000x128xf32, #tpu.memory_space<vmem_shared>> -> memref<32x128xf32, #tpu.memory_space<vmem_shared>>
        %dma_wait3A_235 = arith.constant 0 : i32
        %dma_wait3A_236 = tpu.memref_slice %arg27[%add3A_194, %dma_wait3A_235] : memref<10000x128xf32, #tpu.memory_space<vmem_shared>> -> memref<32x128xf32, #tpu.memory_space<vmem_shared>>
        tpu.wait_dma2 semaphore(%run_scoped3A : memref<!tpu.dma_semaphore, #tpu.memory_space<semaphore_mem>>) src(%arg22 : memref<32x128xf32, #tpu.memory_space<vmem>>) dst(%dma_wait3A_236 : memref<32x128xf32, #tpu.memory_space<vmem_shared>>)
        tpu.yield
      }) : () -> ()
      %add3A_195 = arith.constant 96 : i32
      %add3A_196 = arith.addi %mul3A_2, %add3A_195 : i32
      "tpu.region"() ({
        %run_scoped3A = tpu.sem_alloc : memref<!tpu.dma_semaphore, #tpu.memory_space<semaphore_mem>>
        %dma_start3A_229 = arith.constant 0 : i32
        %dma_start3A_230 = tpu.memref_slice %arg27[%add3A_196, %dma_start3A_229] : memref<10000x128xf32, #tpu.memory_space<vmem_shared>> -> memref<32x128xf32, #tpu.memory_space<vmem_shared>>
        %dma_start3A_231 = arith.constant 0 : i32
        %dma_start3A_232 = tpu.memref_slice %arg27[%add3A_196, %dma_start3A_231] : memref<10000x128xf32, #tpu.memory_space<vmem_shared>> -> memref<32x128xf32, #tpu.memory_space<vmem_shared>>
        tpu.enqueue_dma source(%arg22 : memref<32x128xf32, #tpu.memory_space<vmem>>) target(%dma_start3A_232 : memref<32x128xf32, #tpu.memory_space<vmem_shared>>) target_semaphore(%run_scoped3A : memref<!tpu.dma_semaphore, #tpu.memory_space<semaphore_mem>>)
        %dma_wait3A_233 = arith.constant 0 : i32
        %dma_wait3A_234 = tpu.memref_slice %arg27[%add3A_196, %dma_wait3A_233] : memref<10000x128xf32, #tpu.memory_space<vmem_shared>> -> memref<32x128xf32, #tpu.memory_space<vmem_shared>>
        %dma_wait3A_235 = arith.constant 0 : i32
        %dma_wait3A_236 = tpu.memref_slice %arg27[%add3A_196, %dma_wait3A_235] : memref<10000x128xf32, #tpu.memory_space<vmem_shared>> -> memref<32x128xf32, #tpu.memory_space<vmem_shared>>
        tpu.wait_dma2 semaphore(%run_scoped3A : memref<!tpu.dma_semaphore, #tpu.memory_space<semaphore_mem>>) src(%arg22 : memref<32x128xf32, #tpu.memory_space<vmem>>) dst(%dma_wait3A_236 : memref<32x128xf32, #tpu.memory_space<vmem_shared>>)
        tpu.yield
      }) : () -> ()
      %add3A_197 = arith.constant 128 : i32
      %add3A_198 = arith.addi %mul3A_2, %add3A_197 : i32
      "tpu.region"() ({
        %run_scoped3A = tpu.sem_alloc : memref<!tpu.dma_semaphore, #tpu.memory_space<semaphore_mem>>
        %dma_start3A_229 = arith.constant 0 : i32
        %dma_start3A_230 = tpu.memref_slice %arg27[%add3A_198, %dma_start3A_229] : memref<10000x128xf32, #tpu.memory_space<vmem_shared>> -> memref<32x128xf32, #tpu.memory_space<vmem_shared>>
        %dma_start3A_231 = arith.constant 0 : i32
        %dma_start3A_232 = tpu.memref_slice %arg27[%add3A_198, %dma_start3A_231] : memref<10000x128xf32, #tpu.memory_space<vmem_shared>> -> memref<32x128xf32, #tpu.memory_space<vmem_shared>>
        tpu.enqueue_dma source(%arg22 : memref<32x128xf32, #tpu.memory_space<vmem>>) target(%dma_start3A_232 : memref<32x128xf32, #tpu.memory_space<vmem_shared>>) target_semaphore(%run_scoped3A : memref<!tpu.dma_semaphore, #tpu.memory_space<semaphore_mem>>)
        %dma_wait3A_233 = arith.constant 0 : i32
        %dma_wait3A_234 = tpu.memref_slice %arg27[%add3A_198, %dma_wait3A_233] : memref<10000x128xf32, #tpu.memory_space<vmem_shared>> -> memref<32x128xf32, #tpu.memory_space<vmem_shared>>
        %dma_wait3A_235 = arith.constant 0 : i32
        %dma_wait3A_236 = tpu.memref_slice %arg27[%add3A_198, %dma_wait3A_235] : memref<10000x128xf32, #tpu.memory_space<vmem_shared>> -> memref<32x128xf32, #tpu.memory_space<vmem_shared>>
        tpu.wait_dma2 semaphore(%run_scoped3A : memref<!tpu.dma_semaphore, #tpu.memory_space<semaphore_mem>>) src(%arg22 : memref<32x128xf32, #tpu.memory_space<vmem>>) dst(%dma_wait3A_236 : memref<32x128xf32, #tpu.memory_space<vmem_shared>>)
        tpu.yield
      }) : () -> ()
      %add3A_199 = arith.constant 160 : i32
      %add3A_200 = arith.addi %mul3A_2, %add3A_199 : i32
      "tpu.region"() ({
        %run_scoped3A = tpu.sem_alloc : memref<!tpu.dma_semaphore, #tpu.memory_space<semaphore_mem>>
        %dma_start3A_229 = arith.constant 0 : i32
        %dma_start3A_230 = tpu.memref_slice %arg27[%add3A_200, %dma_start3A_229] : memref<10000x128xf32, #tpu.memory_space<vmem_shared>> -> memref<32x128xf32, #tpu.memory_space<vmem_shared>>
        %dma_start3A_231 = arith.constant 0 : i32
        %dma_start3A_232 = tpu.memref_slice %arg27[%add3A_200, %dma_start3A_231] : memref<10000x128xf32, #tpu.memory_space<vmem_shared>> -> memref<32x128xf32, #tpu.memory_space<vmem_shared>>
        tpu.enqueue_dma source(%arg22 : memref<32x128xf32, #tpu.memory_space<vmem>>) target(%dma_start3A_232 : memref<32x128xf32, #tpu.memory_space<vmem_shared>>) target_semaphore(%run_scoped3A : memref<!tpu.dma_semaphore, #tpu.memory_space<semaphore_mem>>)
        %dma_wait3A_233 = arith.constant 0 : i32
        %dma_wait3A_234 = tpu.memref_slice %arg27[%add3A_200, %dma_wait3A_233] : memref<10000x128xf32, #tpu.memory_space<vmem_shared>> -> memref<32x128xf32, #tpu.memory_space<vmem_shared>>
        %dma_wait3A_235 = arith.constant 0 : i32
        %dma_wait3A_236 = tpu.memref_slice %arg27[%add3A_200, %dma_wait3A_235] : memref<10000x128xf32, #tpu.memory_space<vmem_shared>> -> memref<32x128xf32, #tpu.memory_space<vmem_shared>>
        tpu.wait_dma2 semaphore(%run_scoped3A : memref<!tpu.dma_semaphore, #tpu.memory_space<semaphore_mem>>) src(%arg22 : memref<32x128xf32, #tpu.memory_space<vmem>>) dst(%dma_wait3A_236 : memref<32x128xf32, #tpu.memory_space<vmem_shared>>)
        tpu.yield
      }) : () -> ()
      %add3A_201 = arith.constant 192 : i32
      %add3A_202 = arith.addi %mul3A_2, %add3A_201 : i32
      "tpu.region"() ({
        %run_scoped3A = tpu.sem_alloc : memref<!tpu.dma_semaphore, #tpu.memory_space<semaphore_mem>>
        %dma_start3A_229 = arith.constant 0 : i32
        %dma_start3A_230 = tpu.memref_slice %arg27[%add3A_202, %dma_start3A_229] : memref<10000x128xf32, #tpu.memory_space<vmem_shared>> -> memref<32x128xf32, #tpu.memory_space<vmem_shared>>
        %dma_start3A_231 = arith.constant 0 : i32
        %dma_start3A_232 = tpu.memref_slice %arg27[%add3A_202, %dma_start3A_231] : memref<10000x128xf32, #tpu.memory_space<vmem_shared>> -> memref<32x128xf32, #tpu.memory_space<vmem_shared>>
        tpu.enqueue_dma source(%arg22 : memref<32x128xf32, #tpu.memory_space<vmem>>) target(%dma_start3A_232 : memref<32x128xf32, #tpu.memory_space<vmem_shared>>) target_semaphore(%run_scoped3A : memref<!tpu.dma_semaphore, #tpu.memory_space<semaphore_mem>>)
        %dma_wait3A_233 = arith.constant 0 : i32
        %dma_wait3A_234 = tpu.memref_slice %arg27[%add3A_202, %dma_wait3A_233] : memref<10000x128xf32, #tpu.memory_space<vmem_shared>> -> memref<32x128xf32, #tpu.memory_space<vmem_shared>>
        %dma_wait3A_235 = arith.constant 0 : i32
        %dma_wait3A_236 = tpu.memref_slice %arg27[%add3A_202, %dma_wait3A_235] : memref<10000x128xf32, #tpu.memory_space<vmem_shared>> -> memref<32x128xf32, #tpu.memory_space<vmem_shared>>
        tpu.wait_dma2 semaphore(%run_scoped3A : memref<!tpu.dma_semaphore, #tpu.memory_space<semaphore_mem>>) src(%arg22 : memref<32x128xf32, #tpu.memory_space<vmem>>) dst(%dma_wait3A_236 : memref<32x128xf32, #tpu.memory_space<vmem_shared>>)
        tpu.yield
      }) : () -> ()
      %add3A_203 = arith.constant 224 : i32
      %add3A_204 = arith.addi %mul3A_2, %add3A_203 : i32
      "tpu.region"() ({
        %run_scoped3A = tpu.sem_alloc : memref<!tpu.dma_semaphore, #tpu.memory_space<semaphore_mem>>
        %dma_start3A_229 = arith.constant 0 : i32
        %dma_start3A_230 = tpu.memref_slice %arg27[%add3A_204, %dma_start3A_229] : memref<10000x128xf32, #tpu.memory_space<vmem_shared>> -> memref<32x128xf32, #tpu.memory_space<vmem_shared>>
        %dma_start3A_231 = arith.constant 0 : i32
        %dma_start3A_232 = tpu.memref_slice %arg27[%add3A_204, %dma_start3A_231] : memref<10000x128xf32, #tpu.memory_space<vmem_shared>> -> memref<32x128xf32, #tpu.memory_space<vmem_shared>>
        tpu.enqueue_dma source(%arg22 : memref<32x128xf32, #tpu.memory_space<vmem>>) target(%dma_start3A_232 : memref<32x128xf32, #tpu.memory_space<vmem_shared>>) target_semaphore(%run_scoped3A : memref<!tpu.dma_semaphore, #tpu.memory_space<semaphore_mem>>)
        %dma_wait3A_233 = arith.constant 0 : i32
        %dma_wait3A_234 = tpu.memref_slice %arg27[%add3A_204, %dma_wait3A_233] : memref<10000x128xf32, #tpu.memory_space<vmem_shared>> -> memref<32x128xf32, #tpu.memory_space<vmem_shared>>
        %dma_wait3A_235 = arith.constant 0 : i32
        %dma_wait3A_236 = tpu.memref_slice %arg27[%add3A_204, %dma_wait3A_235] : memref<10000x128xf32, #tpu.memory_space<vmem_shared>> -> memref<32x128xf32, #tpu.memory_space<vmem_shared>>
        tpu.wait_dma2 semaphore(%run_scoped3A : memref<!tpu.dma_semaphore, #tpu.memory_space<semaphore_mem>>) src(%arg22 : memref<32x128xf32, #tpu.memory_space<vmem>>) dst(%dma_wait3A_236 : memref<32x128xf32, #tpu.memory_space<vmem_shared>>)
        tpu.yield
      }) : () -> ()
      %add3A_205 = arith.constant 256 : i32
      %add3A_206 = arith.addi %mul3A_2, %add3A_205 : i32
      "tpu.region"() ({
        %run_scoped3A = tpu.sem_alloc : memref<!tpu.dma_semaphore, #tpu.memory_space<semaphore_mem>>
        %dma_start3A_229 = arith.constant 0 : i32
        %dma_start3A_230 = tpu.memref_slice %arg27[%add3A_206, %dma_start3A_229] : memref<10000x128xf32, #tpu.memory_space<vmem_shared>> -> memref<32x128xf32, #tpu.memory_space<vmem_shared>>
        %dma_start3A_231 = arith.constant 0 : i32
        %dma_start3A_232 = tpu.memref_slice %arg27[%add3A_206, %dma_start3A_231] : memref<10000x128xf32, #tpu.memory_space<vmem_shared>> -> memref<32x128xf32, #tpu.memory_space<vmem_shared>>
        tpu.enqueue_dma source(%arg22 : memref<32x128xf32, #tpu.memory_space<vmem>>) target(%dma_start3A_232 : memref<32x128xf32, #tpu.memory_space<vmem_shared>>) target_semaphore(%run_scoped3A : memref<!tpu.dma_semaphore, #tpu.memory_space<semaphore_mem>>)
        %dma_wait3A_233 = arith.constant 0 : i32
        %dma_wait3A_234 = tpu.memref_slice %arg27[%add3A_206, %dma_wait3A_233] : memref<10000x128xf32, #tpu.memory_space<vmem_shared>> -> memref<32x128xf32, #tpu.memory_space<vmem_shared>>
        %dma_wait3A_235 = arith.constant 0 : i32
        %dma_wait3A_236 = tpu.memref_slice %arg27[%add3A_206, %dma_wait3A_235] : memref<10000x128xf32, #tpu.memory_space<vmem_shared>> -> memref<32x128xf32, #tpu.memory_space<vmem_shared>>
        tpu.wait_dma2 semaphore(%run_scoped3A : memref<!tpu.dma_semaphore, #tpu.memory_space<semaphore_mem>>) src(%arg22 : memref<32x128xf32, #tpu.memory_space<vmem>>) dst(%dma_wait3A_236 : memref<32x128xf32, #tpu.memory_space<vmem_shared>>)
        tpu.yield
      }) : () -> ()
      %add3A_207 = arith.constant 288 : i32
      %add3A_208 = arith.addi %mul3A_2, %add3A_207 : i32
      "tpu.region"() ({
        %run_scoped3A = tpu.sem_alloc : memref<!tpu.dma_semaphore, #tpu.memory_space<semaphore_mem>>
        %dma_start3A_229 = arith.constant 0 : i32
        %dma_start3A_230 = tpu.memref_slice %arg27[%add3A_208, %dma_start3A_229] : memref<10000x128xf32, #tpu.memory_space<vmem_shared>> -> memref<32x128xf32, #tpu.memory_space<vmem_shared>>
        %dma_start3A_231 = arith.constant 0 : i32
        %dma_start3A_232 = tpu.memref_slice %arg27[%add3A_208, %dma_start3A_231] : memref<10000x128xf32, #tpu.memory_space<vmem_shared>> -> memref<32x128xf32, #tpu.memory_space<vmem_shared>>
        tpu.enqueue_dma source(%arg22 : memref<32x128xf32, #tpu.memory_space<vmem>>) target(%dma_start3A_232 : memref<32x128xf32, #tpu.memory_space<vmem_shared>>) target_semaphore(%run_scoped3A : memref<!tpu.dma_semaphore, #tpu.memory_space<semaphore_mem>>)
        %dma_wait3A_233 = arith.constant 0 : i32
        %dma_wait3A_234 = tpu.memref_slice %arg27[%add3A_208, %dma_wait3A_233] : memref<10000x128xf32, #tpu.memory_space<vmem_shared>> -> memref<32x128xf32, #tpu.memory_space<vmem_shared>>
        %dma_wait3A_235 = arith.constant 0 : i32
        %dma_wait3A_236 = tpu.memref_slice %arg27[%add3A_208, %dma_wait3A_235] : memref<10000x128xf32, #tpu.memory_space<vmem_shared>> -> memref<32x128xf32, #tpu.memory_space<vmem_shared>>
        tpu.wait_dma2 semaphore(%run_scoped3A : memref<!tpu.dma_semaphore, #tpu.memory_space<semaphore_mem>>) src(%arg22 : memref<32x128xf32, #tpu.memory_space<vmem>>) dst(%dma_wait3A_236 : memref<32x128xf32, #tpu.memory_space<vmem_shared>>)
        tpu.yield
      }) : () -> ()
      %add3A_209 = arith.constant 320 : i32
      %add3A_210 = arith.addi %mul3A_2, %add3A_209 : i32
      "tpu.region"() ({
        %run_scoped3A = tpu.sem_alloc : memref<!tpu.dma_semaphore, #tpu.memory_space<semaphore_mem>>
        %dma_start3A_229 = arith.constant 0 : i32
        %dma_start3A_230 = tpu.memref_slice %arg27[%add3A_210, %dma_start3A_229] : memref<10000x128xf32, #tpu.memory_space<vmem_shared>> -> memref<32x128xf32, #tpu.memory_space<vmem_shared>>
        %dma_start3A_231 = arith.constant 0 : i32
        %dma_start3A_232 = tpu.memref_slice %arg27[%add3A_210, %dma_start3A_231] : memref<10000x128xf32, #tpu.memory_space<vmem_shared>> -> memref<32x128xf32, #tpu.memory_space<vmem_shared>>
        tpu.enqueue_dma source(%arg22 : memref<32x128xf32, #tpu.memory_space<vmem>>) target(%dma_start3A_232 : memref<32x128xf32, #tpu.memory_space<vmem_shared>>) target_semaphore(%run_scoped3A : memref<!tpu.dma_semaphore, #tpu.memory_space<semaphore_mem>>)
        %dma_wait3A_233 = arith.constant 0 : i32
        %dma_wait3A_234 = tpu.memref_slice %arg27[%add3A_210, %dma_wait3A_233] : memref<10000x128xf32, #tpu.memory_space<vmem_shared>> -> memref<32x128xf32, #tpu.memory_space<vmem_shared>>
        %dma_wait3A_235 = arith.constant 0 : i32
        %dma_wait3A_236 = tpu.memref_slice %arg27[%add3A_210, %dma_wait3A_235] : memref<10000x128xf32, #tpu.memory_space<vmem_shared>> -> memref<32x128xf32, #tpu.memory_space<vmem_shared>>
        tpu.wait_dma2 semaphore(%run_scoped3A : memref<!tpu.dma_semaphore, #tpu.memory_space<semaphore_mem>>) src(%arg22 : memref<32x128xf32, #tpu.memory_space<vmem>>) dst(%dma_wait3A_236 : memref<32x128xf32, #tpu.memory_space<vmem_shared>>)
        tpu.yield
      }) : () -> ()
      %add3A_211 = arith.constant 352 : i32
      %add3A_212 = arith.addi %mul3A_2, %add3A_211 : i32
      "tpu.region"() ({
        %run_scoped3A = tpu.sem_alloc : memref<!tpu.dma_semaphore, #tpu.memory_space<semaphore_mem>>
        %dma_start3A_229 = arith.constant 0 : i32
        %dma_start3A_230 = tpu.memref_slice %arg27[%add3A_212, %dma_start3A_229] : memref<10000x128xf32, #tpu.memory_space<vmem_shared>> -> memref<32x128xf32, #tpu.memory_space<vmem_shared>>
        %dma_start3A_231 = arith.constant 0 : i32
        %dma_start3A_232 = tpu.memref_slice %arg27[%add3A_212, %dma_start3A_231] : memref<10000x128xf32, #tpu.memory_space<vmem_shared>> -> memref<32x128xf32, #tpu.memory_space<vmem_shared>>
        tpu.enqueue_dma source(%arg22 : memref<32x128xf32, #tpu.memory_space<vmem>>) target(%dma_start3A_232 : memref<32x128xf32, #tpu.memory_space<vmem_shared>>) target_semaphore(%run_scoped3A : memref<!tpu.dma_semaphore, #tpu.memory_space<semaphore_mem>>)
        %dma_wait3A_233 = arith.constant 0 : i32
        %dma_wait3A_234 = tpu.memref_slice %arg27[%add3A_212, %dma_wait3A_233] : memref<10000x128xf32, #tpu.memory_space<vmem_shared>> -> memref<32x128xf32, #tpu.memory_space<vmem_shared>>
        %dma_wait3A_235 = arith.constant 0 : i32
        %dma_wait3A_236 = tpu.memref_slice %arg27[%add3A_212, %dma_wait3A_235] : memref<10000x128xf32, #tpu.memory_space<vmem_shared>> -> memref<32x128xf32, #tpu.memory_space<vmem_shared>>
        tpu.wait_dma2 semaphore(%run_scoped3A : memref<!tpu.dma_semaphore, #tpu.memory_space<semaphore_mem>>) src(%arg22 : memref<32x128xf32, #tpu.memory_space<vmem>>) dst(%dma_wait3A_236 : memref<32x128xf32, #tpu.memory_space<vmem_shared>>)
        tpu.yield
      }) : () -> ()
      %add3A_213 = arith.constant 384 : i32
      %add3A_214 = arith.addi %mul3A_2, %add3A_213 : i32
      "tpu.region"() ({
        %run_scoped3A = tpu.sem_alloc : memref<!tpu.dma_semaphore, #tpu.memory_space<semaphore_mem>>
        %dma_start3A_229 = arith.constant 0 : i32
        %dma_start3A_230 = tpu.memref_slice %arg27[%add3A_214, %dma_start3A_229] : memref<10000x128xf32, #tpu.memory_space<vmem_shared>> -> memref<32x128xf32, #tpu.memory_space<vmem_shared>>
        %dma_start3A_231 = arith.constant 0 : i32
        %dma_start3A_232 = tpu.memref_slice %arg27[%add3A_214, %dma_start3A_231] : memref<10000x128xf32, #tpu.memory_space<vmem_shared>> -> memref<32x128xf32, #tpu.memory_space<vmem_shared>>
        tpu.enqueue_dma source(%arg22 : memref<32x128xf32, #tpu.memory_space<vmem>>) target(%dma_start3A_232 : memref<32x128xf32, #tpu.memory_space<vmem_shared>>) target_semaphore(%run_scoped3A : memref<!tpu.dma_semaphore, #tpu.memory_space<semaphore_mem>>)
        %dma_wait3A_233 = arith.constant 0 : i32
        %dma_wait3A_234 = tpu.memref_slice %arg27[%add3A_214, %dma_wait3A_233] : memref<10000x128xf32, #tpu.memory_space<vmem_shared>> -> memref<32x128xf32, #tpu.memory_space<vmem_shared>>
        %dma_wait3A_235 = arith.constant 0 : i32
        %dma_wait3A_236 = tpu.memref_slice %arg27[%add3A_214, %dma_wait3A_235] : memref<10000x128xf32, #tpu.memory_space<vmem_shared>> -> memref<32x128xf32, #tpu.memory_space<vmem_shared>>
        tpu.wait_dma2 semaphore(%run_scoped3A : memref<!tpu.dma_semaphore, #tpu.memory_space<semaphore_mem>>) src(%arg22 : memref<32x128xf32, #tpu.memory_space<vmem>>) dst(%dma_wait3A_236 : memref<32x128xf32, #tpu.memory_space<vmem_shared>>)
        tpu.yield
      }) : () -> ()
      %add3A_215 = arith.constant 416 : i32
      %add3A_216 = arith.addi %mul3A_2, %add3A_215 : i32
      "tpu.region"() ({
        %run_scoped3A = tpu.sem_alloc : memref<!tpu.dma_semaphore, #tpu.memory_space<semaphore_mem>>
        %dma_start3A_229 = arith.constant 0 : i32
        %dma_start3A_230 = tpu.memref_slice %arg27[%add3A_216, %dma_start3A_229] : memref<10000x128xf32, #tpu.memory_space<vmem_shared>> -> memref<32x128xf32, #tpu.memory_space<vmem_shared>>
        %dma_start3A_231 = arith.constant 0 : i32
        %dma_start3A_232 = tpu.memref_slice %arg27[%add3A_216, %dma_start3A_231] : memref<10000x128xf32, #tpu.memory_space<vmem_shared>> -> memref<32x128xf32, #tpu.memory_space<vmem_shared>>
        tpu.enqueue_dma source(%arg22 : memref<32x128xf32, #tpu.memory_space<vmem>>) target(%dma_start3A_232 : memref<32x128xf32, #tpu.memory_space<vmem_shared>>) target_semaphore(%run_scoped3A : memref<!tpu.dma_semaphore, #tpu.memory_space<semaphore_mem>>)
        %dma_wait3A_233 = arith.constant 0 : i32
        %dma_wait3A_234 = tpu.memref_slice %arg27[%add3A_216, %dma_wait3A_233] : memref<10000x128xf32, #tpu.memory_space<vmem_shared>> -> memref<32x128xf32, #tpu.memory_space<vmem_shared>>
        %dma_wait3A_235 = arith.constant 0 : i32
        %dma_wait3A_236 = tpu.memref_slice %arg27[%add3A_216, %dma_wait3A_235] : memref<10000x128xf32, #tpu.memory_space<vmem_shared>> -> memref<32x128xf32, #tpu.memory_space<vmem_shared>>
        tpu.wait_dma2 semaphore(%run_scoped3A : memref<!tpu.dma_semaphore, #tpu.memory_space<semaphore_mem>>) src(%arg22 : memref<32x128xf32, #tpu.memory_space<vmem>>) dst(%dma_wait3A_236 : memref<32x128xf32, #tpu.memory_space<vmem_shared>>)
        tpu.yield
      }) : () -> ()
      %add3A_217 = arith.constant 448 : i32
      %add3A_218 = arith.addi %mul3A_2, %add3A_217 : i32
      "tpu.region"() ({
        %run_scoped3A = tpu.sem_alloc : memref<!tpu.dma_semaphore, #tpu.memory_space<semaphore_mem>>
        %dma_start3A_229 = arith.constant 0 : i32
        %dma_start3A_230 = tpu.memref_slice %arg27[%add3A_218, %dma_start3A_229] : memref<10000x128xf32, #tpu.memory_space<vmem_shared>> -> memref<32x128xf32, #tpu.memory_space<vmem_shared>>
        %dma_start3A_231 = arith.constant 0 : i32
        %dma_start3A_232 = tpu.memref_slice %arg27[%add3A_218, %dma_start3A_231] : memref<10000x128xf32, #tpu.memory_space<vmem_shared>> -> memref<32x128xf32, #tpu.memory_space<vmem_shared>>
        tpu.enqueue_dma source(%arg22 : memref<32x128xf32, #tpu.memory_space<vmem>>) target(%dma_start3A_232 : memref<32x128xf32, #tpu.memory_space<vmem_shared>>) target_semaphore(%run_scoped3A : memref<!tpu.dma_semaphore, #tpu.memory_space<semaphore_mem>>)
        %dma_wait3A_233 = arith.constant 0 : i32
        %dma_wait3A_234 = tpu.memref_slice %arg27[%add3A_218, %dma_wait3A_233] : memref<10000x128xf32, #tpu.memory_space<vmem_shared>> -> memref<32x128xf32, #tpu.memory_space<vmem_shared>>
        %dma_wait3A_235 = arith.constant 0 : i32
        %dma_wait3A_236 = tpu.memref_slice %arg27[%add3A_218, %dma_wait3A_235] : memref<10000x128xf32, #tpu.memory_space<vmem_shared>> -> memref<32x128xf32, #tpu.memory_space<vmem_shared>>
        tpu.wait_dma2 semaphore(%run_scoped3A : memref<!tpu.dma_semaphore, #tpu.memory_space<semaphore_mem>>) src(%arg22 : memref<32x128xf32, #tpu.memory_space<vmem>>) dst(%dma_wait3A_236 : memref<32x128xf32, #tpu.memory_space<vmem_shared>>)
        tpu.yield
      }) : () -> ()
      %add3A_219 = arith.constant 480 : i32
      %add3A_220 = arith.addi %mul3A_2, %add3A_219 : i32
      "tpu.region"() ({
        %run_scoped3A = tpu.sem_alloc : memref<!tpu.dma_semaphore, #tpu.memory_space<semaphore_mem>>
        %dma_start3A_229 = arith.constant 0 : i32
        %dma_start3A_230 = tpu.memref_slice %arg27[%add3A_220, %dma_start3A_229] : memref<10000x128xf32, #tpu.memory_space<vmem_shared>> -> memref<32x128xf32, #tpu.memory_space<vmem_shared>>
        %dma_start3A_231 = arith.constant 0 : i32
        %dma_start3A_232 = tpu.memref_slice %arg27[%add3A_220, %dma_start3A_231] : memref<10000x128xf32, #tpu.memory_space<vmem_shared>> -> memref<32x128xf32, #tpu.memory_space<vmem_shared>>
        tpu.enqueue_dma source(%arg22 : memref<32x128xf32, #tpu.memory_space<vmem>>) target(%dma_start3A_232 : memref<32x128xf32, #tpu.memory_space<vmem_shared>>) target_semaphore(%run_scoped3A : memref<!tpu.dma_semaphore, #tpu.memory_space<semaphore_mem>>)
        %dma_wait3A_233 = arith.constant 0 : i32
        %dma_wait3A_234 = tpu.memref_slice %arg27[%add3A_220, %dma_wait3A_233] : memref<10000x128xf32, #tpu.memory_space<vmem_shared>> -> memref<32x128xf32, #tpu.memory_space<vmem_shared>>
        %dma_wait3A_235 = arith.constant 0 : i32
        %dma_wait3A_236 = tpu.memref_slice %arg27[%add3A_220, %dma_wait3A_235] : memref<10000x128xf32, #tpu.memory_space<vmem_shared>> -> memref<32x128xf32, #tpu.memory_space<vmem_shared>>
        tpu.wait_dma2 semaphore(%run_scoped3A : memref<!tpu.dma_semaphore, #tpu.memory_space<semaphore_mem>>) src(%arg22 : memref<32x128xf32, #tpu.memory_space<vmem>>) dst(%dma_wait3A_236 : memref<32x128xf32, #tpu.memory_space<vmem_shared>>)
        tpu.yield
      }) : () -> ()
      %add3A_221 = arith.constant 512 : i32
      %add3A_222 = arith.addi %mul3A_2, %add3A_221 : i32
      "tpu.region"() ({
        %run_scoped3A = tpu.sem_alloc : memref<!tpu.dma_semaphore, #tpu.memory_space<semaphore_mem>>
        %dma_start3A_229 = arith.constant 0 : i32
        %dma_start3A_230 = tpu.memref_slice %arg27[%add3A_222, %dma_start3A_229] : memref<10000x128xf32, #tpu.memory_space<vmem_shared>> -> memref<32x128xf32, #tpu.memory_space<vmem_shared>>
        %dma_start3A_231 = arith.constant 0 : i32
        %dma_start3A_232 = tpu.memref_slice %arg27[%add3A_222, %dma_start3A_231] : memref<10000x128xf32, #tpu.memory_space<vmem_shared>> -> memref<32x128xf32, #tpu.memory_space<vmem_shared>>
        tpu.enqueue_dma source(%arg22 : memref<32x128xf32, #tpu.memory_space<vmem>>) target(%dma_start3A_232 : memref<32x128xf32, #tpu.memory_space<vmem_shared>>) target_semaphore(%run_scoped3A : memref<!tpu.dma_semaphore, #tpu.memory_space<semaphore_mem>>)
        %dma_wait3A_233 = arith.constant 0 : i32
        %dma_wait3A_234 = tpu.memref_slice %arg27[%add3A_222, %dma_wait3A_233] : memref<10000x128xf32, #tpu.memory_space<vmem_shared>> -> memref<32x128xf32, #tpu.memory_space<vmem_shared>>
        %dma_wait3A_235 = arith.constant 0 : i32
        %dma_wait3A_236 = tpu.memref_slice %arg27[%add3A_222, %dma_wait3A_235] : memref<10000x128xf32, #tpu.memory_space<vmem_shared>> -> memref<32x128xf32, #tpu.memory_space<vmem_shared>>
        tpu.wait_dma2 semaphore(%run_scoped3A : memref<!tpu.dma_semaphore, #tpu.memory_space<semaphore_mem>>) src(%arg22 : memref<32x128xf32, #tpu.memory_space<vmem>>) dst(%dma_wait3A_236 : memref<32x128xf32, #tpu.memory_space<vmem_shared>>)
        tpu.yield
      }) : () -> ()
      %add3A_223 = arith.constant 544 : i32
      %add3A_224 = arith.addi %mul3A_2, %add3A_223 : i32
      "tpu.region"() ({
        %run_scoped3A = tpu.sem_alloc : memref<!tpu.dma_semaphore, #tpu.memory_space<semaphore_mem>>
        %dma_start3A_229 = arith.constant 0 : i32
        %dma_start3A_230 = tpu.memref_slice %arg27[%add3A_224, %dma_start3A_229] : memref<10000x128xf32, #tpu.memory_space<vmem_shared>> -> memref<32x128xf32, #tpu.memory_space<vmem_shared>>
        %dma_start3A_231 = arith.constant 0 : i32
        %dma_start3A_232 = tpu.memref_slice %arg27[%add3A_224, %dma_start3A_231] : memref<10000x128xf32, #tpu.memory_space<vmem_shared>> -> memref<32x128xf32, #tpu.memory_space<vmem_shared>>
        tpu.enqueue_dma source(%arg22 : memref<32x128xf32, #tpu.memory_space<vmem>>) target(%dma_start3A_232 : memref<32x128xf32, #tpu.memory_space<vmem_shared>>) target_semaphore(%run_scoped3A : memref<!tpu.dma_semaphore, #tpu.memory_space<semaphore_mem>>)
        %dma_wait3A_233 = arith.constant 0 : i32
        %dma_wait3A_234 = tpu.memref_slice %arg27[%add3A_224, %dma_wait3A_233] : memref<10000x128xf32, #tpu.memory_space<vmem_shared>> -> memref<32x128xf32, #tpu.memory_space<vmem_shared>>
        %dma_wait3A_235 = arith.constant 0 : i32
        %dma_wait3A_236 = tpu.memref_slice %arg27[%add3A_224, %dma_wait3A_235] : memref<10000x128xf32, #tpu.memory_space<vmem_shared>> -> memref<32x128xf32, #tpu.memory_space<vmem_shared>>
        tpu.wait_dma2 semaphore(%run_scoped3A : memref<!tpu.dma_semaphore, #tpu.memory_space<semaphore_mem>>) src(%arg22 : memref<32x128xf32, #tpu.memory_space<vmem>>) dst(%dma_wait3A_236 : memref<32x128xf32, #tpu.memory_space<vmem_shared>>)
        tpu.yield
      }) : () -> ()
      %add3A_225 = arith.constant 576 : i32
      %add3A_226 = arith.addi %mul3A_2, %add3A_225 : i32
      "tpu.region"() ({
        %run_scoped3A = tpu.sem_alloc : memref<!tpu.dma_semaphore, #tpu.memory_space<semaphore_mem>>
        %dma_start3A_229 = arith.constant 0 : i32
        %dma_start3A_230 = tpu.memref_slice %arg27[%add3A_226, %dma_start3A_229] : memref<10000x128xf32, #tpu.memory_space<vmem_shared>> -> memref<32x128xf32, #tpu.memory_space<vmem_shared>>
        %dma_start3A_231 = arith.constant 0 : i32
        %dma_start3A_232 = tpu.memref_slice %arg27[%add3A_226, %dma_start3A_231] : memref<10000x128xf32, #tpu.memory_space<vmem_shared>> -> memref<32x128xf32, #tpu.memory_space<vmem_shared>>
        tpu.enqueue_dma source(%arg22 : memref<32x128xf32, #tpu.memory_space<vmem>>) target(%dma_start3A_232 : memref<32x128xf32, #tpu.memory_space<vmem_shared>>) target_semaphore(%run_scoped3A : memref<!tpu.dma_semaphore, #tpu.memory_space<semaphore_mem>>)
        %dma_wait3A_233 = arith.constant 0 : i32
        %dma_wait3A_234 = tpu.memref_slice %arg27[%add3A_226, %dma_wait3A_233] : memref<10000x128xf32, #tpu.memory_space<vmem_shared>> -> memref<32x128xf32, #tpu.memory_space<vmem_shared>>
        %dma_wait3A_235 = arith.constant 0 : i32
        %dma_wait3A_236 = tpu.memref_slice %arg27[%add3A_226, %dma_wait3A_235] : memref<10000x128xf32, #tpu.memory_space<vmem_shared>> -> memref<32x128xf32, #tpu.memory_space<vmem_shared>>
        tpu.wait_dma2 semaphore(%run_scoped3A : memref<!tpu.dma_semaphore, #tpu.memory_space<semaphore_mem>>) src(%arg22 : memref<32x128xf32, #tpu.memory_space<vmem>>) dst(%dma_wait3A_236 : memref<32x128xf32, #tpu.memory_space<vmem_shared>>)
        tpu.yield
      }) : () -> ()
      %add3A_227 = arith.constant 608 : i32
      %add3A_228 = arith.addi %mul3A_2, %add3A_227 : i32
      "tpu.region"() ({
        %run_scoped3A = tpu.sem_alloc : memref<!tpu.dma_semaphore, #tpu.memory_space<semaphore_mem>>
        %dma_start3A_229 = arith.constant 0 : i32
        %dma_start3A_230 = arith.constant 0 : i32
        %dma_start3A_231 = tpu.memref_slice %arg22[%dma_start3A_229, %dma_start3A_230] : memref<32x128xf32, #tpu.memory_space<vmem>> -> memref<24x128xf32, #tpu.memory_space<vmem>>
        %dma_start3A_232 = arith.constant 0 : i32
        %dma_start3A_233 = tpu.memref_slice %arg27[%add3A_228, %dma_start3A_232] : memref<10000x128xf32, #tpu.memory_space<vmem_shared>> -> memref<24x128xf32, #tpu.memory_space<vmem_shared>>
        %dma_start3A_234 = arith.constant 0 : i32
        %dma_start3A_235 = tpu.memref_slice %arg27[%add3A_228, %dma_start3A_234] : memref<10000x128xf32, #tpu.memory_space<vmem_shared>> -> memref<24x128xf32, #tpu.memory_space<vmem_shared>>
        %dma_start3A_236 = arith.constant 0 : i32
        %dma_start3A_237 = arith.constant 0 : i32
        %dma_start3A_238 = tpu.memref_slice %arg22[%dma_start3A_236, %dma_start3A_237] : memref<32x128xf32, #tpu.memory_space<vmem>> -> memref<24x128xf32, #tpu.memory_space<vmem>>
        tpu.enqueue_dma source(%dma_start3A_238 : memref<24x128xf32, #tpu.memory_space<vmem>>) target(%dma_start3A_235 : memref<24x128xf32, #tpu.memory_space<vmem_shared>>) target_semaphore(%run_scoped3A : memref<!tpu.dma_semaphore, #tpu.memory_space<semaphore_mem>>)
        %dma_wait3A_239 = arith.constant 0 : i32
        %dma_wait3A_240 = arith.constant 0 : i32
        %dma_wait3A_241 = tpu.memref_slice %arg22[%dma_wait3A_239, %dma_wait3A_240] : memref<32x128xf32, #tpu.memory_space<vmem>> -> memref<24x128xf32, #tpu.memory_space<vmem>>
        %dma_wait3A_242 = arith.constant 0 : i32
        %dma_wait3A_243 = tpu.memref_slice %arg27[%add3A_228, %dma_wait3A_242] : memref<10000x128xf32, #tpu.memory_space<vmem_shared>> -> memref<24x128xf32, #tpu.memory_space<vmem_shared>>
        %dma_wait3A_244 = arith.constant 0 : i32
        %dma_wait3A_245 = tpu.memref_slice %arg27[%add3A_228, %dma_wait3A_244] : memref<10000x128xf32, #tpu.memory_space<vmem_shared>> -> memref<24x128xf32, #tpu.memory_space<vmem_shared>>
        %dma_wait3A_246 = arith.constant 0 : i32
        %dma_wait3A_247 = arith.constant 0 : i32
        %dma_wait3A_248 = tpu.memref_slice %arg22[%dma_wait3A_246, %dma_wait3A_247] : memref<32x128xf32, #tpu.memory_space<vmem>> -> memref<24x128xf32, #tpu.memory_space<vmem>>
        tpu.wait_dma2 semaphore(%run_scoped3A : memref<!tpu.dma_semaphore, #tpu.memory_space<semaphore_mem>>) src(%dma_wait3A_248 : memref<24x128xf32, #tpu.memory_space<vmem>>) dst(%dma_wait3A_245 : memref<24x128xf32, #tpu.memory_space<vmem_shared>>)
        tpu.yield
      }) : () -> ()
    } else {
    }
    %eq3A = arith.constant 15 : i32
    %eq3A_17 = arith.cmpi eq, %arg1, %eq3A : i32
    %convert_element_type3A_18 = arith.extui %eq3A_17 : i1 to i32
    %cond3A_19 = arith.constant 0 : i32
    %cond3A_20 = arith.cmpi ne, %convert_element_type3A_18, %cond3A_19 : i32
    scf.if %cond3A_20 {
      %add3A_189 = arith.constant 0 : i32
      %add3A_190 = arith.addi %mul3A_2, %add3A_189 : i32
      "tpu.region"() ({
        %run_scoped3A = tpu.sem_alloc : memref<!tpu.dma_semaphore, #tpu.memory_space<semaphore_mem>>
        %dma_start3A_223 = arith.constant 0 : i32
        %dma_start3A_224 = tpu.memref_slice %arg27[%add3A_190, %dma_start3A_223] : memref<10000x128xf32, #tpu.memory_space<vmem_shared>> -> memref<32x128xf32, #tpu.memory_space<vmem_shared>>
        %dma_start3A_225 = arith.constant 0 : i32
        %dma_start3A_226 = tpu.memref_slice %arg27[%add3A_190, %dma_start3A_225] : memref<10000x128xf32, #tpu.memory_space<vmem_shared>> -> memref<32x128xf32, #tpu.memory_space<vmem_shared>>
        tpu.enqueue_dma source(%arg22 : memref<32x128xf32, #tpu.memory_space<vmem>>) target(%dma_start3A_226 : memref<32x128xf32, #tpu.memory_space<vmem_shared>>) target_semaphore(%run_scoped3A : memref<!tpu.dma_semaphore, #tpu.memory_space<semaphore_mem>>)
        %dma_wait3A_227 = arith.constant 0 : i32
        %dma_wait3A_228 = tpu.memref_slice %arg27[%add3A_190, %dma_wait3A_227] : memref<10000x128xf32, #tpu.memory_space<vmem_shared>> -> memref<32x128xf32, #tpu.memory_space<vmem_shared>>
        %dma_wait3A_229 = arith.constant 0 : i32
        %dma_wait3A_230 = tpu.memref_slice %arg27[%add3A_190, %dma_wait3A_229] : memref<10000x128xf32, #tpu.memory_space<vmem_shared>> -> memref<32x128xf32, #tpu.memory_space<vmem_shared>>
        tpu.wait_dma2 semaphore(%run_scoped3A : memref<!tpu.dma_semaphore, #tpu.memory_space<semaphore_mem>>) src(%arg22 : memref<32x128xf32, #tpu.memory_space<vmem>>) dst(%dma_wait3A_230 : memref<32x128xf32, #tpu.memory_space<vmem_shared>>)
        tpu.yield
      }) : () -> ()
      %add3A_191 = arith.constant 32 : i32
      %add3A_192 = arith.addi %mul3A_2, %add3A_191 : i32
      "tpu.region"() ({
        %run_scoped3A = tpu.sem_alloc : memref<!tpu.dma_semaphore, #tpu.memory_space<semaphore_mem>>
        %dma_start3A_223 = arith.constant 0 : i32
        %dma_start3A_224 = tpu.memref_slice %arg27[%add3A_192, %dma_start3A_223] : memref<10000x128xf32, #tpu.memory_space<vmem_shared>> -> memref<32x128xf32, #tpu.memory_space<vmem_shared>>
        %dma_start3A_225 = arith.constant 0 : i32
        %dma_start3A_226 = tpu.memref_slice %arg27[%add3A_192, %dma_start3A_225] : memref<10000x128xf32, #tpu.memory_space<vmem_shared>> -> memref<32x128xf32, #tpu.memory_space<vmem_shared>>
        tpu.enqueue_dma source(%arg22 : memref<32x128xf32, #tpu.memory_space<vmem>>) target(%dma_start3A_226 : memref<32x128xf32, #tpu.memory_space<vmem_shared>>) target_semaphore(%run_scoped3A : memref<!tpu.dma_semaphore, #tpu.memory_space<semaphore_mem>>)
        %dma_wait3A_227 = arith.constant 0 : i32
        %dma_wait3A_228 = tpu.memref_slice %arg27[%add3A_192, %dma_wait3A_227] : memref<10000x128xf32, #tpu.memory_space<vmem_shared>> -> memref<32x128xf32, #tpu.memory_space<vmem_shared>>
        %dma_wait3A_229 = arith.constant 0 : i32
        %dma_wait3A_230 = tpu.memref_slice %arg27[%add3A_192, %dma_wait3A_229] : memref<10000x128xf32, #tpu.memory_space<vmem_shared>> -> memref<32x128xf32, #tpu.memory_space<vmem_shared>>
        tpu.wait_dma2 semaphore(%run_scoped3A : memref<!tpu.dma_semaphore, #tpu.memory_space<semaphore_mem>>) src(%arg22 : memref<32x128xf32, #tpu.memory_space<vmem>>) dst(%dma_wait3A_230 : memref<32x128xf32, #tpu.memory_space<vmem_shared>>)
        tpu.yield
      }) : () -> ()
      %add3A_193 = arith.constant 64 : i32
      %add3A_194 = arith.addi %mul3A_2, %add3A_193 : i32
      "tpu.region"() ({
        %run_scoped3A = tpu.sem_alloc : memref<!tpu.dma_semaphore, #tpu.memory_space<semaphore_mem>>
        %dma_start3A_223 = arith.constant 0 : i32
        %dma_start3A_224 = tpu.memref_slice %arg27[%add3A_194, %dma_start3A_223] : memref<10000x128xf32, #tpu.memory_space<vmem_shared>> -> memref<32x128xf32, #tpu.memory_space<vmem_shared>>
        %dma_start3A_225 = arith.constant 0 : i32
        %dma_start3A_226 = tpu.memref_slice %arg27[%add3A_194, %dma_start3A_225] : memref<10000x128xf32, #tpu.memory_space<vmem_shared>> -> memref<32x128xf32, #tpu.memory_space<vmem_shared>>
        tpu.enqueue_dma source(%arg22 : memref<32x128xf32, #tpu.memory_space<vmem>>) target(%dma_start3A_226 : memref<32x128xf32, #tpu.memory_space<vmem_shared>>) target_semaphore(%run_scoped3A : memref<!tpu.dma_semaphore, #tpu.memory_space<semaphore_mem>>)
        %dma_wait3A_227 = arith.constant 0 : i32
        %dma_wait3A_228 = tpu.memref_slice %arg27[%add3A_194, %dma_wait3A_227] : memref<10000x128xf32, #tpu.memory_space<vmem_shared>> -> memref<32x128xf32, #tpu.memory_space<vmem_shared>>
        %dma_wait3A_229 = arith.constant 0 : i32
        %dma_wait3A_230 = tpu.memref_slice %arg27[%add3A_194, %dma_wait3A_229] : memref<10000x128xf32, #tpu.memory_space<vmem_shared>> -> memref<32x128xf32, #tpu.memory_space<vmem_shared>>
        tpu.wait_dma2 semaphore(%run_scoped3A : memref<!tpu.dma_semaphore, #tpu.memory_space<semaphore_mem>>) src(%arg22 : memref<32x128xf32, #tpu.memory_space<vmem>>) dst(%dma_wait3A_230 : memref<32x128xf32, #tpu.memory_space<vmem_shared>>)
        tpu.yield
      }) : () -> ()
      %add3A_195 = arith.constant 96 : i32
      %add3A_196 = arith.addi %mul3A_2, %add3A_195 : i32
      "tpu.region"() ({
        %run_scoped3A = tpu.sem_alloc : memref<!tpu.dma_semaphore, #tpu.memory_space<semaphore_mem>>
        %dma_start3A_223 = arith.constant 0 : i32
        %dma_start3A_224 = tpu.memref_slice %arg27[%add3A_196, %dma_start3A_223] : memref<10000x128xf32, #tpu.memory_space<vmem_shared>> -> memref<32x128xf32, #tpu.memory_space<vmem_shared>>
        %dma_start3A_225 = arith.constant 0 : i32
        %dma_start3A_226 = tpu.memref_slice %arg27[%add3A_196, %dma_start3A_225] : memref<10000x128xf32, #tpu.memory_space<vmem_shared>> -> memref<32x128xf32, #tpu.memory_space<vmem_shared>>
        tpu.enqueue_dma source(%arg22 : memref<32x128xf32, #tpu.memory_space<vmem>>) target(%dma_start3A_226 : memref<32x128xf32, #tpu.memory_space<vmem_shared>>) target_semaphore(%run_scoped3A : memref<!tpu.dma_semaphore, #tpu.memory_space<semaphore_mem>>)
        %dma_wait3A_227 = arith.constant 0 : i32
        %dma_wait3A_228 = tpu.memref_slice %arg27[%add3A_196, %dma_wait3A_227] : memref<10000x128xf32, #tpu.memory_space<vmem_shared>> -> memref<32x128xf32, #tpu.memory_space<vmem_shared>>
        %dma_wait3A_229 = arith.constant 0 : i32
        %dma_wait3A_230 = tpu.memref_slice %arg27[%add3A_196, %dma_wait3A_229] : memref<10000x128xf32, #tpu.memory_space<vmem_shared>> -> memref<32x128xf32, #tpu.memory_space<vmem_shared>>
        tpu.wait_dma2 semaphore(%run_scoped3A : memref<!tpu.dma_semaphore, #tpu.memory_space<semaphore_mem>>) src(%arg22 : memref<32x128xf32, #tpu.memory_space<vmem>>) dst(%dma_wait3A_230 : memref<32x128xf32, #tpu.memory_space<vmem_shared>>)
        tpu.yield
      }) : () -> ()
      %add3A_197 = arith.constant 128 : i32
      %add3A_198 = arith.addi %mul3A_2, %add3A_197 : i32
      "tpu.region"() ({
        %run_scoped3A = tpu.sem_alloc : memref<!tpu.dma_semaphore, #tpu.memory_space<semaphore_mem>>
        %dma_start3A_223 = arith.constant 0 : i32
        %dma_start3A_224 = tpu.memref_slice %arg27[%add3A_198, %dma_start3A_223] : memref<10000x128xf32, #tpu.memory_space<vmem_shared>> -> memref<32x128xf32, #tpu.memory_space<vmem_shared>>
        %dma_start3A_225 = arith.constant 0 : i32
        %dma_start3A_226 = tpu.memref_slice %arg27[%add3A_198, %dma_start3A_225] : memref<10000x128xf32, #tpu.memory_space<vmem_shared>> -> memref<32x128xf32, #tpu.memory_space<vmem_shared>>
        tpu.enqueue_dma source(%arg22 : memref<32x128xf32, #tpu.memory_space<vmem>>) target(%dma_start3A_226 : memref<32x128xf32, #tpu.memory_space<vmem_shared>>) target_semaphore(%run_scoped3A : memref<!tpu.dma_semaphore, #tpu.memory_space<semaphore_mem>>)
        %dma_wait3A_227 = arith.constant 0 : i32
        %dma_wait3A_228 = tpu.memref_slice %arg27[%add3A_198, %dma_wait3A_227] : memref<10000x128xf32, #tpu.memory_space<vmem_shared>> -> memref<32x128xf32, #tpu.memory_space<vmem_shared>>
        %dma_wait3A_229 = arith.constant 0 : i32
        %dma_wait3A_230 = tpu.memref_slice %arg27[%add3A_198, %dma_wait3A_229] : memref<10000x128xf32, #tpu.memory_space<vmem_shared>> -> memref<32x128xf32, #tpu.memory_space<vmem_shared>>
        tpu.wait_dma2 semaphore(%run_scoped3A : memref<!tpu.dma_semaphore, #tpu.memory_space<semaphore_mem>>) src(%arg22 : memref<32x128xf32, #tpu.memory_space<vmem>>) dst(%dma_wait3A_230 : memref<32x128xf32, #tpu.memory_space<vmem_shared>>)
        tpu.yield
      }) : () -> ()
      %add3A_199 = arith.constant 160 : i32
      %add3A_200 = arith.addi %mul3A_2, %add3A_199 : i32
      "tpu.region"() ({
        %run_scoped3A = tpu.sem_alloc : memref<!tpu.dma_semaphore, #tpu.memory_space<semaphore_mem>>
        %dma_start3A_223 = arith.constant 0 : i32
        %dma_start3A_224 = tpu.memref_slice %arg27[%add3A_200, %dma_start3A_223] : memref<10000x128xf32, #tpu.memory_space<vmem_shared>> -> memref<32x128xf32, #tpu.memory_space<vmem_shared>>
        %dma_start3A_225 = arith.constant 0 : i32
        %dma_start3A_226 = tpu.memref_slice %arg27[%add3A_200, %dma_start3A_225] : memref<10000x128xf32, #tpu.memory_space<vmem_shared>> -> memref<32x128xf32, #tpu.memory_space<vmem_shared>>
        tpu.enqueue_dma source(%arg22 : memref<32x128xf32, #tpu.memory_space<vmem>>) target(%dma_start3A_226 : memref<32x128xf32, #tpu.memory_space<vmem_shared>>) target_semaphore(%run_scoped3A : memref<!tpu.dma_semaphore, #tpu.memory_space<semaphore_mem>>)
        %dma_wait3A_227 = arith.constant 0 : i32
        %dma_wait3A_228 = tpu.memref_slice %arg27[%add3A_200, %dma_wait3A_227] : memref<10000x128xf32, #tpu.memory_space<vmem_shared>> -> memref<32x128xf32, #tpu.memory_space<vmem_shared>>
        %dma_wait3A_229 = arith.constant 0 : i32
        %dma_wait3A_230 = tpu.memref_slice %arg27[%add3A_200, %dma_wait3A_229] : memref<10000x128xf32, #tpu.memory_space<vmem_shared>> -> memref<32x128xf32, #tpu.memory_space<vmem_shared>>
        tpu.wait_dma2 semaphore(%run_scoped3A : memref<!tpu.dma_semaphore, #tpu.memory_space<semaphore_mem>>) src(%arg22 : memref<32x128xf32, #tpu.memory_space<vmem>>) dst(%dma_wait3A_230 : memref<32x128xf32, #tpu.memory_space<vmem_shared>>)
        tpu.yield
      }) : () -> ()
      %add3A_201 = arith.constant 192 : i32
      %add3A_202 = arith.addi %mul3A_2, %add3A_201 : i32
      "tpu.region"() ({
        %run_scoped3A = tpu.sem_alloc : memref<!tpu.dma_semaphore, #tpu.memory_space<semaphore_mem>>
        %dma_start3A_223 = arith.constant 0 : i32
        %dma_start3A_224 = tpu.memref_slice %arg27[%add3A_202, %dma_start3A_223] : memref<10000x128xf32, #tpu.memory_space<vmem_shared>> -> memref<32x128xf32, #tpu.memory_space<vmem_shared>>
        %dma_start3A_225 = arith.constant 0 : i32
        %dma_start3A_226 = tpu.memref_slice %arg27[%add3A_202, %dma_start3A_225] : memref<10000x128xf32, #tpu.memory_space<vmem_shared>> -> memref<32x128xf32, #tpu.memory_space<vmem_shared>>
        tpu.enqueue_dma source(%arg22 : memref<32x128xf32, #tpu.memory_space<vmem>>) target(%dma_start3A_226 : memref<32x128xf32, #tpu.memory_space<vmem_shared>>) target_semaphore(%run_scoped3A : memref<!tpu.dma_semaphore, #tpu.memory_space<semaphore_mem>>)
        %dma_wait3A_227 = arith.constant 0 : i32
        %dma_wait3A_228 = tpu.memref_slice %arg27[%add3A_202, %dma_wait3A_227] : memref<10000x128xf32, #tpu.memory_space<vmem_shared>> -> memref<32x128xf32, #tpu.memory_space<vmem_shared>>
        %dma_wait3A_229 = arith.constant 0 : i32
        %dma_wait3A_230 = tpu.memref_slice %arg27[%add3A_202, %dma_wait3A_229] : memref<10000x128xf32, #tpu.memory_space<vmem_shared>> -> memref<32x128xf32, #tpu.memory_space<vmem_shared>>
        tpu.wait_dma2 semaphore(%run_scoped3A : memref<!tpu.dma_semaphore, #tpu.memory_space<semaphore_mem>>) src(%arg22 : memref<32x128xf32, #tpu.memory_space<vmem>>) dst(%dma_wait3A_230 : memref<32x128xf32, #tpu.memory_space<vmem_shared>>)
        tpu.yield
      }) : () -> ()
      %add3A_203 = arith.constant 224 : i32
      %add3A_204 = arith.addi %mul3A_2, %add3A_203 : i32
      "tpu.region"() ({
        %run_scoped3A = tpu.sem_alloc : memref<!tpu.dma_semaphore, #tpu.memory_space<semaphore_mem>>
        %dma_start3A_223 = arith.constant 0 : i32
        %dma_start3A_224 = tpu.memref_slice %arg27[%add3A_204, %dma_start3A_223] : memref<10000x128xf32, #tpu.memory_space<vmem_shared>> -> memref<32x128xf32, #tpu.memory_space<vmem_shared>>
        %dma_start3A_225 = arith.constant 0 : i32
        %dma_start3A_226 = tpu.memref_slice %arg27[%add3A_204, %dma_start3A_225] : memref<10000x128xf32, #tpu.memory_space<vmem_shared>> -> memref<32x128xf32, #tpu.memory_space<vmem_shared>>
        tpu.enqueue_dma source(%arg22 : memref<32x128xf32, #tpu.memory_space<vmem>>) target(%dma_start3A_226 : memref<32x128xf32, #tpu.memory_space<vmem_shared>>) target_semaphore(%run_scoped3A : memref<!tpu.dma_semaphore, #tpu.memory_space<semaphore_mem>>)
        %dma_wait3A_227 = arith.constant 0 : i32
        %dma_wait3A_228 = tpu.memref_slice %arg27[%add3A_204, %dma_wait3A_227] : memref<10000x128xf32, #tpu.memory_space<vmem_shared>> -> memref<32x128xf32, #tpu.memory_space<vmem_shared>>
        %dma_wait3A_229 = arith.constant 0 : i32
        %dma_wait3A_230 = tpu.memref_slice %arg27[%add3A_204, %dma_wait3A_229] : memref<10000x128xf32, #tpu.memory_space<vmem_shared>> -> memref<32x128xf32, #tpu.memory_space<vmem_shared>>
        tpu.wait_dma2 semaphore(%run_scoped3A : memref<!tpu.dma_semaphore, #tpu.memory_space<semaphore_mem>>) src(%arg22 : memref<32x128xf32, #tpu.memory_space<vmem>>) dst(%dma_wait3A_230 : memref<32x128xf32, #tpu.memory_space<vmem_shared>>)
        tpu.yield
      }) : () -> ()
      %add3A_205 = arith.constant 256 : i32
      %add3A_206 = arith.addi %mul3A_2, %add3A_205 : i32
      "tpu.region"() ({
        %run_scoped3A = tpu.sem_alloc : memref<!tpu.dma_semaphore, #tpu.memory_space<semaphore_mem>>
        %dma_start3A_223 = arith.constant 0 : i32
        %dma_start3A_224 = tpu.memref_slice %arg27[%add3A_206, %dma_start3A_223] : memref<10000x128xf32, #tpu.memory_space<vmem_shared>> -> memref<32x128xf32, #tpu.memory_space<vmem_shared>>
        %dma_start3A_225 = arith.constant 0 : i32
        %dma_start3A_226 = tpu.memref_slice %arg27[%add3A_206, %dma_start3A_225] : memref<10000x128xf32, #tpu.memory_space<vmem_shared>> -> memref<32x128xf32, #tpu.memory_space<vmem_shared>>
        tpu.enqueue_dma source(%arg22 : memref<32x128xf32, #tpu.memory_space<vmem>>) target(%dma_start3A_226 : memref<32x128xf32, #tpu.memory_space<vmem_shared>>) target_semaphore(%run_scoped3A : memref<!tpu.dma_semaphore, #tpu.memory_space<semaphore_mem>>)
        %dma_wait3A_227 = arith.constant 0 : i32
        %dma_wait3A_228 = tpu.memref_slice %arg27[%add3A_206, %dma_wait3A_227] : memref<10000x128xf32, #tpu.memory_space<vmem_shared>> -> memref<32x128xf32, #tpu.memory_space<vmem_shared>>
        %dma_wait3A_229 = arith.constant 0 : i32
        %dma_wait3A_230 = tpu.memref_slice %arg27[%add3A_206, %dma_wait3A_229] : memref<10000x128xf32, #tpu.memory_space<vmem_shared>> -> memref<32x128xf32, #tpu.memory_space<vmem_shared>>
        tpu.wait_dma2 semaphore(%run_scoped3A : memref<!tpu.dma_semaphore, #tpu.memory_space<semaphore_mem>>) src(%arg22 : memref<32x128xf32, #tpu.memory_space<vmem>>) dst(%dma_wait3A_230 : memref<32x128xf32, #tpu.memory_space<vmem_shared>>)
        tpu.yield
      }) : () -> ()
      %add3A_207 = arith.constant 288 : i32
      %add3A_208 = arith.addi %mul3A_2, %add3A_207 : i32
      "tpu.region"() ({
        %run_scoped3A = tpu.sem_alloc : memref<!tpu.dma_semaphore, #tpu.memory_space<semaphore_mem>>
        %dma_start3A_223 = arith.constant 0 : i32
        %dma_start3A_224 = tpu.memref_slice %arg27[%add3A_208, %dma_start3A_223] : memref<10000x128xf32, #tpu.memory_space<vmem_shared>> -> memref<32x128xf32, #tpu.memory_space<vmem_shared>>
        %dma_start3A_225 = arith.constant 0 : i32
        %dma_start3A_226 = tpu.memref_slice %arg27[%add3A_208, %dma_start3A_225] : memref<10000x128xf32, #tpu.memory_space<vmem_shared>> -> memref<32x128xf32, #tpu.memory_space<vmem_shared>>
        tpu.enqueue_dma source(%arg22 : memref<32x128xf32, #tpu.memory_space<vmem>>) target(%dma_start3A_226 : memref<32x128xf32, #tpu.memory_space<vmem_shared>>) target_semaphore(%run_scoped3A : memref<!tpu.dma_semaphore, #tpu.memory_space<semaphore_mem>>)
        %dma_wait3A_227 = arith.constant 0 : i32
        %dma_wait3A_228 = tpu.memref_slice %arg27[%add3A_208, %dma_wait3A_227] : memref<10000x128xf32, #tpu.memory_space<vmem_shared>> -> memref<32x128xf32, #tpu.memory_space<vmem_shared>>
        %dma_wait3A_229 = arith.constant 0 : i32
        %dma_wait3A_230 = tpu.memref_slice %arg27[%add3A_208, %dma_wait3A_229] : memref<10000x128xf32, #tpu.memory_space<vmem_shared>> -> memref<32x128xf32, #tpu.memory_space<vmem_shared>>
        tpu.wait_dma2 semaphore(%run_scoped3A : memref<!tpu.dma_semaphore, #tpu.memory_space<semaphore_mem>>) src(%arg22 : memref<32x128xf32, #tpu.memory_space<vmem>>) dst(%dma_wait3A_230 : memref<32x128xf32, #tpu.memory_space<vmem_shared>>)
        tpu.yield
      }) : () -> ()
      %add3A_209 = arith.constant 320 : i32
      %add3A_210 = arith.addi %mul3A_2, %add3A_209 : i32
      "tpu.region"() ({
        %run_scoped3A = tpu.sem_alloc : memref<!tpu.dma_semaphore, #tpu.memory_space<semaphore_mem>>
        %dma_start3A_223 = arith.constant 0 : i32
        %dma_start3A_224 = tpu.memref_slice %arg27[%add3A_210, %dma_start3A_223] : memref<10000x128xf32, #tpu.memory_space<vmem_shared>> -> memref<32x128xf32, #tpu.memory_space<vmem_shared>>
        %dma_start3A_225 = arith.constant 0 : i32
        %dma_start3A_226 = tpu.memref_slice %arg27[%add3A_210, %dma_start3A_225] : memref<10000x128xf32, #tpu.memory_space<vmem_shared>> -> memref<32x128xf32, #tpu.memory_space<vmem_shared>>
        tpu.enqueue_dma source(%arg22 : memref<32x128xf32, #tpu.memory_space<vmem>>) target(%dma_start3A_226 : memref<32x128xf32, #tpu.memory_space<vmem_shared>>) target_semaphore(%run_scoped3A : memref<!tpu.dma_semaphore, #tpu.memory_space<semaphore_mem>>)
        %dma_wait3A_227 = arith.constant 0 : i32
        %dma_wait3A_228 = tpu.memref_slice %arg27[%add3A_210, %dma_wait3A_227] : memref<10000x128xf32, #tpu.memory_space<vmem_shared>> -> memref<32x128xf32, #tpu.memory_space<vmem_shared>>
        %dma_wait3A_229 = arith.constant 0 : i32
        %dma_wait3A_230 = tpu.memref_slice %arg27[%add3A_210, %dma_wait3A_229] : memref<10000x128xf32, #tpu.memory_space<vmem_shared>> -> memref<32x128xf32, #tpu.memory_space<vmem_shared>>
        tpu.wait_dma2 semaphore(%run_scoped3A : memref<!tpu.dma_semaphore, #tpu.memory_space<semaphore_mem>>) src(%arg22 : memref<32x128xf32, #tpu.memory_space<vmem>>) dst(%dma_wait3A_230 : memref<32x128xf32, #tpu.memory_space<vmem_shared>>)
        tpu.yield
      }) : () -> ()
      %add3A_211 = arith.constant 352 : i32
      %add3A_212 = arith.addi %mul3A_2, %add3A_211 : i32
      "tpu.region"() ({
        %run_scoped3A = tpu.sem_alloc : memref<!tpu.dma_semaphore, #tpu.memory_space<semaphore_mem>>
        %dma_start3A_223 = arith.constant 0 : i32
        %dma_start3A_224 = tpu.memref_slice %arg27[%add3A_212, %dma_start3A_223] : memref<10000x128xf32, #tpu.memory_space<vmem_shared>> -> memref<32x128xf32, #tpu.memory_space<vmem_shared>>
        %dma_start3A_225 = arith.constant 0 : i32
        %dma_start3A_226 = tpu.memref_slice %arg27[%add3A_212, %dma_start3A_225] : memref<10000x128xf32, #tpu.memory_space<vmem_shared>> -> memref<32x128xf32, #tpu.memory_space<vmem_shared>>
        tpu.enqueue_dma source(%arg22 : memref<32x128xf32, #tpu.memory_space<vmem>>) target(%dma_start3A_226 : memref<32x128xf32, #tpu.memory_space<vmem_shared>>) target_semaphore(%run_scoped3A : memref<!tpu.dma_semaphore, #tpu.memory_space<semaphore_mem>>)
        %dma_wait3A_227 = arith.constant 0 : i32
        %dma_wait3A_228 = tpu.memref_slice %arg27[%add3A_212, %dma_wait3A_227] : memref<10000x128xf32, #tpu.memory_space<vmem_shared>> -> memref<32x128xf32, #tpu.memory_space<vmem_shared>>
        %dma_wait3A_229 = arith.constant 0 : i32
        %dma_wait3A_230 = tpu.memref_slice %arg27[%add3A_212, %dma_wait3A_229] : memref<10000x128xf32, #tpu.memory_space<vmem_shared>> -> memref<32x128xf32, #tpu.memory_space<vmem_shared>>
        tpu.wait_dma2 semaphore(%run_scoped3A : memref<!tpu.dma_semaphore, #tpu.memory_space<semaphore_mem>>) src(%arg22 : memref<32x128xf32, #tpu.memory_space<vmem>>) dst(%dma_wait3A_230 : memref<32x128xf32, #tpu.memory_space<vmem_shared>>)
        tpu.yield
      }) : () -> ()
      %add3A_213 = arith.constant 384 : i32
      %add3A_214 = arith.addi %mul3A_2, %add3A_213 : i32
      "tpu.region"() ({
        %run_scoped3A = tpu.sem_alloc : memref<!tpu.dma_semaphore, #tpu.memory_space<semaphore_mem>>
        %dma_start3A_223 = arith.constant 0 : i32
        %dma_start3A_224 = tpu.memref_slice %arg27[%add3A_214, %dma_start3A_223] : memref<10000x128xf32, #tpu.memory_space<vmem_shared>> -> memref<32x128xf32, #tpu.memory_space<vmem_shared>>
        %dma_start3A_225 = arith.constant 0 : i32
        %dma_start3A_226 = tpu.memref_slice %arg27[%add3A_214, %dma_start3A_225] : memref<10000x128xf32, #tpu.memory_space<vmem_shared>> -> memref<32x128xf32, #tpu.memory_space<vmem_shared>>
        tpu.enqueue_dma source(%arg22 : memref<32x128xf32, #tpu.memory_space<vmem>>) target(%dma_start3A_226 : memref<32x128xf32, #tpu.memory_space<vmem_shared>>) target_semaphore(%run_scoped3A : memref<!tpu.dma_semaphore, #tpu.memory_space<semaphore_mem>>)
        %dma_wait3A_227 = arith.constant 0 : i32
        %dma_wait3A_228 = tpu.memref_slice %arg27[%add3A_214, %dma_wait3A_227] : memref<10000x128xf32, #tpu.memory_space<vmem_shared>> -> memref<32x128xf32, #tpu.memory_space<vmem_shared>>
        %dma_wait3A_229 = arith.constant 0 : i32
        %dma_wait3A_230 = tpu.memref_slice %arg27[%add3A_214, %dma_wait3A_229] : memref<10000x128xf32, #tpu.memory_space<vmem_shared>> -> memref<32x128xf32, #tpu.memory_space<vmem_shared>>
        tpu.wait_dma2 semaphore(%run_scoped3A : memref<!tpu.dma_semaphore, #tpu.memory_space<semaphore_mem>>) src(%arg22 : memref<32x128xf32, #tpu.memory_space<vmem>>) dst(%dma_wait3A_230 : memref<32x128xf32, #tpu.memory_space<vmem_shared>>)
        tpu.yield
      }) : () -> ()
      %add3A_215 = arith.constant 416 : i32
      %add3A_216 = arith.addi %mul3A_2, %add3A_215 : i32
      "tpu.region"() ({
        %run_scoped3A = tpu.sem_alloc : memref<!tpu.dma_semaphore, #tpu.memory_space<semaphore_mem>>
        %dma_start3A_223 = arith.constant 0 : i32
        %dma_start3A_224 = tpu.memref_slice %arg27[%add3A_216, %dma_start3A_223] : memref<10000x128xf32, #tpu.memory_space<vmem_shared>> -> memref<32x128xf32, #tpu.memory_space<vmem_shared>>
        %dma_start3A_225 = arith.constant 0 : i32
        %dma_start3A_226 = tpu.memref_slice %arg27[%add3A_216, %dma_start3A_225] : memref<10000x128xf32, #tpu.memory_space<vmem_shared>> -> memref<32x128xf32, #tpu.memory_space<vmem_shared>>
        tpu.enqueue_dma source(%arg22 : memref<32x128xf32, #tpu.memory_space<vmem>>) target(%dma_start3A_226 : memref<32x128xf32, #tpu.memory_space<vmem_shared>>) target_semaphore(%run_scoped3A : memref<!tpu.dma_semaphore, #tpu.memory_space<semaphore_mem>>)
        %dma_wait3A_227 = arith.constant 0 : i32
        %dma_wait3A_228 = tpu.memref_slice %arg27[%add3A_216, %dma_wait3A_227] : memref<10000x128xf32, #tpu.memory_space<vmem_shared>> -> memref<32x128xf32, #tpu.memory_space<vmem_shared>>
        %dma_wait3A_229 = arith.constant 0 : i32
        %dma_wait3A_230 = tpu.memref_slice %arg27[%add3A_216, %dma_wait3A_229] : memref<10000x128xf32, #tpu.memory_space<vmem_shared>> -> memref<32x128xf32, #tpu.memory_space<vmem_shared>>
        tpu.wait_dma2 semaphore(%run_scoped3A : memref<!tpu.dma_semaphore, #tpu.memory_space<semaphore_mem>>) src(%arg22 : memref<32x128xf32, #tpu.memory_space<vmem>>) dst(%dma_wait3A_230 : memref<32x128xf32, #tpu.memory_space<vmem_shared>>)
        tpu.yield
      }) : () -> ()
      %add3A_217 = arith.constant 448 : i32
      %add3A_218 = arith.addi %mul3A_2, %add3A_217 : i32
      "tpu.region"() ({
        %run_scoped3A = tpu.sem_alloc : memref<!tpu.dma_semaphore, #tpu.memory_space<semaphore_mem>>
        %dma_start3A_223 = arith.constant 0 : i32
        %dma_start3A_224 = tpu.memref_slice %arg27[%add3A_218, %dma_start3A_223] : memref<10000x128xf32, #tpu.memory_space<vmem_shared>> -> memref<32x128xf32, #tpu.memory_space<vmem_shared>>
        %dma_start3A_225 = arith.constant 0 : i32
        %dma_start3A_226 = tpu.memref_slice %arg27[%add3A_218, %dma_start3A_225] : memref<10000x128xf32, #tpu.memory_space<vmem_shared>> -> memref<32x128xf32, #tpu.memory_space<vmem_shared>>
        tpu.enqueue_dma source(%arg22 : memref<32x128xf32, #tpu.memory_space<vmem>>) target(%dma_start3A_226 : memref<32x128xf32, #tpu.memory_space<vmem_shared>>) target_semaphore(%run_scoped3A : memref<!tpu.dma_semaphore, #tpu.memory_space<semaphore_mem>>)
        %dma_wait3A_227 = arith.constant 0 : i32
        %dma_wait3A_228 = tpu.memref_slice %arg27[%add3A_218, %dma_wait3A_227] : memref<10000x128xf32, #tpu.memory_space<vmem_shared>> -> memref<32x128xf32, #tpu.memory_space<vmem_shared>>
        %dma_wait3A_229 = arith.constant 0 : i32
        %dma_wait3A_230 = tpu.memref_slice %arg27[%add3A_218, %dma_wait3A_229] : memref<10000x128xf32, #tpu.memory_space<vmem_shared>> -> memref<32x128xf32, #tpu.memory_space<vmem_shared>>
        tpu.wait_dma2 semaphore(%run_scoped3A : memref<!tpu.dma_semaphore, #tpu.memory_space<semaphore_mem>>) src(%arg22 : memref<32x128xf32, #tpu.memory_space<vmem>>) dst(%dma_wait3A_230 : memref<32x128xf32, #tpu.memory_space<vmem_shared>>)
        tpu.yield
      }) : () -> ()
      %add3A_219 = arith.constant 480 : i32
      %add3A_220 = arith.addi %mul3A_2, %add3A_219 : i32
      "tpu.region"() ({
        %run_scoped3A = tpu.sem_alloc : memref<!tpu.dma_semaphore, #tpu.memory_space<semaphore_mem>>
        %dma_start3A_223 = arith.constant 0 : i32
        %dma_start3A_224 = tpu.memref_slice %arg27[%add3A_220, %dma_start3A_223] : memref<10000x128xf32, #tpu.memory_space<vmem_shared>> -> memref<32x128xf32, #tpu.memory_space<vmem_shared>>
        %dma_start3A_225 = arith.constant 0 : i32
        %dma_start3A_226 = tpu.memref_slice %arg27[%add3A_220, %dma_start3A_225] : memref<10000x128xf32, #tpu.memory_space<vmem_shared>> -> memref<32x128xf32, #tpu.memory_space<vmem_shared>>
        tpu.enqueue_dma source(%arg22 : memref<32x128xf32, #tpu.memory_space<vmem>>) target(%dma_start3A_226 : memref<32x128xf32, #tpu.memory_space<vmem_shared>>) target_semaphore(%run_scoped3A : memref<!tpu.dma_semaphore, #tpu.memory_space<semaphore_mem>>)
        %dma_wait3A_227 = arith.constant 0 : i32
        %dma_wait3A_228 = tpu.memref_slice %arg27[%add3A_220, %dma_wait3A_227] : memref<10000x128xf32, #tpu.memory_space<vmem_shared>> -> memref<32x128xf32, #tpu.memory_space<vmem_shared>>
        %dma_wait3A_229 = arith.constant 0 : i32
        %dma_wait3A_230 = tpu.memref_slice %arg27[%add3A_220, %dma_wait3A_229] : memref<10000x128xf32, #tpu.memory_space<vmem_shared>> -> memref<32x128xf32, #tpu.memory_space<vmem_shared>>
        tpu.wait_dma2 semaphore(%run_scoped3A : memref<!tpu.dma_semaphore, #tpu.memory_space<semaphore_mem>>) src(%arg22 : memref<32x128xf32, #tpu.memory_space<vmem>>) dst(%dma_wait3A_230 : memref<32x128xf32, #tpu.memory_space<vmem_shared>>)
        tpu.yield
      }) : () -> ()
      %add3A_221 = arith.constant 512 : i32
      %add3A_222 = arith.addi %mul3A_2, %add3A_221 : i32
      "tpu.region"() ({
        %run_scoped3A = tpu.sem_alloc : memref<!tpu.dma_semaphore, #tpu.memory_space<semaphore_mem>>
        %dma_start3A_223 = arith.constant 0 : i32
        %dma_start3A_224 = arith.constant 0 : i32
        %dma_start3A_225 = tpu.memref_slice %arg22[%dma_start3A_223, %dma_start3A_224] : memref<32x128xf32, #tpu.memory_space<vmem>> -> memref<8x128xf32, #tpu.memory_space<vmem>>
        %dma_start3A_226 = arith.constant 0 : i32
        %dma_start3A_227 = tpu.memref_slice %arg27[%add3A_222, %dma_start3A_226] : memref<10000x128xf32, #tpu.memory_space<vmem_shared>> -> memref<8x128xf32, #tpu.memory_space<vmem_shared>>
        %dma_start3A_228 = arith.constant 0 : i32
        %dma_start3A_229 = tpu.memref_slice %arg27[%add3A_222, %dma_start3A_228] : memref<10000x128xf32, #tpu.memory_space<vmem_shared>> -> memref<8x128xf32, #tpu.memory_space<vmem_shared>>
        %dma_start3A_230 = arith.constant 0 : i32
        %dma_start3A_231 = arith.constant 0 : i32
        %dma_start3A_232 = tpu.memref_slice %arg22[%dma_start3A_230, %dma_start3A_231] : memref<32x128xf32, #tpu.memory_space<vmem>> -> memref<8x128xf32, #tpu.memory_space<vmem>>
        tpu.enqueue_dma source(%dma_start3A_232 : memref<8x128xf32, #tpu.memory_space<vmem>>) target(%dma_start3A_229 : memref<8x128xf32, #tpu.memory_space<vmem_shared>>) target_semaphore(%run_scoped3A : memref<!tpu.dma_semaphore, #tpu.memory_space<semaphore_mem>>)
        %dma_wait3A_233 = arith.constant 0 : i32
        %dma_wait3A_234 = arith.constant 0 : i32
        %dma_wait3A_235 = tpu.memref_slice %arg22[%dma_wait3A_233, %dma_wait3A_234] : memref<32x128xf32, #tpu.memory_space<vmem>> -> memref<8x128xf32, #tpu.memory_space<vmem>>
        %dma_wait3A_236 = arith.constant 0 : i32
        %dma_wait3A_237 = tpu.memref_slice %arg27[%add3A_222, %dma_wait3A_236] : memref<10000x128xf32, #tpu.memory_space<vmem_shared>> -> memref<8x128xf32, #tpu.memory_space<vmem_shared>>
        %dma_wait3A_238 = arith.constant 0 : i32
        %dma_wait3A_239 = tpu.memref_slice %arg27[%add3A_222, %dma_wait3A_238] : memref<10000x128xf32, #tpu.memory_space<vmem_shared>> -> memref<8x128xf32, #tpu.memory_space<vmem_shared>>
        %dma_wait3A_240 = arith.constant 0 : i32
        %dma_wait3A_241 = arith.constant 0 : i32
        %dma_wait3A_242 = tpu.memref_slice %arg22[%dma_wait3A_240, %dma_wait3A_241] : memref<32x128xf32, #tpu.memory_space<vmem>> -> memref<8x128xf32, #tpu.memory_space<vmem>>
        tpu.wait_dma2 semaphore(%run_scoped3A : memref<!tpu.dma_semaphore, #tpu.memory_space<semaphore_mem>>) src(%dma_wait3A_242 : memref<8x128xf32, #tpu.memory_space<vmem>>) dst(%dma_wait3A_239 : memref<8x128xf32, #tpu.memory_space<vmem_shared>>)
        tpu.yield
      }) : () -> ()
    } else {
    }
    %barrier3A = arith.constant 0 : index
    tpu.barrier barrier_id(%barrier3A)
    %get3A = arith.constant 0 : index
    %get3A_21 = tpu.vector_load %arg26[%get3A] {strides = array<i32>} : memref<144xf32, #tpu.memory_space<vmem>>, vector<16xf32>,
    %get3A_22 = arith.constant 16 : index
    %get3A_23 = tpu.vector_load %arg26[%get3A_22] {strides = array<i32>} : memref<144xf32, #tpu.memory_space<vmem>>, vector<16xf32>,
    %get3A_24 = arith.constant 32 : index
    %get3A_25 = tpu.vector_load %arg26[%get3A_24] {strides = array<i32>} : memref<144xf32, #tpu.memory_space<vmem>>, vector<16xf32>,
    %get3A_26 = arith.constant 48 : index
    %get3A_27 = tpu.vector_load %arg26[%get3A_26] {strides = array<i32>} : memref<144xf32, #tpu.memory_space<vmem>>, vector<16xf32>,
    %get3A_28 = arith.constant 64 : index
    %get3A_29 = tpu.vector_load %arg26[%get3A_28] {strides = array<i32>} : memref<144xf32, #tpu.memory_space<vmem>>, vector<16xf32>,
    %get3A_30 = arith.constant 80 : index
    %get3A_31 = tpu.vector_load %arg26[%get3A_30] {strides = array<i32>} : memref<144xf32, #tpu.memory_space<vmem>>, vector<16xf32>,
    %get3A_32 = arith.constant 96 : index
    %get3A_33 = tpu.vector_load %arg26[%get3A_32] {strides = array<i32>} : memref<144xf32, #tpu.memory_space<vmem>>, vector<16xf32>,
    %get3A_34 = arith.constant 112 : index
    %get3A_35 = tpu.vector_load %arg26[%get3A_34] {strides = array<i32>} : memref<144xf32, #tpu.memory_space<vmem>>, vector<16xf32>,
    %get3A_36 = arith.constant 128 : index
    %get3A_37 = tpu.vector_load %arg26[%get3A_36] {strides = array<i32>} : memref<144xf32, #tpu.memory_space<vmem>>, vector<16xf32>,
    %broadcast_in_dim3A_38 = arith.constant 1 : i32
    %broadcast_in_dim3A_39 = vector.broadcast %broadcast_in_dim3A_38 : i32 to vector<16xi32>
    %mul3A_40 = arith.constant 10240 : i32
    %mul3A_41 = arith.muli %arg0, %mul3A_40 : i32
    %mul3A_42 = vector.broadcast %mul3A_41 : i32 to vector<16xi32>
    %mul3A_43 = arith.muli %broadcast_in_dim3A_39, %mul3A_42 : vector<16xi32>
    %add3A_44 = arith.constant 0 : i32
    %add3A_45 = arith.addi %add3A, %add3A_44 : i32
    %mul3A_46 = arith.constant 192 : i32
    %mul3A_47 = arith.muli %add3A_45, %mul3A_46 : i32
    %dma_start3A = tpu.memref_slice %arg2[%mul3A_47] : memref<1920000xi32, #tpu.memory_space<hbm>> -> memref<192xi32, #tpu.memory_space<hbm>>
    %dma_start3A_48 = tpu.memref_slice %arg2[%mul3A_47] : memref<1920000xi32, #tpu.memory_space<hbm>> -> memref<192xi32, #tpu.memory_space<hbm>>
    tpu.enqueue_dma source(%dma_start3A_48 : memref<192xi32, #tpu.memory_space<hbm>>) target(%arg10 : memref<192xi32, #tpu.memory_space<vmem>>) target_semaphore(%arg28 : memref<!tpu.dma_semaphore, #tpu.memory_space<semaphore_mem>>)
    %dma_wait3A = arith.constant 0 : i32
    %dma_wait3A_49 = tpu.memref_slice %arg2[%dma_wait3A] : memref<1920000xi32, #tpu.memory_space<hbm>> -> memref<192xi32, #tpu.memory_space<hbm>>
    %dma_wait3A_50 = arith.constant 0 : i32
    %dma_wait3A_51 = tpu.memref_slice %arg2[%dma_wait3A_50] : memref<1920000xi32, #tpu.memory_space<hbm>> -> memref<192xi32, #tpu.memory_space<hbm>>
    tpu.wait_dma2 semaphore(%arg28 : memref<!tpu.dma_semaphore, #tpu.memory_space<semaphore_mem>>) src(%dma_wait3A_51 : memref<192xi32, #tpu.memory_space<hbm>>) dst(%arg10 : memref<192xi32, #tpu.memory_space<vmem>>)
    %iota3A = tpu.iota {dimensions = array<i32: 0>} : vector<16xi32>
    %add3A_52 = arith.constant 0 : i32
    %add3A_53 = vector.broadcast %add3A_52 : i32 to vector<16xi32>
    %add3A_54 = arith.addi %iota3A, %add3A_53 : vector<16xi32>
    %mul3A_55 = arith.constant 6 : i32
    %mul3A_56 = vector.broadcast %mul3A_55 : i32 to vector<16xi32>
    %mul3A_57 = arith.muli %add3A_54, %mul3A_56 : vector<16xi32>
    %gather3A = tpu.vector_load_idx %arg10[%mul3A_57] : memref<192xi32, #tpu.memory_space<vmem>>[vector<16xi32>], vector<16xi32>,
    %add3A_58 = arith.constant 2 : i32
    %add3A_59 = vector.broadcast %add3A_58 : i32 to vector<16xi32>
    %add3A_60 = arith.addi %mul3A_57, %add3A_59 : vector<16xi32>
    %gather3A_61 = tpu.vector_load_idx %arg10[%add3A_60] : memref<192xi32, #tpu.memory_space<vmem>>[vector<16xi32>], vector<16xi32>,
    %add3A_62 = arith.constant 4 : i32
    %add3A_63 = vector.broadcast %add3A_62 : i32 to vector<16xi32>
    %add3A_64 = arith.addi %mul3A_57, %add3A_63 : vector<16xi32>
    %gather3A_65 = tpu.vector_load_idx %arg10[%add3A_64] : memref<192xi32, #tpu.memory_space<vmem>>[vector<16xi32>], vector<16xi32>,
    %add3A_66 = arith.constant 5 : i32
    %add3A_67 = vector.broadcast %add3A_66 : i32 to vector<16xi32>
    %add3A_68 = arith.addi %mul3A_57, %add3A_67 : vector<16xi32>
    %gather3A_69 = tpu.vector_load_idx %arg10[%add3A_68] : memref<192xi32, #tpu.memory_space<vmem>>[vector<16xi32>], vector<16xi32>,
    %min3A = arith.constant 9999 : i32
    %min3A_70 = vector.broadcast %min3A : i32 to vector<16xi32>
    %min3A_71 = arith.minsi %gather3A_69, %min3A_70 : vector<16xi32>
    %swap3A = arith.constant 0 : i32
    %swap3A_72 = arith.index_cast %swap3A : i32 to index
    %swap3A_73 = arith.constant 0 : index
    %swap3A_74 = tpu.vector_load %arg12[%swap3A_72, %swap3A_73] {strides = array<i32>} : memref<3x32xi32, #tpu.memory_space<vmem>>, vector<16xi32>,
    tpu.vector_store %arg12[%swap3A_72, %swap3A_73], %gather3A_65 {strides = array<i32>} : memref<3x32xi32, #tpu.memory_space<vmem>>, vector<16xi32>,
    %swap3A_75 = arith.constant 1 : i32
    %swap3A_76 = arith.index_cast %swap3A_75 : i32 to index
    %swap3A_77 = arith.constant 0 : index
    %swap3A_78 = tpu.vector_load %arg12[%swap3A_76, %swap3A_77] {strides = array<i32>} : memref<3x32xi32, #tpu.memory_space<vmem>>, vector<16xi32>,
    tpu.vector_store %arg12[%swap3A_76, %swap3A_77], %gather3A_61 {strides = array<i32>} : memref<3x32xi32, #tpu.memory_space<vmem>>, vector<16xi32>,
    %add3A_79 = arith.addi %gather3A, %mul3A_43 : vector<16xi32>
    %swap3A_80 = arith.constant 2 : i32
    %swap3A_81 = arith.index_cast %swap3A_80 : i32 to index
    %swap3A_82 = arith.constant 0 : index
    %swap3A_83 = tpu.vector_load %arg12[%swap3A_81, %swap3A_82] {strides = array<i32>} : memref<3x32xi32, #tpu.memory_space<vmem>>, vector<16xi32>,
    tpu.vector_store %arg12[%swap3A_81, %swap3A_82], %add3A_79 {strides = array<i32>} : memref<3x32xi32, #tpu.memory_space<vmem>>, vector<16xi32>,
    %swap3A_84 = arith.constant 0 : index
    %swap3A_85 = tpu.vector_load %arg14[%swap3A_84] {strides = array<i32>} : memref<32xi32, #tpu.memory_space<vmem>>, vector<16xi32>,
    tpu.vector_store %arg14[%swap3A_84], %min3A_71 {strides = array<i32>} : memref<32xi32, #tpu.memory_space<vmem>>, vector<16xi32>,
    %iota3A_86 = tpu.iota {dimensions = array<i32: 0>} : vector<16xi32>
    %add3A_87 = arith.constant 16 : i32
    %add3A_88 = vector.broadcast %add3A_87 : i32 to vector<16xi32>
    %add3A_89 = arith.addi %iota3A_86, %add3A_88 : vector<16xi32>
    %mul3A_90 = arith.constant 6 : i32
    %mul3A_91 = vector.broadcast %mul3A_90 : i32 to vector<16xi32>
    %mul3A_92 = arith.muli %add3A_89, %mul3A_91 : vector<16xi32>
    %gather3A_93 = tpu.vector_load_idx %arg10[%mul3A_92] : memref<192xi32, #tpu.memory_space<vmem>>[vector<16xi32>], vector<16xi32>,
    %add3A_94 = arith.constant 2 : i32
    %add3A_95 = vector.broadcast %add3A_94 : i32 to vector<16xi32>
    %add3A_96 = arith.addi %mul3A_92, %add3A_95 : vector<16xi32>
    %gather3A_97 = tpu.vector_load_idx %arg10[%add3A_96] : memref<192xi32, #tpu.memory_space<vmem>>[vector<16xi32>], vector<16xi32>,
    %add3A_98 = arith.constant 4 : i32
    %add3A_99 = vector.broadcast %add3A_98 : i32 to vector<16xi32>
    %add3A_100 = arith.addi %mul3A_92, %add3A_99 : vector<16xi32>
    %gather3A_101 = tpu.vector_load_idx %arg10[%add3A_100] : memref<192xi32, #tpu.memory_space<vmem>>[vector<16xi32>], vector<16xi32>,
    %add3A_102 = arith.constant 5 : i32
    %add3A_103 = vector.broadcast %add3A_102 : i32 to vector<16xi32>
    %add3A_104 = arith.addi %mul3A_92, %add3A_103 : vector<16xi32>
    %gather3A_105 = tpu.vector_load_idx %arg10[%add3A_104] : memref<192xi32, #tpu.memory_space<vmem>>[vector<16xi32>], vector<16xi32>,
    %min3A_106 = arith.constant 9999 : i32
    %min3A_107 = vector.broadcast %min3A_106 : i32 to vector<16xi32>
    %min3A_108 = arith.minsi %gather3A_105, %min3A_107 : vector<16xi32>
    %swap3A_109 = arith.constant 0 : i32
    %swap3A_110 = arith.index_cast %swap3A_109 : i32 to index
    %swap3A_111 = arith.constant 16 : index
    %swap3A_112 = tpu.vector_load %arg12[%swap3A_110, %swap3A_111] {strides = array<i32>} : memref<3x32xi32, #tpu.memory_space<vmem>>, vector<16xi32>,
    tpu.vector_store %arg12[%swap3A_110, %swap3A_111], %gather3A_101 {strides = array<i32>} : memref<3x32xi32, #tpu.memory_space<vmem>>, vector<16xi32>,
    %swap3A_113 = arith.constant 1 : i32
    %swap3A_114 = arith.index_cast %swap3A_113 : i32 to index
    %swap3A_115 = arith.constant 16 : index
    %swap3A_116 = tpu.vector_load %arg12[%swap3A_114, %swap3A_115] {strides = array<i32>} : memref<3x32xi32, #tpu.memory_space<vmem>>, vector<16xi32>,
    tpu.vector_store %arg12[%swap3A_114, %swap3A_115], %gather3A_97 {strides = array<i32>} : memref<3x32xi32, #tpu.memory_space<vmem>>, vector<16xi32>,
    %add3A_117 = arith.addi %gather3A_93, %mul3A_43 : vector<16xi32>
    %swap3A_118 = arith.constant 2 : i32
    %swap3A_119 = arith.index_cast %swap3A_118 : i32 to index
    %swap3A_120 = arith.constant 16 : index
    %swap3A_121 = tpu.vector_load %arg12[%swap3A_119, %swap3A_120] {strides = array<i32>} : memref<3x32xi32, #tpu.memory_space<vmem>>, vector<16xi32>,
    tpu.vector_store %arg12[%swap3A_119, %swap3A_120], %add3A_117 {strides = array<i32>} : memref<3x32xi32, #tpu.memory_space<vmem>>, vector<16xi32>,
    %swap3A_122 = arith.constant 16 : index
    %swap3A_123 = tpu.vector_load %arg14[%swap3A_122] {strides = array<i32>} : memref<32xi32, #tpu.memory_space<vmem>>, vector<16xi32>,
    tpu.vector_store %arg14[%swap3A_122], %min3A_108 {strides = array<i32>} : memref<32xi32, #tpu.memory_space<vmem>>, vector<16xi32>,
    %dma_start3A_124 = arith.constant 0 : i32
    %dma_start3A_125 = arith.constant 0 : i32
    %dma_start3A_126 = arith.constant 0 : i32
    %dma_start3A_127 = tpu.memref_slice %arg18[%dma_start3A_125, %dma_start3A_126] : memref<64x128xi32, #tpu.memory_space<vmem>> -> memref<32x128xi32, #tpu.memory_space<vmem>>
    %dma_start3A_128 = arith.constant 0 : i32
    %dma_start3A_129 = tpu.memref_slice %arg12[%dma_start3A_124, %dma_start3A_128] : memref<3x32xi32, #tpu.memory_space<vmem>> -> memref<1x32xi32, #tpu.memory_space<vmem>>
    %dma_start3A_130 = tpu.memref_squeeze %dma_start3A_129 : memref<1x32xi32, #tpu.memory_space<vmem>> -> memref<32xi32, #tpu.memory_space<vmem>>
    %dma_start3A_131 = arith.constant 0 : i32
    %dma_start3A_132 = arith.constant 0 : i32
    %dma_start3A_133 = tpu.memref_slice %arg3[%dma_start3A_131, %dma_start3A_132] : memref<10000x128xi32, #tpu.memory_space<hbm>> -> memref<10000x128xi32, #tpu.memory_space<hbm>>
    tpu.enqueue_indirect_dma source(%dma_start3A_133 : memref<10000x128xi32, #tpu.memory_space<hbm>>) target(%dma_start3A_127 : memref<32x128xi32, #tpu.memory_space<vmem>>) offsets(%dma_start3A_130 : memref<32xi32, #tpu.memory_space<vmem>>) semaphore(%arg30 : memref<!tpu.dma_semaphore, #tpu.memory_space<semaphore_mem>>)
    %dma_start3A_134 = arith.constant 1 : i32
    %dma_start3A_135 = arith.constant 32 : i32
    %dma_start3A_136 = arith.constant 0 : i32
    %dma_start3A_137 = tpu.memref_slice %arg18[%dma_start3A_135, %dma_start3A_136] : memref<64x128xi32, #tpu.memory_space<vmem>> -> memref<32x128xi32, #tpu.memory_space<vmem>>
    %dma_start3A_138 = arith.constant 0 : i32
    %dma_start3A_139 = tpu.memref_slice %arg12[%dma_start3A_134, %dma_start3A_138] : memref<3x32xi32, #tpu.memory_space<vmem>> -> memref<1x32xi32, #tpu.memory_space<vmem>>
    %dma_start3A_140 = tpu.memref_squeeze %dma_start3A_139 : memref<1x32xi32, #tpu.memory_space<vmem>> -> memref<32xi32, #tpu.memory_space<vmem>>
    %dma_start3A_141 = arith.constant 0 : i32
    %dma_start3A_142 = arith.constant 0 : i32
    %dma_start3A_143 = tpu.memref_slice %arg4[%dma_start3A_141, %dma_start3A_142] : memref<10240x128xi32, #tpu.memory_space<hbm>> -> memref<10240x128xi32, #tpu.memory_space<hbm>>
    tpu.enqueue_indirect_dma source(%dma_start3A_143 : memref<10240x128xi32, #tpu.memory_space<hbm>>) target(%dma_start3A_137 : memref<32x128xi32, #tpu.memory_space<vmem>>) offsets(%dma_start3A_140 : memref<32xi32, #tpu.memory_space<vmem>>) semaphore(%arg30 : memref<!tpu.dma_semaphore, #tpu.memory_space<semaphore_mem>>)
    %dma_start3A_144 = arith.constant 2 : i32
    %dma_start3A_145 = arith.constant 0 : i32
    %dma_start3A_146 = tpu.memref_slice %arg12[%dma_start3A_144, %dma_start3A_145] : memref<3x32xi32, #tpu.memory_space<vmem>> -> memref<1x32xi32, #tpu.memory_space<vmem>>
    %dma_start3A_147 = tpu.memref_squeeze %dma_start3A_146 : memref<1x32xi32, #tpu.memory_space<vmem>> -> memref<32xi32, #tpu.memory_space<vmem>>
    %dma_start3A_148 = arith.constant 0 : i32
    %dma_start3A_149 = arith.constant 0 : i32
    %dma_start3A_150 = tpu.memref_slice %arg9[%dma_start3A_148, %dma_start3A_149] : memref<20480x128xf32, #tpu.memory_space<hbm>> -> memref<20480x128xf32, #tpu.memory_space<hbm>>
    tpu.enqueue_indirect_dma source(%dma_start3A_150 : memref<20480x128xf32, #tpu.memory_space<hbm>>) target(%arg20 : memref<32x128xf32, #tpu.memory_space<vmem>>) offsets(%dma_start3A_147 : memref<32xi32, #tpu.memory_space<vmem>>) semaphore(%arg30 : memref<!tpu.dma_semaphore, #tpu.memory_space<semaphore_mem>>)
    %add3A_151 = arith.constant 32 : i32
    %add3A_152 = arith.addi %add3A, %add3A_151 : i32
    %lt3A_153 = arith.constant 10000 : i32
    %lt3A_154 = arith.cmpi slt, %add3A_152, %lt3A_153 : i32
    %convert_element_type3A_155 = arith.extui %lt3A_154 : i1 to i32
    %cond3A_156 = arith.constant 0 : i32
    %cond3A_157 = arith.cmpi ne, %convert_element_type3A_155, %cond3A_156 : i32
    scf.if %cond3A_157 {
      %add3A_189 = arith.constant 32 : i32
      %add3A_190 = arith.addi %add3A, %add3A_189 : i32
      %mul3A_191 = arith.constant 192 : i32
      %mul3A_192 = arith.muli %add3A_190, %mul3A_191 : i32
      %dma_start3A_193 = tpu.memref_slice %arg2[%mul3A_192] : memref<1920000xi32, #tpu.memory_space<hbm>> -> memref<192xi32, #tpu.memory_space<hbm>>
      %dma_start3A_194 = tpu.memref_slice %arg2[%mul3A_192] : memref<1920000xi32, #tpu.memory_space<hbm>> -> memref<192xi32, #tpu.memory_space<hbm>>
      tpu.enqueue_dma source(%dma_start3A_194 : memref<192xi32, #tpu.memory_space<hbm>>) target(%arg11 : memref<192xi32, #tpu.memory_space<vmem>>) target_semaphore(%arg29 : memref<!tpu.dma_semaphore, #tpu.memory_space<semaphore_mem>>)
    } else {
    }
    %scan3A_158 = arith.constant 0 : i32
    %scan3A_159 = arith.constant 0 : i32
    %scan3A_160 = arith.constant 157 : i32
    %scan3A_161 = arith.addi %scan3A_159, %scan3A_160 : i32
    %scan3A_162 = arith.constant 1 : i32
    scf.for %scan3A_189 = %scan3A_159 to %scan3A_161 step %scan3A_162  : i32 {
      %mul3A_190 = arith.constant 2 : i32
      %mul3A_191 = arith.muli %mul3A_190, %scan3A_189 : i32
      %add3A_192 = arith.constant 2 : i32
      %add3A_193 = arith.addi %mul3A_191, %add3A_192 : i32
      %mul3A_194 = arith.constant 32 : i32
      %mul3A_195 = arith.muli %add3A_193, %mul3A_194 : i32
      %add3A_196 = arith.addi %add3A, %mul3A_195 : i32
      %lt3A_197 = arith.constant 10000 : i32
      %lt3A_198 = arith.cmpi slt, %add3A_196, %lt3A_197 : i32
      %convert_element_type3A_199 = arith.extui %lt3A_198 : i1 to i32
      %cond3A_200 = arith.constant 0 : i32
      %cond3A_201 = arith.cmpi ne, %convert_element_type3A_199, %cond3A_200 : i32
      scf.if %cond3A_201 {
        %add3A_250 = arith.constant 2 : i32
        %add3A_251 = arith.addi %mul3A_191, %add3A_250 : i32
        %mul3A_252 = arith.constant 32 : i32
        %mul3A_253 = arith.muli %add3A_251, %mul3A_252 : i32
        %add3A_254 = arith.addi %add3A, %mul3A_253 : i32
        %mul3A_255 = arith.constant 192 : i32
        %mul3A_256 = arith.muli %add3A_254, %mul3A_255 : i32
        %dma_start3A_257 = tpu.memref_slice %arg2[%mul3A_256] : memref<1920000xi32, #tpu.memory_space<hbm>> -> memref<192xi32, #tpu.memory_space<hbm>>
        %dma_start3A_258 = tpu.memref_slice %arg2[%mul3A_256] : memref<1920000xi32, #tpu.memory_space<hbm>> -> memref<192xi32, #tpu.memory_space<hbm>>
        tpu.enqueue_dma source(%dma_start3A_258 : memref<192xi32, #tpu.memory_space<hbm>>) target(%arg10 : memref<192xi32, #tpu.memory_space<vmem>>) target_semaphore(%arg28 : memref<!tpu.dma_semaphore, #tpu.memory_space<semaphore_mem>>)
      } else {
      }
      %add3A_202 = arith.constant 1 : i32
      %add3A_203 = arith.addi %mul3A_191, %add3A_202 : i32
      %mul3A_204 = arith.constant 32 : i32
      %mul3A_205 = arith.muli %add3A_203, %mul3A_204 : i32
      %add3A_206 = arith.addi %add3A, %mul3A_205 : i32
      %lt3A_207 = arith.constant 10000 : i32
      %lt3A_208 = arith.cmpi slt, %add3A_206, %lt3A_207 : i32
      %convert_element_type3A_209 = arith.extui %lt3A_208 : i1 to i32
      %cond3A_210 = arith.constant 0 : i32
      %cond3A_211 = arith.cmpi ne, %convert_element_type3A_209, %cond3A_210 : i32
      scf.if %cond3A_211 {
        %dma_wait3A_250 = arith.constant 0 : i32
        %dma_wait3A_251 = tpu.memref_slice %arg2[%dma_wait3A_250] : memref<1920000xi32, #tpu.memory_space<hbm>> -> memref<192xi32, #tpu.memory_space<hbm>>
        %dma_wait3A_252 = arith.constant 0 : i32
        %dma_wait3A_253 = tpu.memref_slice %arg2[%dma_wait3A_252] : memref<1920000xi32, #tpu.memory_space<hbm>> -> memref<192xi32, #tpu.memory_space<hbm>>
        tpu.wait_dma2 semaphore(%arg29 : memref<!tpu.dma_semaphore, #tpu.memory_space<semaphore_mem>>) src(%dma_wait3A_253 : memref<192xi32, #tpu.memory_space<hbm>>) dst(%arg11 : memref<192xi32, #tpu.memory_space<vmem>>)
        %iota3A_254 = tpu.iota {dimensions = array<i32: 0>} : vector<16xi32>
        %add3A_255 = arith.constant 0 : i32
        %add3A_256 = vector.broadcast %add3A_255 : i32 to vector<16xi32>
        %add3A_257 = arith.addi %iota3A_254, %add3A_256 : vector<16xi32>
        %mul3A_258 = arith.constant 6 : i32
        %mul3A_259 = vector.broadcast %mul3A_258 : i32 to vector<16xi32>
        %mul3A_260 = arith.muli %add3A_257, %mul3A_259 : vector<16xi32>
        %gather3A_261 = tpu.vector_load_idx %arg11[%mul3A_260] : memref<192xi32, #tpu.memory_space<vmem>>[vector<16xi32>], vector<16xi32>,
        %add3A_262 = arith.constant 2 : i32
        %add3A_263 = vector.broadcast %add3A_262 : i32 to vector<16xi32>
        %add3A_264 = arith.addi %mul3A_260, %add3A_263 : vector<16xi32>
        %gather3A_265 = tpu.vector_load_idx %arg11[%add3A_264] : memref<192xi32, #tpu.memory_space<vmem>>[vector<16xi32>], vector<16xi32>,
        %add3A_266 = arith.constant 4 : i32
        %add3A_267 = vector.broadcast %add3A_266 : i32 to vector<16xi32>
        %add3A_268 = arith.addi %mul3A_260, %add3A_267 : vector<16xi32>
        %gather3A_269 = tpu.vector_load_idx %arg11[%add3A_268] : memref<192xi32, #tpu.memory_space<vmem>>[vector<16xi32>], vector<16xi32>,
        %add3A_270 = arith.constant 5 : i32
        %add3A_271 = vector.broadcast %add3A_270 : i32 to vector<16xi32>
        %add3A_272 = arith.addi %mul3A_260, %add3A_271 : vector<16xi32>
        %gather3A_273 = tpu.vector_load_idx %arg11[%add3A_272] : memref<192xi32, #tpu.memory_space<vmem>>[vector<16xi32>], vector<16xi32>,
        %min3A_274 = arith.constant 9999 : i32
        %min3A_275 = vector.broadcast %min3A_274 : i32 to vector<16xi32>
        %min3A_276 = arith.minsi %gather3A_273, %min3A_275 : vector<16xi32>
        %swap3A_277 = arith.constant 0 : i32
        %swap3A_278 = arith.index_cast %swap3A_277 : i32 to index
        %swap3A_279 = arith.constant 0 : index
        %swap3A_280 = tpu.vector_load %arg13[%swap3A_278, %swap3A_279] {strides = array<i32>} : memref<3x32xi32, #tpu.memory_space<vmem>>, vector<16xi32>,
        tpu.vector_store %arg13[%swap3A_278, %swap3A_279], %gather3A_269 {strides = array<i32>} : memref<3x32xi32, #tpu.memory_space<vmem>>, vector<16xi32>,
        %swap3A_281 = arith.constant 1 : i32
        %swap3A_282 = arith.index_cast %swap3A_281 : i32 to index
        %swap3A_283 = arith.constant 0 : index
        %swap3A_284 = tpu.vector_load %arg13[%swap3A_282, %swap3A_283] {strides = array<i32>} : memref<3x32xi32, #tpu.memory_space<vmem>>, vector<16xi32>,
        tpu.vector_store %arg13[%swap3A_282, %swap3A_283], %gather3A_265 {strides = array<i32>} : memref<3x32xi32, #tpu.memory_space<vmem>>, vector<16xi32>,
        %add3A_285 = arith.addi %gather3A_261, %mul3A_43 : vector<16xi32>
        %swap3A_286 = arith.constant 2 : i32
        %swap3A_287 = arith.index_cast %swap3A_286 : i32 to index
        %swap3A_288 = arith.constant 0 : index
        %swap3A_289 = tpu.vector_load %arg13[%swap3A_287, %swap3A_288] {strides = array<i32>} : memref<3x32xi32, #tpu.memory_space<vmem>>, vector<16xi32>,
        tpu.vector_store %arg13[%swap3A_287, %swap3A_288], %add3A_285 {strides = array<i32>} : memref<3x32xi32, #tpu.memory_space<vmem>>, vector<16xi32>,
        %swap3A_290 = arith.constant 0 : index
        %swap3A_291 = tpu.vector_load %arg15[%swap3A_290] {strides = array<i32>} : memref<32xi32, #tpu.memory_space<vmem>>, vector<16xi32>,
        tpu.vector_store %arg15[%swap3A_290], %min3A_276 {strides = array<i32>} : memref<32xi32, #tpu.memory_space<vmem>>, vector<16xi32>,
        %iota3A_292 = tpu.iota {dimensions = array<i32: 0>} : vector<16xi32>
        %add3A_293 = arith.constant 16 : i32
        %add3A_294 = vector.broadcast %add3A_293 : i32 to vector<16xi32>
        %add3A_295 = arith.addi %iota3A_292, %add3A_294 : vector<16xi32>
        %mul3A_296 = arith.constant 6 : i32
        %mul3A_297 = vector.broadcast %mul3A_296 : i32 to vector<16xi32>
        %mul3A_298 = arith.muli %add3A_295, %mul3A_297 : vector<16xi32>
        %gather3A_299 = tpu.vector_load_idx %arg11[%mul3A_298] : memref<192xi32, #tpu.memory_space<vmem>>[vector<16xi32>], vector<16xi32>,
        %add3A_300 = arith.constant 2 : i32
        %add3A_301 = vector.broadcast %add3A_300 : i32 to vector<16xi32>
        %add3A_302 = arith.addi %mul3A_298, %add3A_301 : vector<16xi32>
        %gather3A_303 = tpu.vector_load_idx %arg11[%add3A_302] : memref<192xi32, #tpu.memory_space<vmem>>[vector<16xi32>], vector<16xi32>,
        %add3A_304 = arith.constant 4 : i32
        %add3A_305 = vector.broadcast %add3A_304 : i32 to vector<16xi32>
        %add3A_306 = arith.addi %mul3A_298, %add3A_305 : vector<16xi32>
        %gather3A_307 = tpu.vector_load_idx %arg11[%add3A_306] : memref<192xi32, #tpu.memory_space<vmem>>[vector<16xi32>], vector<16xi32>,
        %add3A_308 = arith.constant 5 : i32
        %add3A_309 = vector.broadcast %add3A_308 : i32 to vector<16xi32>
        %add3A_310 = arith.addi %mul3A_298, %add3A_309 : vector<16xi32>
        %gather3A_311 = tpu.vector_load_idx %arg11[%add3A_310] : memref<192xi32, #tpu.memory_space<vmem>>[vector<16xi32>], vector<16xi32>,
        %min3A_312 = arith.constant 9999 : i32
        %min3A_313 = vector.broadcast %min3A_312 : i32 to vector<16xi32>
        %min3A_314 = arith.minsi %gather3A_311, %min3A_313 : vector<16xi32>
        %swap3A_315 = arith.constant 0 : i32
        %swap3A_316 = arith.index_cast %swap3A_315 : i32 to index
        %swap3A_317 = arith.constant 16 : index
        %swap3A_318 = tpu.vector_load %arg13[%swap3A_316, %swap3A_317] {strides = array<i32>} : memref<3x32xi32, #tpu.memory_space<vmem>>, vector<16xi32>,
        tpu.vector_store %arg13[%swap3A_316, %swap3A_317], %gather3A_307 {strides = array<i32>} : memref<3x32xi32, #tpu.memory_space<vmem>>, vector<16xi32>,
        %swap3A_319 = arith.constant 1 : i32
        %swap3A_320 = arith.index_cast %swap3A_319 : i32 to index
        %swap3A_321 = arith.constant 16 : index
        %swap3A_322 = tpu.vector_load %arg13[%swap3A_320, %swap3A_321] {strides = array<i32>} : memref<3x32xi32, #tpu.memory_space<vmem>>, vector<16xi32>,
        tpu.vector_store %arg13[%swap3A_320, %swap3A_321], %gather3A_303 {strides = array<i32>} : memref<3x32xi32, #tpu.memory_space<vmem>>, vector<16xi32>,
        %add3A_323 = arith.addi %gather3A_299, %mul3A_43 : vector<16xi32>
        %swap3A_324 = arith.constant 2 : i32
        %swap3A_325 = arith.index_cast %swap3A_324 : i32 to index
        %swap3A_326 = arith.constant 16 : index
        %swap3A_327 = tpu.vector_load %arg13[%swap3A_325, %swap3A_326] {strides = array<i32>} : memref<3x32xi32, #tpu.memory_space<vmem>>, vector<16xi32>,
        tpu.vector_store %arg13[%swap3A_325, %swap3A_326], %add3A_323 {strides = array<i32>} : memref<3x32xi32, #tpu.memory_space<vmem>>, vector<16xi32>,
        %swap3A_328 = arith.constant 16 : index
        %swap3A_329 = tpu.vector_load %arg15[%swap3A_328] {strides = array<i32>} : memref<32xi32, #tpu.memory_space<vmem>>, vector<16xi32>,
        tpu.vector_store %arg15[%swap3A_328], %min3A_314 {strides = array<i32>} : memref<32xi32, #tpu.memory_space<vmem>>, vector<16xi32>,
        %dma_start3A_330 = arith.constant 0 : i32
        %dma_start3A_331 = arith.constant 0 : i32
        %dma_start3A_332 = arith.constant 0 : i32
        %dma_start3A_333 = tpu.memref_slice %arg19[%dma_start3A_331, %dma_start3A_332] : memref<64x128xi32, #tpu.memory_space<vmem>> -> memref<32x128xi32, #tpu.memory_space<vmem>>
        %dma_start3A_334 = arith.constant 0 : i32
        %dma_start3A_335 = tpu.memref_slice %arg13[%dma_start3A_330, %dma_start3A_334] : memref<3x32xi32, #tpu.memory_space<vmem>> -> memref<1x32xi32, #tpu.memory_space<vmem>>
        %dma_start3A_336 = tpu.memref_squeeze %dma_start3A_335 : memref<1x32xi32, #tpu.memory_space<vmem>> -> memref<32xi32, #tpu.memory_space<vmem>>
        %dma_start3A_337 = arith.constant 0 : i32
        %dma_start3A_338 = arith.constant 0 : i32
        %dma_start3A_339 = tpu.memref_slice %arg3[%dma_start3A_337, %dma_start3A_338] : memref<10000x128xi32, #tpu.memory_space<hbm>> -> memref<10000x128xi32, #tpu.memory_space<hbm>>
        tpu.enqueue_indirect_dma source(%dma_start3A_339 : memref<10000x128xi32, #tpu.memory_space<hbm>>) target(%dma_start3A_333 : memref<32x128xi32, #tpu.memory_space<vmem>>) offsets(%dma_start3A_336 : memref<32xi32, #tpu.memory_space<vmem>>) semaphore(%arg31 : memref<!tpu.dma_semaphore, #tpu.memory_space<semaphore_mem>>)
        %dma_start3A_340 = arith.constant 1 : i32
        %dma_start3A_341 = arith.constant 32 : i32
        %dma_start3A_342 = arith.constant 0 : i32
        %dma_start3A_343 = tpu.memref_slice %arg19[%dma_start3A_341, %dma_start3A_342] : memref<64x128xi32, #tpu.memory_space<vmem>> -> memref<32x128xi32, #tpu.memory_space<vmem>>
        %dma_start3A_344 = arith.constant 0 : i32
        %dma_start3A_345 = tpu.memref_slice %arg13[%dma_start3A_340, %dma_start3A_344] : memref<3x32xi32, #tpu.memory_space<vmem>> -> memref<1x32xi32, #tpu.memory_space<vmem>>
        %dma_start3A_346 = tpu.memref_squeeze %dma_start3A_345 : memref<1x32xi32, #tpu.memory_space<vmem>> -> memref<32xi32, #tpu.memory_space<vmem>>
        %dma_start3A_347 = arith.constant 0 : i32
        %dma_start3A_348 = arith.constant 0 : i32
        %dma_start3A_349 = tpu.memref_slice %arg4[%dma_start3A_347, %dma_start3A_348] : memref<10240x128xi32, #tpu.memory_space<hbm>> -> memref<10240x128xi32, #tpu.memory_space<hbm>>
        tpu.enqueue_indirect_dma source(%dma_start3A_349 : memref<10240x128xi32, #tpu.memory_space<hbm>>) target(%dma_start3A_343 : memref<32x128xi32, #tpu.memory_space<vmem>>) offsets(%dma_start3A_346 : memref<32xi32, #tpu.memory_space<vmem>>) semaphore(%arg31 : memref<!tpu.dma_semaphore, #tpu.memory_space<semaphore_mem>>)
        %dma_start3A_350 = arith.constant 2 : i32
        %dma_start3A_351 = arith.constant 0 : i32
        %dma_start3A_352 = tpu.memref_slice %arg13[%dma_start3A_350, %dma_start3A_351] : memref<3x32xi32, #tpu.memory_space<vmem>> -> memref<1x32xi32, #tpu.memory_space<vmem>>
        %dma_start3A_353 = tpu.memref_squeeze %dma_start3A_352 : memref<1x32xi32, #tpu.memory_space<vmem>> -> memref<32xi32, #tpu.memory_space<vmem>>
        %dma_start3A_354 = arith.constant 0 : i32
        %dma_start3A_355 = arith.constant 0 : i32
        %dma_start3A_356 = tpu.memref_slice %arg9[%dma_start3A_354, %dma_start3A_355] : memref<20480x128xf32, #tpu.memory_space<hbm>> -> memref<20480x128xf32, #tpu.memory_space<hbm>>
        tpu.enqueue_indirect_dma source(%dma_start3A_356 : memref<20480x128xf32, #tpu.memory_space<hbm>>) target(%arg21 : memref<32x128xf32, #tpu.memory_space<vmem>>) offsets(%dma_start3A_353 : memref<32xi32, #tpu.memory_space<vmem>>) semaphore(%arg31 : memref<!tpu.dma_semaphore, #tpu.memory_space<semaphore_mem>>)
      } else {
      }
      %mul3A_212 = arith.constant 32 : i32
      %mul3A_213 = arith.muli %mul3A_191, %mul3A_212 : i32
      %add3A_214 = arith.addi %add3A, %mul3A_213 : i32
      %lt3A_215 = arith.constant 10000 : i32
      %lt3A_216 = arith.cmpi slt, %add3A_214, %lt3A_215 : i32
      %convert_element_type3A_217 = arith.extui %lt3A_216 : i1 to i32
      %cond3A_218 = arith.constant 0 : i32
      %cond3A_219 = arith.cmpi ne, %convert_element_type3A_217, %cond3A_218 : i32
      scf.if %cond3A_219 {
        %dma_wait3A_250 = arith.constant 0 : i32
        %dma_wait3A_251 = arith.constant 0 : i32
        %dma_wait3A_252 = tpu.memref_slice %arg3[%dma_wait3A_250, %dma_wait3A_251] : memref<10000x128xi32, #tpu.memory_space<hbm>> -> memref<64x128xi32, #tpu.memory_space<hbm>>
        %dma_wait3A_253 = arith.constant 0 : i32
        %dma_wait3A_254 = arith.constant 0 : i32
        %dma_wait3A_255 = tpu.memref_slice %arg3[%dma_wait3A_253, %dma_wait3A_254] : memref<10000x128xi32, #tpu.memory_space<hbm>> -> memref<64x128xi32, #tpu.memory_space<hbm>>
        tpu.wait_dma2 semaphore(%arg30 : memref<!tpu.dma_semaphore, #tpu.memory_space<semaphore_mem>>) src(%dma_wait3A_255 : memref<64x128xi32, #tpu.memory_space<hbm>>) dst(%arg18 : memref<64x128xi32, #tpu.memory_space<vmem>>)
        %dma_wait3A_256 = arith.constant 0 : i32
        %dma_wait3A_257 = arith.constant 0 : i32
        %dma_wait3A_258 = tpu.memref_slice %arg5[%dma_wait3A_256, %dma_wait3A_257] : memref<10240x128xf32, #tpu.memory_space<hbm>> -> memref<32x128xf32, #tpu.memory_space<hbm>>
        %dma_wait3A_259 = arith.constant 0 : i32
        %dma_wait3A_260 = arith.constant 0 : i32
        %dma_wait3A_261 = tpu.memref_slice %arg5[%dma_wait3A_259, %dma_wait3A_260] : memref<10240x128xf32, #tpu.memory_space<hbm>> -> memref<32x128xf32, #tpu.memory_space<hbm>>
        tpu.wait_dma2 semaphore(%arg30 : memref<!tpu.dma_semaphore, #tpu.memory_space<semaphore_mem>>) src(%dma_wait3A_261 : memref<32x128xf32, #tpu.memory_space<hbm>>) dst(%arg20 : memref<32x128xf32, #tpu.memory_space<vmem>>)
        %ge3A = arith.constant 2 : i32
        %ge3A_262 = arith.cmpi sge, %mul3A_191, %ge3A : i32
        %convert_element_type3A_263 = arith.extui %ge3A_262 : i1 to i32
        %cond3A_264 = arith.constant 0 : i32
        %cond3A_265 = arith.cmpi ne, %convert_element_type3A_263, %cond3A_264 : i32
        scf.if %cond3A_265 {
          %dma_wait3A_283 = arith.constant 0 : i32
          %dma_wait3A_284 = arith.constant 0 : i32
          %dma_wait3A_285 = tpu.memref_slice %arg27[%dma_wait3A_283, %dma_wait3A_284] : memref<10000x128xf32, #tpu.memory_space<vmem_shared>> -> memref<10000x128xf32, #tpu.memory_space<vmem_shared>>
          tpu.wait_indirect_dma semaphore(%arg32 : memref<!tpu.dma_semaphore, #tpu.memory_space<semaphore_mem>>) src(%arg22 : memref<32x128xf32, #tpu.memory_space<vmem>>) dst(%dma_wait3A_285 : memref<10000x128xf32, #tpu.memory_space<vmem_shared>>)
        } else {
        }
        %scan3A_266 = arith.constant 0 : i32
        %scan3A_267 = arith.constant 0 : i32
        %scan3A_268 = arith.constant 32 : i32
        %scan3A_269 = arith.addi %scan3A_267, %scan3A_268 : i32
        %scan3A_270 = arith.constant 1 : i32
        scf.for %scan3A_283 = %scan3A_267 to %scan3A_269 step %scan3A_270  : i32 {
          %broadcast_in_dim3A_284 = arith.constant 0.000000e+00 : f32
          %broadcast_in_dim3A_285 = vector.broadcast %broadcast_in_dim3A_284 : f32 to vector<16xf32>
          %get3A_286 = arith.index_cast %scan3A_283 : i32 to index
          %get3A_287 = arith.constant 0 : index
          %get3A_288 = tpu.vector_load %arg18[%get3A_286, %get3A_287] {strides = array<i32>} : memref<64x128xi32, #tpu.memory_space<vmem>>, vector<16xi32>,
          %bitcast3A = vector.bitcast %get3A_288 : vector<16xi32> to vector<32xbf16>
          %unpack3A = tpu.unpack_subelements %bitcast3A, 0 {pack_format = #tpu.pack_format<interleaved>} : vector<32xbf16> -> vector<16xf32>
          %unpack3A_289 = tpu.unpack_subelements %bitcast3A, 1 {pack_format = #tpu.pack_format<interleaved>} : vector<32xbf16> -> vector<16xf32>
          %add3A_290 = arith.constant 32 : i32
          %add3A_291 = arith.addi %add3A_290, %scan3A_283 : i32
          %get3A_292 = arith.index_cast %add3A_291 : i32 to index
          %get3A_293 = arith.constant 0 : index
          %get3A_294 = tpu.vector_load %arg18[%get3A_292, %get3A_293] {strides = array<i32>} : memref<64x128xi32, #tpu.memory_space<vmem>>, vector<16xi32>,
          %bitcast3A_295 = vector.bitcast %get3A_294 : vector<16xi32> to vector<32xbf16>
          %unpack3A_296 = tpu.unpack_subelements %bitcast3A_295, 0 {pack_format = #tpu.pack_format<interleaved>} : vector<32xbf16> -> vector<16xf32>
          %unpack3A_297 = tpu.unpack_subelements %bitcast3A_295, 1 {pack_format = #tpu.pack_format<interleaved>} : vector<32xbf16> -> vector<16xf32>
          %add3A_298 = arith.addf %unpack3A, %unpack3A_296 : vector<16xf32>
          %get3A_299 = arith.index_cast %scan3A_283 : i32 to index
          %get3A_300 = arith.constant 0 : index
          %get3A_301 = tpu.vector_load %arg20[%get3A_299, %get3A_300] {strides = array<i32>} : memref<32x128xf32, #tpu.memory_space<vmem>>, vector<16xf32>,
          %add3A_302 = arith.addf %add3A_298, %get3A_301 : vector<16xf32>
          %max3A = arith.constant 0.000000e+00 : f32
          %max3A_303 = vector.broadcast %max3A : f32 to vector<16xf32>
          %max3A_304 = arith.maximumf %add3A_302, %max3A_303 : vector<16xf32>
          %mul3A_305 = arith.mulf %max3A_304, %get3A_21 : vector<16xf32>
          %add3A_306 = arith.addf %broadcast_in_dim3A_285, %mul3A_305 : vector<16xf32>
          %add3A_307 = arith.addf %unpack3A_289, %unpack3A_297 : vector<16xf32>
          %get3A_308 = arith.index_cast %scan3A_283 : i32 to index
          %get3A_309 = arith.constant 16 : index
          %get3A_310 = tpu.vector_load %arg18[%get3A_308, %get3A_309] {strides = array<i32>} : memref<64x128xi32, #tpu.memory_space<vmem>>, vector<16xi32>,
          %bitcast3A_311 = vector.bitcast %get3A_310 : vector<16xi32> to vector<32xbf16>
          %unpack3A_312 = tpu.unpack_subelements %bitcast3A_311, 0 {pack_format = #tpu.pack_format<interleaved>} : vector<32xbf16> -> vector<16xf32>
          %unpack3A_313 = tpu.unpack_subelements %bitcast3A_311, 1 {pack_format = #tpu.pack_format<interleaved>} : vector<32xbf16> -> vector<16xf32>
          %add3A_314 = arith.constant 32 : i32
          %add3A_315 = arith.addi %add3A_314, %scan3A_283 : i32
          %get3A_316 = arith.index_cast %add3A_315 : i32 to index
          %get3A_317 = arith.constant 16 : index
          %get3A_318 = tpu.vector_load %arg18[%get3A_316, %get3A_317] {strides = array<i32>} : memref<64x128xi32, #tpu.memory_space<vmem>>, vector<16xi32>,
          %bitcast3A_319 = vector.bitcast %get3A_318 : vector<16xi32> to vector<32xbf16>
          %unpack3A_320 = tpu.unpack_subelements %bitcast3A_319, 0 {pack_format = #tpu.pack_format<interleaved>} : vector<32xbf16> -> vector<16xf32>
          %unpack3A_321 = tpu.unpack_subelements %bitcast3A_319, 1 {pack_format = #tpu.pack_format<interleaved>} : vector<32xbf16> -> vector<16xf32>
          %add3A_322 = arith.addf %unpack3A_312, %unpack3A_320 : vector<16xf32>
          %get3A_323 = arith.index_cast %scan3A_283 : i32 to index
          %get3A_324 = arith.constant 16 : index
          %get3A_325 = tpu.vector_load %arg20[%get3A_323, %get3A_324] {strides = array<i32>} : memref<32x128xf32, #tpu.memory_space<vmem>>, vector<16xf32>,
          %add3A_326 = arith.addf %add3A_322, %get3A_325 : vector<16xf32>
          %max3A_327 = arith.constant 0.000000e+00 : f32
          %max3A_328 = vector.broadcast %max3A_327 : f32 to vector<16xf32>
          %max3A_329 = arith.maximumf %add3A_326, %max3A_328 : vector<16xf32>
          %mul3A_330 = arith.mulf %max3A_329, %get3A_23 : vector<16xf32>
          %add3A_331 = arith.addf %add3A_306, %mul3A_330 : vector<16xf32>
          %add3A_332 = arith.addf %unpack3A_313, %unpack3A_321 : vector<16xf32>
          %get3A_333 = arith.index_cast %scan3A_283 : i32 to index
          %get3A_334 = arith.constant 32 : index
          %get3A_335 = tpu.vector_load %arg18[%get3A_333, %get3A_334] {strides = array<i32>} : memref<64x128xi32, #tpu.memory_space<vmem>>, vector<16xi32>,
          %bitcast3A_336 = vector.bitcast %get3A_335 : vector<16xi32> to vector<32xbf16>
          %unpack3A_337 = tpu.unpack_subelements %bitcast3A_336, 0 {pack_format = #tpu.pack_format<interleaved>} : vector<32xbf16> -> vector<16xf32>
          %unpack3A_338 = tpu.unpack_subelements %bitcast3A_336, 1 {pack_format = #tpu.pack_format<interleaved>} : vector<32xbf16> -> vector<16xf32>
          %add3A_339 = arith.constant 32 : i32
          %add3A_340 = arith.addi %add3A_339, %scan3A_283 : i32
          %get3A_341 = arith.index_cast %add3A_340 : i32 to index
          %get3A_342 = arith.constant 32 : index
          %get3A_343 = tpu.vector_load %arg18[%get3A_341, %get3A_342] {strides = array<i32>} : memref<64x128xi32, #tpu.memory_space<vmem>>, vector<16xi32>,
          %bitcast3A_344 = vector.bitcast %get3A_343 : vector<16xi32> to vector<32xbf16>
          %unpack3A_345 = tpu.unpack_subelements %bitcast3A_344, 0 {pack_format = #tpu.pack_format<interleaved>} : vector<32xbf16> -> vector<16xf32>
          %unpack3A_346 = tpu.unpack_subelements %bitcast3A_344, 1 {pack_format = #tpu.pack_format<interleaved>} : vector<32xbf16> -> vector<16xf32>
          %add3A_347 = arith.addf %unpack3A_337, %unpack3A_345 : vector<16xf32>
          %get3A_348 = arith.index_cast %scan3A_283 : i32 to index
          %get3A_349 = arith.constant 32 : index
          %get3A_350 = tpu.vector_load %arg20[%get3A_348, %get3A_349] {strides = array<i32>} : memref<32x128xf32, #tpu.memory_space<vmem>>, vector<16xf32>,
          %add3A_351 = arith.addf %add3A_347, %get3A_350 : vector<16xf32>
          %max3A_352 = arith.constant 0.000000e+00 : f32
          %max3A_353 = vector.broadcast %max3A_352 : f32 to vector<16xf32>
          %max3A_354 = arith.maximumf %add3A_351, %max3A_353 : vector<16xf32>
          %mul3A_355 = arith.mulf %max3A_354, %get3A_25 : vector<16xf32>
          %add3A_356 = arith.addf %add3A_331, %mul3A_355 : vector<16xf32>
          %add3A_357 = arith.addf %unpack3A_338, %unpack3A_346 : vector<16xf32>
          %get3A_358 = arith.index_cast %scan3A_283 : i32 to index
          %get3A_359 = arith.constant 48 : index
          %get3A_360 = tpu.vector_load %arg18[%get3A_358, %get3A_359] {strides = array<i32>} : memref<64x128xi32, #tpu.memory_space<vmem>>, vector<16xi32>,
          %bitcast3A_361 = vector.bitcast %get3A_360 : vector<16xi32> to vector<32xbf16>
          %unpack3A_362 = tpu.unpack_subelements %bitcast3A_361, 0 {pack_format = #tpu.pack_format<interleaved>} : vector<32xbf16> -> vector<16xf32>
          %unpack3A_363 = tpu.unpack_subelements %bitcast3A_361, 1 {pack_format = #tpu.pack_format<interleaved>} : vector<32xbf16> -> vector<16xf32>
          %add3A_364 = arith.constant 32 : i32
          %add3A_365 = arith.addi %add3A_364, %scan3A_283 : i32
          %get3A_366 = arith.index_cast %add3A_365 : i32 to index
          %get3A_367 = arith.constant 48 : index
          %get3A_368 = tpu.vector_load %arg18[%get3A_366, %get3A_367] {strides = array<i32>} : memref<64x128xi32, #tpu.memory_space<vmem>>, vector<16xi32>,
          %bitcast3A_369 = vector.bitcast %get3A_368 : vector<16xi32> to vector<32xbf16>
          %unpack3A_370 = tpu.unpack_subelements %bitcast3A_369, 0 {pack_format = #tpu.pack_format<interleaved>} : vector<32xbf16> -> vector<16xf32>
          %unpack3A_371 = tpu.unpack_subelements %bitcast3A_369, 1 {pack_format = #tpu.pack_format<interleaved>} : vector<32xbf16> -> vector<16xf32>
          %add3A_372 = arith.addf %unpack3A_362, %unpack3A_370 : vector<16xf32>
          %get3A_373 = arith.index_cast %scan3A_283 : i32 to index
          %get3A_374 = arith.constant 48 : index
          %get3A_375 = tpu.vector_load %arg20[%get3A_373, %get3A_374] {strides = array<i32>} : memref<32x128xf32, #tpu.memory_space<vmem>>, vector<16xf32>,
          %add3A_376 = arith.addf %add3A_372, %get3A_375 : vector<16xf32>
          %max3A_377 = arith.constant 0.000000e+00 : f32
          %max3A_378 = vector.broadcast %max3A_377 : f32 to vector<16xf32>
          %max3A_379 = arith.maximumf %add3A_376, %max3A_378 : vector<16xf32>
          %mul3A_380 = arith.mulf %max3A_379, %get3A_27 : vector<16xf32>
          %add3A_381 = arith.addf %add3A_356, %mul3A_380 : vector<16xf32>
          %add3A_382 = arith.addf %unpack3A_363, %unpack3A_371 : vector<16xf32>
          %get3A_383 = arith.index_cast %scan3A_283 : i32 to index
          %get3A_384 = arith.constant 64 : index
          %get3A_385 = tpu.vector_load %arg18[%get3A_383, %get3A_384] {strides = array<i32>} : memref<64x128xi32, #tpu.memory_space<vmem>>, vector<16xi32>,
          %bitcast3A_386 = vector.bitcast %get3A_385 : vector<16xi32> to vector<32xbf16>
          %unpack3A_387 = tpu.unpack_subelements %bitcast3A_386, 0 {pack_format = #tpu.pack_format<interleaved>} : vector<32xbf16> -> vector<16xf32>
          %unpack3A_388 = tpu.unpack_subelements %bitcast3A_386, 1 {pack_format = #tpu.pack_format<interleaved>} : vector<32xbf16> -> vector<16xf32>
          %add3A_389 = arith.constant 32 : i32
          %add3A_390 = arith.addi %add3A_389, %scan3A_283 : i32
          %get3A_391 = arith.index_cast %add3A_390 : i32 to index
          %get3A_392 = arith.constant 64 : index
          %get3A_393 = tpu.vector_load %arg18[%get3A_391, %get3A_392] {strides = array<i32>} : memref<64x128xi32, #tpu.memory_space<vmem>>, vector<16xi32>,
          %bitcast3A_394 = vector.bitcast %get3A_393 : vector<16xi32> to vector<32xbf16>
          %unpack3A_395 = tpu.unpack_subelements %bitcast3A_394, 0 {pack_format = #tpu.pack_format<interleaved>} : vector<32xbf16> -> vector<16xf32>
          %unpack3A_396 = tpu.unpack_subelements %bitcast3A_394, 1 {pack_format = #tpu.pack_format<interleaved>} : vector<32xbf16> -> vector<16xf32>
          %add3A_397 = arith.addf %unpack3A_387, %unpack3A_395 : vector<16xf32>
          %get3A_398 = arith.index_cast %scan3A_283 : i32 to index
          %get3A_399 = arith.constant 64 : index
          %get3A_400 = tpu.vector_load %arg20[%get3A_398, %get3A_399] {strides = array<i32>} : memref<32x128xf32, #tpu.memory_space<vmem>>, vector<16xf32>,
          %add3A_401 = arith.addf %add3A_397, %get3A_400 : vector<16xf32>
          %max3A_402 = arith.constant 0.000000e+00 : f32
          %max3A_403 = vector.broadcast %max3A_402 : f32 to vector<16xf32>
          %max3A_404 = arith.maximumf %add3A_401, %max3A_403 : vector<16xf32>
          %mul3A_405 = arith.mulf %max3A_404, %get3A_29 : vector<16xf32>
          %add3A_406 = arith.addf %add3A_381, %mul3A_405 : vector<16xf32>
          %add3A_407 = arith.addf %unpack3A_388, %unpack3A_396 : vector<16xf32>
          %get3A_408 = arith.index_cast %scan3A_283 : i32 to index
          %get3A_409 = arith.constant 80 : index
          %get3A_410 = tpu.vector_load %arg18[%get3A_408, %get3A_409] {strides = array<i32>} : memref<64x128xi32, #tpu.memory_space<vmem>>, vector<16xi32>,
          %bitcast3A_411 = vector.bitcast %get3A_410 : vector<16xi32> to vector<32xbf16>
          %unpack3A_412 = tpu.unpack_subelements %bitcast3A_411, 0 {pack_format = #tpu.pack_format<interleaved>} : vector<32xbf16> -> vector<16xf32>
          %unpack3A_413 = tpu.unpack_subelements %bitcast3A_411, 1 {pack_format = #tpu.pack_format<interleaved>} : vector<32xbf16> -> vector<16xf32>
          %add3A_414 = arith.constant 32 : i32
          %add3A_415 = arith.addi %add3A_414, %scan3A_283 : i32
          %get3A_416 = arith.index_cast %add3A_415 : i32 to index
          %get3A_417 = arith.constant 80 : index
          %get3A_418 = tpu.vector_load %arg18[%get3A_416, %get3A_417] {strides = array<i32>} : memref<64x128xi32, #tpu.memory_space<vmem>>, vector<16xi32>,
          %bitcast3A_419 = vector.bitcast %get3A_418 : vector<16xi32> to vector<32xbf16>
          %unpack3A_420 = tpu.unpack_subelements %bitcast3A_419, 0 {pack_format = #tpu.pack_format<interleaved>} : vector<32xbf16> -> vector<16xf32>
          %unpack3A_421 = tpu.unpack_subelements %bitcast3A_419, 1 {pack_format = #tpu.pack_format<interleaved>} : vector<32xbf16> -> vector<16xf32>
          %add3A_422 = arith.addf %unpack3A_412, %unpack3A_420 : vector<16xf32>
          %get3A_423 = arith.index_cast %scan3A_283 : i32 to index
          %get3A_424 = arith.constant 80 : index
          %get3A_425 = tpu.vector_load %arg20[%get3A_423, %get3A_424] {strides = array<i32>} : memref<32x128xf32, #tpu.memory_space<vmem>>, vector<16xf32>,
          %add3A_426 = arith.addf %add3A_422, %get3A_425 : vector<16xf32>
          %max3A_427 = arith.constant 0.000000e+00 : f32
          %max3A_428 = vector.broadcast %max3A_427 : f32 to vector<16xf32>
          %max3A_429 = arith.maximumf %add3A_426, %max3A_428 : vector<16xf32>
          %mul3A_430 = arith.mulf %max3A_429, %get3A_31 : vector<16xf32>
          %add3A_431 = arith.addf %add3A_406, %mul3A_430 : vector<16xf32>
          %add3A_432 = arith.addf %unpack3A_413, %unpack3A_421 : vector<16xf32>
          %get3A_433 = arith.index_cast %scan3A_283 : i32 to index
          %get3A_434 = arith.constant 96 : index
          %get3A_435 = tpu.vector_load %arg18[%get3A_433, %get3A_434] {strides = array<i32>} : memref<64x128xi32, #tpu.memory_space<vmem>>, vector<16xi32>,
          %bitcast3A_436 = vector.bitcast %get3A_435 : vector<16xi32> to vector<32xbf16>
          %unpack3A_437 = tpu.unpack_subelements %bitcast3A_436, 0 {pack_format = #tpu.pack_format<interleaved>} : vector<32xbf16> -> vector<16xf32>
          %unpack3A_438 = tpu.unpack_subelements %bitcast3A_436, 1 {pack_format = #tpu.pack_format<interleaved>} : vector<32xbf16> -> vector<16xf32>
          %add3A_439 = arith.constant 32 : i32
          %add3A_440 = arith.addi %add3A_439, %scan3A_283 : i32
          %get3A_441 = arith.index_cast %add3A_440 : i32 to index
          %get3A_442 = arith.constant 96 : index
          %get3A_443 = tpu.vector_load %arg18[%get3A_441, %get3A_442] {strides = array<i32>} : memref<64x128xi32, #tpu.memory_space<vmem>>, vector<16xi32>,
          %bitcast3A_444 = vector.bitcast %get3A_443 : vector<16xi32> to vector<32xbf16>
          %unpack3A_445 = tpu.unpack_subelements %bitcast3A_444, 0 {pack_format = #tpu.pack_format<interleaved>} : vector<32xbf16> -> vector<16xf32>
          %unpack3A_446 = tpu.unpack_subelements %bitcast3A_444, 1 {pack_format = #tpu.pack_format<interleaved>} : vector<32xbf16> -> vector<16xf32>
          %add3A_447 = arith.addf %unpack3A_437, %unpack3A_445 : vector<16xf32>
          %get3A_448 = arith.index_cast %scan3A_283 : i32 to index
          %get3A_449 = arith.constant 96 : index
          %get3A_450 = tpu.vector_load %arg20[%get3A_448, %get3A_449] {strides = array<i32>} : memref<32x128xf32, #tpu.memory_space<vmem>>, vector<16xf32>,
          %add3A_451 = arith.addf %add3A_447, %get3A_450 : vector<16xf32>
          %max3A_452 = arith.constant 0.000000e+00 : f32
          %max3A_453 = vector.broadcast %max3A_452 : f32 to vector<16xf32>
          %max3A_454 = arith.maximumf %add3A_451, %max3A_453 : vector<16xf32>
          %mul3A_455 = arith.mulf %max3A_454, %get3A_33 : vector<16xf32>
          %add3A_456 = arith.addf %add3A_431, %mul3A_455 : vector<16xf32>
          %add3A_457 = arith.addf %unpack3A_438, %unpack3A_446 : vector<16xf32>
          %get3A_458 = arith.index_cast %scan3A_283 : i32 to index
          %get3A_459 = arith.constant 112 : index
          %get3A_460 = tpu.vector_load %arg18[%get3A_458, %get3A_459] {strides = array<i32>} : memref<64x128xi32, #tpu.memory_space<vmem>>, vector<16xi32>,
          %bitcast3A_461 = vector.bitcast %get3A_460 : vector<16xi32> to vector<32xbf16>
          %unpack3A_462 = tpu.unpack_subelements %bitcast3A_461, 0 {pack_format = #tpu.pack_format<interleaved>} : vector<32xbf16> -> vector<16xf32>
          %unpack3A_463 = tpu.unpack_subelements %bitcast3A_461, 1 {pack_format = #tpu.pack_format<interleaved>} : vector<32xbf16> -> vector<16xf32>
          %add3A_464 = arith.constant 32 : i32
          %add3A_465 = arith.addi %add3A_464, %scan3A_283 : i32
          %get3A_466 = arith.index_cast %add3A_465 : i32 to index
          %get3A_467 = arith.constant 112 : index
          %get3A_468 = tpu.vector_load %arg18[%get3A_466, %get3A_467] {strides = array<i32>} : memref<64x128xi32, #tpu.memory_space<vmem>>, vector<16xi32>,
          %bitcast3A_469 = vector.bitcast %get3A_468 : vector<16xi32> to vector<32xbf16>
          %unpack3A_470 = tpu.unpack_subelements %bitcast3A_469, 0 {pack_format = #tpu.pack_format<interleaved>} : vector<32xbf16> -> vector<16xf32>
          %unpack3A_471 = tpu.unpack_subelements %bitcast3A_469, 1 {pack_format = #tpu.pack_format<interleaved>} : vector<32xbf16> -> vector<16xf32>
          %add3A_472 = arith.addf %unpack3A_462, %unpack3A_470 : vector<16xf32>
          %get3A_473 = arith.index_cast %scan3A_283 : i32 to index
          %get3A_474 = arith.constant 112 : index
          %get3A_475 = tpu.vector_load %arg20[%get3A_473, %get3A_474] {strides = array<i32>} : memref<32x128xf32, #tpu.memory_space<vmem>>, vector<16xf32>,
          %add3A_476 = arith.addf %add3A_472, %get3A_475 : vector<16xf32>
          %max3A_477 = arith.constant 0.000000e+00 : f32
          %max3A_478 = vector.broadcast %max3A_477 : f32 to vector<16xf32>
          %max3A_479 = arith.maximumf %add3A_476, %max3A_478 : vector<16xf32>
          %mul3A_480 = arith.mulf %max3A_479, %get3A_35 : vector<16xf32>
          %add3A_481 = arith.addf %add3A_456, %mul3A_480 : vector<16xf32>
          %add3A_482 = arith.addf %unpack3A_463, %unpack3A_471 : vector<16xf32>
          %reduce_sum3A = arith.constant true
          %reduce_sum3A_483 = vector.broadcast %reduce_sum3A : i1 to vector<16xi1>
          %reduce_sum3A_484 = tpu.scan <sum>, %add3A_481 masked %reduce_sum3A_483 : vector<16xf32>, vector<16xi1> -> vector<16xf32>
          %reduce_sum3A_485 = vector.extract %reduce_sum3A_484[15] : f32 from vector<16xf32>
          %broadcast_in_dim3A_486 = vector.broadcast %reduce_sum3A_485 : f32 to vector<16xf32>
          %add3A_487 = arith.addf %broadcast_in_dim3A_486, %get3A_37 : vector<16xf32>
          %neg3A = arith.constant 0.000000e+00 : f32
          %neg3A_488 = vector.broadcast %neg3A : f32 to vector<16xf32>
          %neg3A_489 = arith.subf %neg3A_488, %add3A_487 : vector<16xf32>
          %exp3A = math.exp %neg3A_489 : vector<16xf32>
          %add3A_490 = arith.constant 1.000000e+00 : f32
          %add3A_491 = vector.broadcast %add3A_490 : f32 to vector<16xf32>
          %add3A_492 = arith.addf %add3A_491, %exp3A : vector<16xf32>
          %div3A = arith.constant 1.000000e+00 : f32
          %div3A_493 = vector.broadcast %div3A : f32 to vector<16xf32>
          %div3A_494 = arith.divf %div3A_493, %add3A_492 : vector<16xf32>
          %mul3A_495 = arith.mulf %div3A_494, %add3A_307 : vector<16xf32>
          %swap3A_496 = arith.index_cast %scan3A_283 : i32 to index
          %swap3A_497 = arith.constant 0 : index
          %swap3A_498 = tpu.vector_load %arg22[%swap3A_496, %swap3A_497] {strides = array<i32>} : memref<32x128xf32, #tpu.memory_space<vmem>>, vector<16xf32>,
          tpu.vector_store %arg22[%swap3A_496, %swap3A_497], %mul3A_495 {strides = array<i32>} : memref<32x128xf32, #tpu.memory_space<vmem>>, vector<16xf32>,
          %mul3A_499 = arith.mulf %div3A_494, %add3A_332 : vector<16xf32>
          %swap3A_500 = arith.index_cast %scan3A_283 : i32 to index
          %swap3A_501 = arith.constant 16 : index
          %swap3A_502 = tpu.vector_load %arg22[%swap3A_500, %swap3A_501] {strides = array<i32>} : memref<32x128xf32, #tpu.memory_space<vmem>>, vector<16xf32>,
          tpu.vector_store %arg22[%swap3A_500, %swap3A_501], %mul3A_499 {strides = array<i32>} : memref<32x128xf32, #tpu.memory_space<vmem>>, vector<16xf32>,
          %mul3A_503 = arith.mulf %div3A_494, %add3A_357 : vector<16xf32>
          %swap3A_504 = arith.index_cast %scan3A_283 : i32 to index
          %swap3A_505 = arith.constant 32 : index
          %swap3A_506 = tpu.vector_load %arg22[%swap3A_504, %swap3A_505] {strides = array<i32>} : memref<32x128xf32, #tpu.memory_space<vmem>>, vector<16xf32>,
          tpu.vector_store %arg22[%swap3A_504, %swap3A_505], %mul3A_503 {strides = array<i32>} : memref<32x128xf32, #tpu.memory_space<vmem>>, vector<16xf32>,
          %mul3A_507 = arith.mulf %div3A_494, %add3A_382 : vector<16xf32>
          %swap3A_508 = arith.index_cast %scan3A_283 : i32 to index
          %swap3A_509 = arith.constant 48 : index
          %swap3A_510 = tpu.vector_load %arg22[%swap3A_508, %swap3A_509] {strides = array<i32>} : memref<32x128xf32, #tpu.memory_space<vmem>>, vector<16xf32>,
          tpu.vector_store %arg22[%swap3A_508, %swap3A_509], %mul3A_507 {strides = array<i32>} : memref<32x128xf32, #tpu.memory_space<vmem>>, vector<16xf32>,
          %mul3A_511 = arith.mulf %div3A_494, %add3A_407 : vector<16xf32>
          %swap3A_512 = arith.index_cast %scan3A_283 : i32 to index
          %swap3A_513 = arith.constant 64 : index
          %swap3A_514 = tpu.vector_load %arg22[%swap3A_512, %swap3A_513] {strides = array<i32>} : memref<32x128xf32, #tpu.memory_space<vmem>>, vector<16xf32>,
          tpu.vector_store %arg22[%swap3A_512, %swap3A_513], %mul3A_511 {strides = array<i32>} : memref<32x128xf32, #tpu.memory_space<vmem>>, vector<16xf32>,
          %mul3A_515 = arith.mulf %div3A_494, %add3A_432 : vector<16xf32>
          %swap3A_516 = arith.index_cast %scan3A_283 : i32 to index
          %swap3A_517 = arith.constant 80 : index
          %swap3A_518 = tpu.vector_load %arg22[%swap3A_516, %swap3A_517] {strides = array<i32>} : memref<32x128xf32, #tpu.memory_space<vmem>>, vector<16xf32>,
          tpu.vector_store %arg22[%swap3A_516, %swap3A_517], %mul3A_515 {strides = array<i32>} : memref<32x128xf32, #tpu.memory_space<vmem>>, vector<16xf32>,
          %mul3A_519 = arith.mulf %div3A_494, %add3A_457 : vector<16xf32>
          %swap3A_520 = arith.index_cast %scan3A_283 : i32 to index
          %swap3A_521 = arith.constant 96 : index
          %swap3A_522 = tpu.vector_load %arg22[%swap3A_520, %swap3A_521] {strides = array<i32>} : memref<32x128xf32, #tpu.memory_space<vmem>>, vector<16xf32>,
          tpu.vector_store %arg22[%swap3A_520, %swap3A_521], %mul3A_519 {strides = array<i32>} : memref<32x128xf32, #tpu.memory_space<vmem>>, vector<16xf32>,
          %mul3A_523 = arith.mulf %div3A_494, %add3A_482 : vector<16xf32>
          %swap3A_524 = arith.index_cast %scan3A_283 : i32 to index
          %swap3A_525 = arith.constant 112 : index
          %swap3A_526 = tpu.vector_load %arg22[%swap3A_524, %swap3A_525] {strides = array<i32>} : memref<32x128xf32, #tpu.memory_space<vmem>>, vector<16xf32>,
          tpu.vector_store %arg22[%swap3A_524, %swap3A_525], %mul3A_523 {strides = array<i32>} : memref<32x128xf32, #tpu.memory_space<vmem>>, vector<16xf32>,
        }
        %scan3A_271 = arith.constant 32 : i32
        %get3A_272 = arith.constant 0 : index
        %get3A_273 = tpu.vector_load %arg14[%get3A_272] {strides = array<i32>} : memref<32xi32, #tpu.memory_space<vmem>>, vector<16xi32>,
        %swap3A_274 = arith.constant 0 : index
        %swap3A_275 = tpu.vector_load %arg16[%swap3A_274] {strides = array<i32>} : memref<32xi32, #tpu.memory_space<vmem>>, vector<16xi32>,
        tpu.vector_store %arg16[%swap3A_274], %get3A_273 {strides = array<i32>} : memref<32xi32, #tpu.memory_space<vmem>>, vector<16xi32>,
        %get3A_276 = arith.constant 16 : index
        %get3A_277 = tpu.vector_load %arg14[%get3A_276] {strides = array<i32>} : memref<32xi32, #tpu.memory_space<vmem>>, vector<16xi32>,
        %swap3A_278 = arith.constant 16 : index
        %swap3A_279 = tpu.vector_load %arg16[%swap3A_278] {strides = array<i32>} : memref<32xi32, #tpu.memory_space<vmem>>, vector<16xi32>,
        tpu.vector_store %arg16[%swap3A_278], %get3A_277 {strides = array<i32>} : memref<32xi32, #tpu.memory_space<vmem>>, vector<16xi32>,
        %dma_start3A_280 = arith.constant 0 : i32
        %dma_start3A_281 = arith.constant 0 : i32
        %dma_start3A_282 = tpu.memref_slice %arg27[%dma_start3A_280, %dma_start3A_281] : memref<10000x128xf32, #tpu.memory_space<vmem_shared>> -> memref<10000x128xf32, #tpu.memory_space<vmem_shared>>
        tpu.enqueue_indirect_dma source(%arg22 : memref<32x128xf32, #tpu.memory_space<vmem>>) target(%dma_start3A_282 : memref<10000x128xf32, #tpu.memory_space<vmem_shared>>) offsets(%arg16 : memref<32xi32, #tpu.memory_space<vmem>>) semaphore(%arg32 : memref<!tpu.dma_semaphore, #tpu.memory_space<semaphore_mem>>) {add = true}
      } else {
      }
      %add3A_220 = arith.constant 1 : i32
      %add3A_221 = arith.addi %mul3A_191, %add3A_220 : i32
      %add3A_222 = arith.constant 2 : i32
      %add3A_223 = arith.addi %add3A_221, %add3A_222 : i32
      %mul3A_224 = arith.constant 32 : i32
      %mul3A_225 = arith.muli %add3A_223, %mul3A_224 : i32
      %add3A_226 = arith.addi %add3A, %mul3A_225 : i32
      %lt3A_227 = arith.constant 10000 : i32
      %lt3A_228 = arith.cmpi slt, %add3A_226, %lt3A_227 : i32
      %convert_element_type3A_229 = arith.extui %lt3A_228 : i1 to i32
      %cond3A_230 = arith.constant 0 : i32
      %cond3A_231 = arith.cmpi ne, %convert_element_type3A_229, %cond3A_230 : i32
      scf.if %cond3A_231 {
        %add3A_250 = arith.constant 2 : i32
        %add3A_251 = arith.addi %add3A_221, %add3A_250 : i32
        %mul3A_252 = arith.constant 32 : i32
        %mul3A_253 = arith.muli %add3A_251, %mul3A_252 : i32
        %add3A_254 = arith.addi %add3A, %mul3A_253 : i32
        %mul3A_255 = arith.constant 192 : i32
        %mul3A_256 = arith.muli %add3A_254, %mul3A_255 : i32
        %dma_start3A_257 = tpu.memref_slice %arg2[%mul3A_256] : memref<1920000xi32, #tpu.memory_space<hbm>> -> memref<192xi32, #tpu.memory_space<hbm>>
        %dma_start3A_258 = tpu.memref_slice %arg2[%mul3A_256] : memref<1920000xi32, #tpu.memory_space<hbm>> -> memref<192xi32, #tpu.memory_space<hbm>>
        tpu.enqueue_dma source(%dma_start3A_258 : memref<192xi32, #tpu.memory_space<hbm>>) target(%arg11 : memref<192xi32, #tpu.memory_space<vmem>>) target_semaphore(%arg29 : memref<!tpu.dma_semaphore, #tpu.memory_space<semaphore_mem>>)
      } else {
      }
      %add3A_232 = arith.constant 1 : i32
      %add3A_233 = arith.addi %add3A_221, %add3A_232 : i32
      %mul3A_234 = arith.constant 32 : i32
      %mul3A_235 = arith.muli %add3A_233, %mul3A_234 : i32
      %add3A_236 = arith.addi %add3A, %mul3A_235 : i32
      %lt3A_237 = arith.constant 10000 : i32
      %lt3A_238 = arith.cmpi slt, %add3A_236, %lt3A_237 : i32
      %convert_element_type3A_239 = arith.extui %lt3A_238 : i1 to i32
      %cond3A_240 = arith.constant 0 : i32
      %cond3A_241 = arith.cmpi ne, %convert_element_type3A_239, %cond3A_240 : i32
      scf.if %cond3A_241 {
        %dma_wait3A_250 = arith.constant 0 : i32
        %dma_wait3A_251 = tpu.memref_slice %arg2[%dma_wait3A_250] : memref<1920000xi32, #tpu.memory_space<hbm>> -> memref<192xi32, #tpu.memory_space<hbm>>
        %dma_wait3A_252 = arith.constant 0 : i32
        %dma_wait3A_253 = tpu.memref_slice %arg2[%dma_wait3A_252] : memref<1920000xi32, #tpu.memory_space<hbm>> -> memref<192xi32, #tpu.memory_space<hbm>>
        tpu.wait_dma2 semaphore(%arg28 : memref<!tpu.dma_semaphore, #tpu.memory_space<semaphore_mem>>) src(%dma_wait3A_253 : memref<192xi32, #tpu.memory_space<hbm>>) dst(%arg10 : memref<192xi32, #tpu.memory_space<vmem>>)
        %iota3A_254 = tpu.iota {dimensions = array<i32: 0>} : vector<16xi32>
        %add3A_255 = arith.constant 0 : i32
        %add3A_256 = vector.broadcast %add3A_255 : i32 to vector<16xi32>
        %add3A_257 = arith.addi %iota3A_254, %add3A_256 : vector<16xi32>
        %mul3A_258 = arith.constant 6 : i32
        %mul3A_259 = vector.broadcast %mul3A_258 : i32 to vector<16xi32>
        %mul3A_260 = arith.muli %add3A_257, %mul3A_259 : vector<16xi32>
        %gather3A_261 = tpu.vector_load_idx %arg10[%mul3A_260] : memref<192xi32, #tpu.memory_space<vmem>>[vector<16xi32>], vector<16xi32>,
        %add3A_262 = arith.constant 2 : i32
        %add3A_263 = vector.broadcast %add3A_262 : i32 to vector<16xi32>
        %add3A_264 = arith.addi %mul3A_260, %add3A_263 : vector<16xi32>
        %gather3A_265 = tpu.vector_load_idx %arg10[%add3A_264] : memref<192xi32, #tpu.memory_space<vmem>>[vector<16xi32>], vector<16xi32>,
        %add3A_266 = arith.constant 4 : i32
        %add3A_267 = vector.broadcast %add3A_266 : i32 to vector<16xi32>
        %add3A_268 = arith.addi %mul3A_260, %add3A_267 : vector<16xi32>
        %gather3A_269 = tpu.vector_load_idx %arg10[%add3A_268] : memref<192xi32, #tpu.memory_space<vmem>>[vector<16xi32>], vector<16xi32>,
        %add3A_270 = arith.constant 5 : i32
        %add3A_271 = vector.broadcast %add3A_270 : i32 to vector<16xi32>
        %add3A_272 = arith.addi %mul3A_260, %add3A_271 : vector<16xi32>
        %gather3A_273 = tpu.vector_load_idx %arg10[%add3A_272] : memref<192xi32, #tpu.memory_space<vmem>>[vector<16xi32>], vector<16xi32>,
        %min3A_274 = arith.constant 9999 : i32
        %min3A_275 = vector.broadcast %min3A_274 : i32 to vector<16xi32>
        %min3A_276 = arith.minsi %gather3A_273, %min3A_275 : vector<16xi32>
        %swap3A_277 = arith.constant 0 : i32
        %swap3A_278 = arith.index_cast %swap3A_277 : i32 to index
        %swap3A_279 = arith.constant 0 : index
        %swap3A_280 = tpu.vector_load %arg12[%swap3A_278, %swap3A_279] {strides = array<i32>} : memref<3x32xi32, #tpu.memory_space<vmem>>, vector<16xi32>,
        tpu.vector_store %arg12[%swap3A_278, %swap3A_279], %gather3A_269 {strides = array<i32>} : memref<3x32xi32, #tpu.memory_space<vmem>>, vector<16xi32>,
        %swap3A_281 = arith.constant 1 : i32
        %swap3A_282 = arith.index_cast %swap3A_281 : i32 to index
        %swap3A_283 = arith.constant 0 : index
        %swap3A_284 = tpu.vector_load %arg12[%swap3A_282, %swap3A_283] {strides = array<i32>} : memref<3x32xi32, #tpu.memory_space<vmem>>, vector<16xi32>,
        tpu.vector_store %arg12[%swap3A_282, %swap3A_283], %gather3A_265 {strides = array<i32>} : memref<3x32xi32, #tpu.memory_space<vmem>>, vector<16xi32>,
        %add3A_285 = arith.addi %gather3A_261, %mul3A_43 : vector<16xi32>
        %swap3A_286 = arith.constant 2 : i32
        %swap3A_287 = arith.index_cast %swap3A_286 : i32 to index
        %swap3A_288 = arith.constant 0 : index
        %swap3A_289 = tpu.vector_load %arg12[%swap3A_287, %swap3A_288] {strides = array<i32>} : memref<3x32xi32, #tpu.memory_space<vmem>>, vector<16xi32>,
        tpu.vector_store %arg12[%swap3A_287, %swap3A_288], %add3A_285 {strides = array<i32>} : memref<3x32xi32, #tpu.memory_space<vmem>>, vector<16xi32>,
        %swap3A_290 = arith.constant 0 : index
        %swap3A_291 = tpu.vector_load %arg14[%swap3A_290] {strides = array<i32>} : memref<32xi32, #tpu.memory_space<vmem>>, vector<16xi32>,
        tpu.vector_store %arg14[%swap3A_290], %min3A_276 {strides = array<i32>} : memref<32xi32, #tpu.memory_space<vmem>>, vector<16xi32>,
        %iota3A_292 = tpu.iota {dimensions = array<i32: 0>} : vector<16xi32>
        %add3A_293 = arith.constant 16 : i32
        %add3A_294 = vector.broadcast %add3A_293 : i32 to vector<16xi32>
        %add3A_295 = arith.addi %iota3A_292, %add3A_294 : vector<16xi32>
        %mul3A_296 = arith.constant 6 : i32
        %mul3A_297 = vector.broadcast %mul3A_296 : i32 to vector<16xi32>
        %mul3A_298 = arith.muli %add3A_295, %mul3A_297 : vector<16xi32>
        %gather3A_299 = tpu.vector_load_idx %arg10[%mul3A_298] : memref<192xi32, #tpu.memory_space<vmem>>[vector<16xi32>], vector<16xi32>,
        %add3A_300 = arith.constant 2 : i32
        %add3A_301 = vector.broadcast %add3A_300 : i32 to vector<16xi32>
        %add3A_302 = arith.addi %mul3A_298, %add3A_301 : vector<16xi32>
        %gather3A_303 = tpu.vector_load_idx %arg10[%add3A_302] : memref<192xi32, #tpu.memory_space<vmem>>[vector<16xi32>], vector<16xi32>,
        %add3A_304 = arith.constant 4 : i32
        %add3A_305 = vector.broadcast %add3A_304 : i32 to vector<16xi32>
        %add3A_306 = arith.addi %mul3A_298, %add3A_305 : vector<16xi32>
        %gather3A_307 = tpu.vector_load_idx %arg10[%add3A_306] : memref<192xi32, #tpu.memory_space<vmem>>[vector<16xi32>], vector<16xi32>,
        %add3A_308 = arith.constant 5 : i32
        %add3A_309 = vector.broadcast %add3A_308 : i32 to vector<16xi32>
        %add3A_310 = arith.addi %mul3A_298, %add3A_309 : vector<16xi32>
        %gather3A_311 = tpu.vector_load_idx %arg10[%add3A_310] : memref<192xi32, #tpu.memory_space<vmem>>[vector<16xi32>], vector<16xi32>,
        %min3A_312 = arith.constant 9999 : i32
        %min3A_313 = vector.broadcast %min3A_312 : i32 to vector<16xi32>
        %min3A_314 = arith.minsi %gather3A_311, %min3A_313 : vector<16xi32>
        %swap3A_315 = arith.constant 0 : i32
        %swap3A_316 = arith.index_cast %swap3A_315 : i32 to index
        %swap3A_317 = arith.constant 16 : index
        %swap3A_318 = tpu.vector_load %arg12[%swap3A_316, %swap3A_317] {strides = array<i32>} : memref<3x32xi32, #tpu.memory_space<vmem>>, vector<16xi32>,
        tpu.vector_store %arg12[%swap3A_316, %swap3A_317], %gather3A_307 {strides = array<i32>} : memref<3x32xi32, #tpu.memory_space<vmem>>, vector<16xi32>,
        %swap3A_319 = arith.constant 1 : i32
        %swap3A_320 = arith.index_cast %swap3A_319 : i32 to index
        %swap3A_321 = arith.constant 16 : index
        %swap3A_322 = tpu.vector_load %arg12[%swap3A_320, %swap3A_321] {strides = array<i32>} : memref<3x32xi32, #tpu.memory_space<vmem>>, vector<16xi32>,
        tpu.vector_store %arg12[%swap3A_320, %swap3A_321], %gather3A_303 {strides = array<i32>} : memref<3x32xi32, #tpu.memory_space<vmem>>, vector<16xi32>,
        %add3A_323 = arith.addi %gather3A_299, %mul3A_43 : vector<16xi32>
        %swap3A_324 = arith.constant 2 : i32
        %swap3A_325 = arith.index_cast %swap3A_324 : i32 to index
        %swap3A_326 = arith.constant 16 : index
        %swap3A_327 = tpu.vector_load %arg12[%swap3A_325, %swap3A_326] {strides = array<i32>} : memref<3x32xi32, #tpu.memory_space<vmem>>, vector<16xi32>,
        tpu.vector_store %arg12[%swap3A_325, %swap3A_326], %add3A_323 {strides = array<i32>} : memref<3x32xi32, #tpu.memory_space<vmem>>, vector<16xi32>,
        %swap3A_328 = arith.constant 16 : index
        %swap3A_329 = tpu.vector_load %arg14[%swap3A_328] {strides = array<i32>} : memref<32xi32, #tpu.memory_space<vmem>>, vector<16xi32>,
        tpu.vector_store %arg14[%swap3A_328], %min3A_314 {strides = array<i32>} : memref<32xi32, #tpu.memory_space<vmem>>, vector<16xi32>,
        %dma_start3A_330 = arith.constant 0 : i32
        %dma_start3A_331 = arith.constant 0 : i32
        %dma_start3A_332 = arith.constant 0 : i32
        %dma_start3A_333 = tpu.memref_slice %arg18[%dma_start3A_331, %dma_start3A_332] : memref<64x128xi32, #tpu.memory_space<vmem>> -> memref<32x128xi32, #tpu.memory_space<vmem>>
        %dma_start3A_334 = arith.constant 0 : i32
        %dma_start3A_335 = tpu.memref_slice %arg12[%dma_start3A_330, %dma_start3A_334] : memref<3x32xi32, #tpu.memory_space<vmem>> -> memref<1x32xi32, #tpu.memory_space<vmem>>
        %dma_start3A_336 = tpu.memref_squeeze %dma_start3A_335 : memref<1x32xi32, #tpu.memory_space<vmem>> -> memref<32xi32, #tpu.memory_space<vmem>>
        %dma_start3A_337 = arith.constant 0 : i32
        %dma_start3A_338 = arith.constant 0 : i32
        %dma_start3A_339 = tpu.memref_slice %arg3[%dma_start3A_337, %dma_start3A_338] : memref<10000x128xi32, #tpu.memory_space<hbm>> -> memref<10000x128xi32, #tpu.memory_space<hbm>>
        tpu.enqueue_indirect_dma source(%dma_start3A_339 : memref<10000x128xi32, #tpu.memory_space<hbm>>) target(%dma_start3A_333 : memref<32x128xi32, #tpu.memory_space<vmem>>) offsets(%dma_start3A_336 : memref<32xi32, #tpu.memory_space<vmem>>) semaphore(%arg30 : memref<!tpu.dma_semaphore, #tpu.memory_space<semaphore_mem>>)
        %dma_start3A_340 = arith.constant 1 : i32
        %dma_start3A_341 = arith.constant 32 : i32
        %dma_start3A_342 = arith.constant 0 : i32
        %dma_start3A_343 = tpu.memref_slice %arg18[%dma_start3A_341, %dma_start3A_342] : memref<64x128xi32, #tpu.memory_space<vmem>> -> memref<32x128xi32, #tpu.memory_space<vmem>>
        %dma_start3A_344 = arith.constant 0 : i32
        %dma_start3A_345 = tpu.memref_slice %arg12[%dma_start3A_340, %dma_start3A_344] : memref<3x32xi32, #tpu.memory_space<vmem>> -> memref<1x32xi32, #tpu.memory_space<vmem>>
        %dma_start3A_346 = tpu.memref_squeeze %dma_start3A_345 : memref<1x32xi32, #tpu.memory_space<vmem>> -> memref<32xi32, #tpu.memory_space<vmem>>
        %dma_start3A_347 = arith.constant 0 : i32
        %dma_start3A_348 = arith.constant 0 : i32
        %dma_start3A_349 = tpu.memref_slice %arg4[%dma_start3A_347, %dma_start3A_348] : memref<10240x128xi32, #tpu.memory_space<hbm>> -> memref<10240x128xi32, #tpu.memory_space<hbm>>
        tpu.enqueue_indirect_dma source(%dma_start3A_349 : memref<10240x128xi32, #tpu.memory_space<hbm>>) target(%dma_start3A_343 : memref<32x128xi32, #tpu.memory_space<vmem>>) offsets(%dma_start3A_346 : memref<32xi32, #tpu.memory_space<vmem>>) semaphore(%arg30 : memref<!tpu.dma_semaphore, #tpu.memory_space<semaphore_mem>>)
        %dma_start3A_350 = arith.constant 2 : i32
        %dma_start3A_351 = arith.constant 0 : i32
        %dma_start3A_352 = tpu.memref_slice %arg12[%dma_start3A_350, %dma_start3A_351] : memref<3x32xi32, #tpu.memory_space<vmem>> -> memref<1x32xi32, #tpu.memory_space<vmem>>
        %dma_start3A_353 = tpu.memref_squeeze %dma_start3A_352 : memref<1x32xi32, #tpu.memory_space<vmem>> -> memref<32xi32, #tpu.memory_space<vmem>>
        %dma_start3A_354 = arith.constant 0 : i32
        %dma_start3A_355 = arith.constant 0 : i32
        %dma_start3A_356 = tpu.memref_slice %arg9[%dma_start3A_354, %dma_start3A_355] : memref<20480x128xf32, #tpu.memory_space<hbm>> -> memref<20480x128xf32, #tpu.memory_space<hbm>>
        tpu.enqueue_indirect_dma source(%dma_start3A_356 : memref<20480x128xf32, #tpu.memory_space<hbm>>) target(%arg20 : memref<32x128xf32, #tpu.memory_space<vmem>>) offsets(%dma_start3A_353 : memref<32xi32, #tpu.memory_space<vmem>>) semaphore(%arg30 : memref<!tpu.dma_semaphore, #tpu.memory_space<semaphore_mem>>)
      } else {
      }
      %mul3A_242 = arith.constant 32 : i32
      %mul3A_243 = arith.muli %add3A_221, %mul3A_242 : i32
      %add3A_244 = arith.addi %add3A, %mul3A_243 : i32
      %lt3A_245 = arith.constant 10000 : i32
      %lt3A_246 = arith.cmpi slt, %add3A_244, %lt3A_245 : i32
      %convert_element_type3A_247 = arith.extui %lt3A_246 : i1 to i32
      %cond3A_248 = arith.constant 0 : i32
      %cond3A_249 = arith.cmpi ne, %convert_element_type3A_247, %cond3A_248 : i32
      scf.if %cond3A_249 {
        %dma_wait3A_250 = arith.constant 0 : i32
        %dma_wait3A_251 = arith.constant 0 : i32
        %dma_wait3A_252 = tpu.memref_slice %arg3[%dma_wait3A_250, %dma_wait3A_251] : memref<10000x128xi32, #tpu.memory_space<hbm>> -> memref<64x128xi32, #tpu.memory_space<hbm>>
        %dma_wait3A_253 = arith.constant 0 : i32
        %dma_wait3A_254 = arith.constant 0 : i32
        %dma_wait3A_255 = tpu.memref_slice %arg3[%dma_wait3A_253, %dma_wait3A_254] : memref<10000x128xi32, #tpu.memory_space<hbm>> -> memref<64x128xi32, #tpu.memory_space<hbm>>
        tpu.wait_dma2 semaphore(%arg31 : memref<!tpu.dma_semaphore, #tpu.memory_space<semaphore_mem>>) src(%dma_wait3A_255 : memref<64x128xi32, #tpu.memory_space<hbm>>) dst(%arg19 : memref<64x128xi32, #tpu.memory_space<vmem>>)
        %dma_wait3A_256 = arith.constant 0 : i32
        %dma_wait3A_257 = arith.constant 0 : i32
        %dma_wait3A_258 = tpu.memref_slice %arg5[%dma_wait3A_256, %dma_wait3A_257] : memref<10240x128xf32, #tpu.memory_space<hbm>> -> memref<32x128xf32, #tpu.memory_space<hbm>>
        %dma_wait3A_259 = arith.constant 0 : i32
        %dma_wait3A_260 = arith.constant 0 : i32
        %dma_wait3A_261 = tpu.memref_slice %arg5[%dma_wait3A_259, %dma_wait3A_260] : memref<10240x128xf32, #tpu.memory_space<hbm>> -> memref<32x128xf32, #tpu.memory_space<hbm>>
        tpu.wait_dma2 semaphore(%arg31 : memref<!tpu.dma_semaphore, #tpu.memory_space<semaphore_mem>>) src(%dma_wait3A_261 : memref<32x128xf32, #tpu.memory_space<hbm>>) dst(%arg21 : memref<32x128xf32, #tpu.memory_space<vmem>>)
        %ge3A = arith.constant 2 : i32
        %ge3A_262 = arith.cmpi sge, %add3A_221, %ge3A : i32
        %convert_element_type3A_263 = arith.extui %ge3A_262 : i1 to i32
        %cond3A_264 = arith.constant 0 : i32
        %cond3A_265 = arith.cmpi ne, %convert_element_type3A_263, %cond3A_264 : i32
        scf.if %cond3A_265 {
          %dma_wait3A_283 = arith.constant 0 : i32
          %dma_wait3A_284 = arith.constant 0 : i32
          %dma_wait3A_285 = tpu.memref_slice %arg27[%dma_wait3A_283, %dma_wait3A_284] : memref<10000x128xf32, #tpu.memory_space<vmem_shared>> -> memref<10000x128xf32, #tpu.memory_space<vmem_shared>>
          tpu.wait_indirect_dma semaphore(%arg33 : memref<!tpu.dma_semaphore, #tpu.memory_space<semaphore_mem>>) src(%arg23 : memref<32x128xf32, #tpu.memory_space<vmem>>) dst(%dma_wait3A_285 : memref<10000x128xf32, #tpu.memory_space<vmem_shared>>)
        } else {
        }
        %scan3A_266 = arith.constant 0 : i32
        %scan3A_267 = arith.constant 0 : i32
        %scan3A_268 = arith.constant 32 : i32
        %scan3A_269 = arith.addi %scan3A_267, %scan3A_268 : i32
        %scan3A_270 = arith.constant 1 : i32
        scf.for %scan3A_283 = %scan3A_267 to %scan3A_269 step %scan3A_270  : i32 {
          %broadcast_in_dim3A_284 = arith.constant 0.000000e+00 : f32
          %broadcast_in_dim3A_285 = vector.broadcast %broadcast_in_dim3A_284 : f32 to vector<16xf32>
          %get3A_286 = arith.index_cast %scan3A_283 : i32 to index
          %get3A_287 = arith.constant 0 : index
          %get3A_288 = tpu.vector_load %arg19[%get3A_286, %get3A_287] {strides = array<i32>} : memref<64x128xi32, #tpu.memory_space<vmem>>, vector<16xi32>,
          %bitcast3A = vector.bitcast %get3A_288 : vector<16xi32> to vector<32xbf16>
          %unpack3A = tpu.unpack_subelements %bitcast3A, 0 {pack_format = #tpu.pack_format<interleaved>} : vector<32xbf16> -> vector<16xf32>
          %unpack3A_289 = tpu.unpack_subelements %bitcast3A, 1 {pack_format = #tpu.pack_format<interleaved>} : vector<32xbf16> -> vector<16xf32>
          %add3A_290 = arith.constant 32 : i32
          %add3A_291 = arith.addi %add3A_290, %scan3A_283 : i32
          %get3A_292 = arith.index_cast %add3A_291 : i32 to index
          %get3A_293 = arith.constant 0 : index
          %get3A_294 = tpu.vector_load %arg19[%get3A_292, %get3A_293] {strides = array<i32>} : memref<64x128xi32, #tpu.memory_space<vmem>>, vector<16xi32>,
          %bitcast3A_295 = vector.bitcast %get3A_294 : vector<16xi32> to vector<32xbf16>
          %unpack3A_296 = tpu.unpack_subelements %bitcast3A_295, 0 {pack_format = #tpu.pack_format<interleaved>} : vector<32xbf16> -> vector<16xf32>
          %unpack3A_297 = tpu.unpack_subelements %bitcast3A_295, 1 {pack_format = #tpu.pack_format<interleaved>} : vector<32xbf16> -> vector<16xf32>
          %add3A_298 = arith.addf %unpack3A, %unpack3A_296 : vector<16xf32>
          %get3A_299 = arith.index_cast %scan3A_283 : i32 to index
          %get3A_300 = arith.constant 0 : index
          %get3A_301 = tpu.vector_load %arg21[%get3A_299, %get3A_300] {strides = array<i32>} : memref<32x128xf32, #tpu.memory_space<vmem>>, vector<16xf32>,
          %add3A_302 = arith.addf %add3A_298, %get3A_301 : vector<16xf32>
          %max3A = arith.constant 0.000000e+00 : f32
          %max3A_303 = vector.broadcast %max3A : f32 to vector<16xf32>
          %max3A_304 = arith.maximumf %add3A_302, %max3A_303 : vector<16xf32>
          %mul3A_305 = arith.mulf %max3A_304, %get3A_21 : vector<16xf32>
          %add3A_306 = arith.addf %broadcast_in_dim3A_285, %mul3A_305 : vector<16xf32>
          %add3A_307 = arith.addf %unpack3A_289, %unpack3A_297 : vector<16xf32>
          %get3A_308 = arith.index_cast %scan3A_283 : i32 to index
          %get3A_309 = arith.constant 16 : index
          %get3A_310 = tpu.vector_load %arg19[%get3A_308, %get3A_309] {strides = array<i32>} : memref<64x128xi32, #tpu.memory_space<vmem>>, vector<16xi32>,
          %bitcast3A_311 = vector.bitcast %get3A_310 : vector<16xi32> to vector<32xbf16>
          %unpack3A_312 = tpu.unpack_subelements %bitcast3A_311, 0 {pack_format = #tpu.pack_format<interleaved>} : vector<32xbf16> -> vector<16xf32>
          %unpack3A_313 = tpu.unpack_subelements %bitcast3A_311, 1 {pack_format = #tpu.pack_format<interleaved>} : vector<32xbf16> -> vector<16xf32>
          %add3A_314 = arith.constant 32 : i32
          %add3A_315 = arith.addi %add3A_314, %scan3A_283 : i32
          %get3A_316 = arith.index_cast %add3A_315 : i32 to index
          %get3A_317 = arith.constant 16 : index
          %get3A_318 = tpu.vector_load %arg19[%get3A_316, %get3A_317] {strides = array<i32>} : memref<64x128xi32, #tpu.memory_space<vmem>>, vector<16xi32>,
          %bitcast3A_319 = vector.bitcast %get3A_318 : vector<16xi32> to vector<32xbf16>
          %unpack3A_320 = tpu.unpack_subelements %bitcast3A_319, 0 {pack_format = #tpu.pack_format<interleaved>} : vector<32xbf16> -> vector<16xf32>
          %unpack3A_321 = tpu.unpack_subelements %bitcast3A_319, 1 {pack_format = #tpu.pack_format<interleaved>} : vector<32xbf16> -> vector<16xf32>
          %add3A_322 = arith.addf %unpack3A_312, %unpack3A_320 : vector<16xf32>
          %get3A_323 = arith.index_cast %scan3A_283 : i32 to index
          %get3A_324 = arith.constant 16 : index
          %get3A_325 = tpu.vector_load %arg21[%get3A_323, %get3A_324] {strides = array<i32>} : memref<32x128xf32, #tpu.memory_space<vmem>>, vector<16xf32>,
          %add3A_326 = arith.addf %add3A_322, %get3A_325 : vector<16xf32>
          %max3A_327 = arith.constant 0.000000e+00 : f32
          %max3A_328 = vector.broadcast %max3A_327 : f32 to vector<16xf32>
          %max3A_329 = arith.maximumf %add3A_326, %max3A_328 : vector<16xf32>
          %mul3A_330 = arith.mulf %max3A_329, %get3A_23 : vector<16xf32>
          %add3A_331 = arith.addf %add3A_306, %mul3A_330 : vector<16xf32>
          %add3A_332 = arith.addf %unpack3A_313, %unpack3A_321 : vector<16xf32>
          %get3A_333 = arith.index_cast %scan3A_283 : i32 to index
          %get3A_334 = arith.constant 32 : index
          %get3A_335 = tpu.vector_load %arg19[%get3A_333, %get3A_334] {strides = array<i32>} : memref<64x128xi32, #tpu.memory_space<vmem>>, vector<16xi32>,
          %bitcast3A_336 = vector.bitcast %get3A_335 : vector<16xi32> to vector<32xbf16>
          %unpack3A_337 = tpu.unpack_subelements %bitcast3A_336, 0 {pack_format = #tpu.pack_format<interleaved>} : vector<32xbf16> -> vector<16xf32>
          %unpack3A_338 = tpu.unpack_subelements %bitcast3A_336, 1 {pack_format = #tpu.pack_format<interleaved>} : vector<32xbf16> -> vector<16xf32>
          %add3A_339 = arith.constant 32 : i32
          %add3A_340 = arith.addi %add3A_339, %scan3A_283 : i32
          %get3A_341 = arith.index_cast %add3A_340 : i32 to index
          %get3A_342 = arith.constant 32 : index
          %get3A_343 = tpu.vector_load %arg19[%get3A_341, %get3A_342] {strides = array<i32>} : memref<64x128xi32, #tpu.memory_space<vmem>>, vector<16xi32>,
          %bitcast3A_344 = vector.bitcast %get3A_343 : vector<16xi32> to vector<32xbf16>
          %unpack3A_345 = tpu.unpack_subelements %bitcast3A_344, 0 {pack_format = #tpu.pack_format<interleaved>} : vector<32xbf16> -> vector<16xf32>
          %unpack3A_346 = tpu.unpack_subelements %bitcast3A_344, 1 {pack_format = #tpu.pack_format<interleaved>} : vector<32xbf16> -> vector<16xf32>
          %add3A_347 = arith.addf %unpack3A_337, %unpack3A_345 : vector<16xf32>
          %get3A_348 = arith.index_cast %scan3A_283 : i32 to index
          %get3A_349 = arith.constant 32 : index
          %get3A_350 = tpu.vector_load %arg21[%get3A_348, %get3A_349] {strides = array<i32>} : memref<32x128xf32, #tpu.memory_space<vmem>>, vector<16xf32>,
          %add3A_351 = arith.addf %add3A_347, %get3A_350 : vector<16xf32>
          %max3A_352 = arith.constant 0.000000e+00 : f32
          %max3A_353 = vector.broadcast %max3A_352 : f32 to vector<16xf32>
          %max3A_354 = arith.maximumf %add3A_351, %max3A_353 : vector<16xf32>
          %mul3A_355 = arith.mulf %max3A_354, %get3A_25 : vector<16xf32>
          %add3A_356 = arith.addf %add3A_331, %mul3A_355 : vector<16xf32>
          %add3A_357 = arith.addf %unpack3A_338, %unpack3A_346 : vector<16xf32>
          %get3A_358 = arith.index_cast %scan3A_283 : i32 to index
          %get3A_359 = arith.constant 48 : index
          %get3A_360 = tpu.vector_load %arg19[%get3A_358, %get3A_359] {strides = array<i32>} : memref<64x128xi32, #tpu.memory_space<vmem>>, vector<16xi32>,
          %bitcast3A_361 = vector.bitcast %get3A_360 : vector<16xi32> to vector<32xbf16>
          %unpack3A_362 = tpu.unpack_subelements %bitcast3A_361, 0 {pack_format = #tpu.pack_format<interleaved>} : vector<32xbf16> -> vector<16xf32>
          %unpack3A_363 = tpu.unpack_subelements %bitcast3A_361, 1 {pack_format = #tpu.pack_format<interleaved>} : vector<32xbf16> -> vector<16xf32>
          %add3A_364 = arith.constant 32 : i32
          %add3A_365 = arith.addi %add3A_364, %scan3A_283 : i32
          %get3A_366 = arith.index_cast %add3A_365 : i32 to index
          %get3A_367 = arith.constant 48 : index
          %get3A_368 = tpu.vector_load %arg19[%get3A_366, %get3A_367] {strides = array<i32>} : memref<64x128xi32, #tpu.memory_space<vmem>>, vector<16xi32>,
          %bitcast3A_369 = vector.bitcast %get3A_368 : vector<16xi32> to vector<32xbf16>
          %unpack3A_370 = tpu.unpack_subelements %bitcast3A_369, 0 {pack_format = #tpu.pack_format<interleaved>} : vector<32xbf16> -> vector<16xf32>
          %unpack3A_371 = tpu.unpack_subelements %bitcast3A_369, 1 {pack_format = #tpu.pack_format<interleaved>} : vector<32xbf16> -> vector<16xf32>
          %add3A_372 = arith.addf %unpack3A_362, %unpack3A_370 : vector<16xf32>
          %get3A_373 = arith.index_cast %scan3A_283 : i32 to index
          %get3A_374 = arith.constant 48 : index
          %get3A_375 = tpu.vector_load %arg21[%get3A_373, %get3A_374] {strides = array<i32>} : memref<32x128xf32, #tpu.memory_space<vmem>>, vector<16xf32>,
          %add3A_376 = arith.addf %add3A_372, %get3A_375 : vector<16xf32>
          %max3A_377 = arith.constant 0.000000e+00 : f32
          %max3A_378 = vector.broadcast %max3A_377 : f32 to vector<16xf32>
          %max3A_379 = arith.maximumf %add3A_376, %max3A_378 : vector<16xf32>
          %mul3A_380 = arith.mulf %max3A_379, %get3A_27 : vector<16xf32>
          %add3A_381 = arith.addf %add3A_356, %mul3A_380 : vector<16xf32>
          %add3A_382 = arith.addf %unpack3A_363, %unpack3A_371 : vector<16xf32>
          %get3A_383 = arith.index_cast %scan3A_283 : i32 to index
          %get3A_384 = arith.constant 64 : index
          %get3A_385 = tpu.vector_load %arg19[%get3A_383, %get3A_384] {strides = array<i32>} : memref<64x128xi32, #tpu.memory_space<vmem>>, vector<16xi32>,
          %bitcast3A_386 = vector.bitcast %get3A_385 : vector<16xi32> to vector<32xbf16>
          %unpack3A_387 = tpu.unpack_subelements %bitcast3A_386, 0 {pack_format = #tpu.pack_format<interleaved>} : vector<32xbf16> -> vector<16xf32>
          %unpack3A_388 = tpu.unpack_subelements %bitcast3A_386, 1 {pack_format = #tpu.pack_format<interleaved>} : vector<32xbf16> -> vector<16xf32>
          %add3A_389 = arith.constant 32 : i32
          %add3A_390 = arith.addi %add3A_389, %scan3A_283 : i32
          %get3A_391 = arith.index_cast %add3A_390 : i32 to index
          %get3A_392 = arith.constant 64 : index
          %get3A_393 = tpu.vector_load %arg19[%get3A_391, %get3A_392] {strides = array<i32>} : memref<64x128xi32, #tpu.memory_space<vmem>>, vector<16xi32>,
          %bitcast3A_394 = vector.bitcast %get3A_393 : vector<16xi32> to vector<32xbf16>
          %unpack3A_395 = tpu.unpack_subelements %bitcast3A_394, 0 {pack_format = #tpu.pack_format<interleaved>} : vector<32xbf16> -> vector<16xf32>
          %unpack3A_396 = tpu.unpack_subelements %bitcast3A_394, 1 {pack_format = #tpu.pack_format<interleaved>} : vector<32xbf16> -> vector<16xf32>
          %add3A_397 = arith.addf %unpack3A_387, %unpack3A_395 : vector<16xf32>
          %get3A_398 = arith.index_cast %scan3A_283 : i32 to index
          %get3A_399 = arith.constant 64 : index
          %get3A_400 = tpu.vector_load %arg21[%get3A_398, %get3A_399] {strides = array<i32>} : memref<32x128xf32, #tpu.memory_space<vmem>>, vector<16xf32>,
          %add3A_401 = arith.addf %add3A_397, %get3A_400 : vector<16xf32>
          %max3A_402 = arith.constant 0.000000e+00 : f32
          %max3A_403 = vector.broadcast %max3A_402 : f32 to vector<16xf32>
          %max3A_404 = arith.maximumf %add3A_401, %max3A_403 : vector<16xf32>
          %mul3A_405 = arith.mulf %max3A_404, %get3A_29 : vector<16xf32>
          %add3A_406 = arith.addf %add3A_381, %mul3A_405 : vector<16xf32>
          %add3A_407 = arith.addf %unpack3A_388, %unpack3A_396 : vector<16xf32>
          %get3A_408 = arith.index_cast %scan3A_283 : i32 to index
          %get3A_409 = arith.constant 80 : index
          %get3A_410 = tpu.vector_load %arg19[%get3A_408, %get3A_409] {strides = array<i32>} : memref<64x128xi32, #tpu.memory_space<vmem>>, vector<16xi32>,
          %bitcast3A_411 = vector.bitcast %get3A_410 : vector<16xi32> to vector<32xbf16>
          %unpack3A_412 = tpu.unpack_subelements %bitcast3A_411, 0 {pack_format = #tpu.pack_format<interleaved>} : vector<32xbf16> -> vector<16xf32>
          %unpack3A_413 = tpu.unpack_subelements %bitcast3A_411, 1 {pack_format = #tpu.pack_format<interleaved>} : vector<32xbf16> -> vector<16xf32>
          %add3A_414 = arith.constant 32 : i32
          %add3A_415 = arith.addi %add3A_414, %scan3A_283 : i32
          %get3A_416 = arith.index_cast %add3A_415 : i32 to index
          %get3A_417 = arith.constant 80 : index
          %get3A_418 = tpu.vector_load %arg19[%get3A_416, %get3A_417] {strides = array<i32>} : memref<64x128xi32, #tpu.memory_space<vmem>>, vector<16xi32>,
          %bitcast3A_419 = vector.bitcast %get3A_418 : vector<16xi32> to vector<32xbf16>
          %unpack3A_420 = tpu.unpack_subelements %bitcast3A_419, 0 {pack_format = #tpu.pack_format<interleaved>} : vector<32xbf16> -> vector<16xf32>
          %unpack3A_421 = tpu.unpack_subelements %bitcast3A_419, 1 {pack_format = #tpu.pack_format<interleaved>} : vector<32xbf16> -> vector<16xf32>
          %add3A_422 = arith.addf %unpack3A_412, %unpack3A_420 : vector<16xf32>
          %get3A_423 = arith.index_cast %scan3A_283 : i32 to index
          %get3A_424 = arith.constant 80 : index
          %get3A_425 = tpu.vector_load %arg21[%get3A_423, %get3A_424] {strides = array<i32>} : memref<32x128xf32, #tpu.memory_space<vmem>>, vector<16xf32>,
          %add3A_426 = arith.addf %add3A_422, %get3A_425 : vector<16xf32>
          %max3A_427 = arith.constant 0.000000e+00 : f32
          %max3A_428 = vector.broadcast %max3A_427 : f32 to vector<16xf32>
          %max3A_429 = arith.maximumf %add3A_426, %max3A_428 : vector<16xf32>
          %mul3A_430 = arith.mulf %max3A_429, %get3A_31 : vector<16xf32>
          %add3A_431 = arith.addf %add3A_406, %mul3A_430 : vector<16xf32>
          %add3A_432 = arith.addf %unpack3A_413, %unpack3A_421 : vector<16xf32>
          %get3A_433 = arith.index_cast %scan3A_283 : i32 to index
          %get3A_434 = arith.constant 96 : index
          %get3A_435 = tpu.vector_load %arg19[%get3A_433, %get3A_434] {strides = array<i32>} : memref<64x128xi32, #tpu.memory_space<vmem>>, vector<16xi32>,
          %bitcast3A_436 = vector.bitcast %get3A_435 : vector<16xi32> to vector<32xbf16>
          %unpack3A_437 = tpu.unpack_subelements %bitcast3A_436, 0 {pack_format = #tpu.pack_format<interleaved>} : vector<32xbf16> -> vector<16xf32>
          %unpack3A_438 = tpu.unpack_subelements %bitcast3A_436, 1 {pack_format = #tpu.pack_format<interleaved>} : vector<32xbf16> -> vector<16xf32>
          %add3A_439 = arith.constant 32 : i32
          %add3A_440 = arith.addi %add3A_439, %scan3A_283 : i32
          %get3A_441 = arith.index_cast %add3A_440 : i32 to index
          %get3A_442 = arith.constant 96 : index
          %get3A_443 = tpu.vector_load %arg19[%get3A_441, %get3A_442] {strides = array<i32>} : memref<64x128xi32, #tpu.memory_space<vmem>>, vector<16xi32>,
          %bitcast3A_444 = vector.bitcast %get3A_443 : vector<16xi32> to vector<32xbf16>
          %unpack3A_445 = tpu.unpack_subelements %bitcast3A_444, 0 {pack_format = #tpu.pack_format<interleaved>} : vector<32xbf16> -> vector<16xf32>
          %unpack3A_446 = tpu.unpack_subelements %bitcast3A_444, 1 {pack_format = #tpu.pack_format<interleaved>} : vector<32xbf16> -> vector<16xf32>
          %add3A_447 = arith.addf %unpack3A_437, %unpack3A_445 : vector<16xf32>
          %get3A_448 = arith.index_cast %scan3A_283 : i32 to index
          %get3A_449 = arith.constant 96 : index
          %get3A_450 = tpu.vector_load %arg21[%get3A_448, %get3A_449] {strides = array<i32>} : memref<32x128xf32, #tpu.memory_space<vmem>>, vector<16xf32>,
          %add3A_451 = arith.addf %add3A_447, %get3A_450 : vector<16xf32>
          %max3A_452 = arith.constant 0.000000e+00 : f32
          %max3A_453 = vector.broadcast %max3A_452 : f32 to vector<16xf32>
          %max3A_454 = arith.maximumf %add3A_451, %max3A_453 : vector<16xf32>
          %mul3A_455 = arith.mulf %max3A_454, %get3A_33 : vector<16xf32>
          %add3A_456 = arith.addf %add3A_431, %mul3A_455 : vector<16xf32>
          %add3A_457 = arith.addf %unpack3A_438, %unpack3A_446 : vector<16xf32>
          %get3A_458 = arith.index_cast %scan3A_283 : i32 to index
          %get3A_459 = arith.constant 112 : index
          %get3A_460 = tpu.vector_load %arg19[%get3A_458, %get3A_459] {strides = array<i32>} : memref<64x128xi32, #tpu.memory_space<vmem>>, vector<16xi32>,
          %bitcast3A_461 = vector.bitcast %get3A_460 : vector<16xi32> to vector<32xbf16>
          %unpack3A_462 = tpu.unpack_subelements %bitcast3A_461, 0 {pack_format = #tpu.pack_format<interleaved>} : vector<32xbf16> -> vector<16xf32>
          %unpack3A_463 = tpu.unpack_subelements %bitcast3A_461, 1 {pack_format = #tpu.pack_format<interleaved>} : vector<32xbf16> -> vector<16xf32>
          %add3A_464 = arith.constant 32 : i32
          %add3A_465 = arith.addi %add3A_464, %scan3A_283 : i32
          %get3A_466 = arith.index_cast %add3A_465 : i32 to index
          %get3A_467 = arith.constant 112 : index
          %get3A_468 = tpu.vector_load %arg19[%get3A_466, %get3A_467] {strides = array<i32>} : memref<64x128xi32, #tpu.memory_space<vmem>>, vector<16xi32>,
          %bitcast3A_469 = vector.bitcast %get3A_468 : vector<16xi32> to vector<32xbf16>
          %unpack3A_470 = tpu.unpack_subelements %bitcast3A_469, 0 {pack_format = #tpu.pack_format<interleaved>} : vector<32xbf16> -> vector<16xf32>
          %unpack3A_471 = tpu.unpack_subelements %bitcast3A_469, 1 {pack_format = #tpu.pack_format<interleaved>} : vector<32xbf16> -> vector<16xf32>
          %add3A_472 = arith.addf %unpack3A_462, %unpack3A_470 : vector<16xf32>
          %get3A_473 = arith.index_cast %scan3A_283 : i32 to index
          %get3A_474 = arith.constant 112 : index
          %get3A_475 = tpu.vector_load %arg21[%get3A_473, %get3A_474] {strides = array<i32>} : memref<32x128xf32, #tpu.memory_space<vmem>>, vector<16xf32>,
          %add3A_476 = arith.addf %add3A_472, %get3A_475 : vector<16xf32>
          %max3A_477 = arith.constant 0.000000e+00 : f32
          %max3A_478 = vector.broadcast %max3A_477 : f32 to vector<16xf32>
          %max3A_479 = arith.maximumf %add3A_476, %max3A_478 : vector<16xf32>
          %mul3A_480 = arith.mulf %max3A_479, %get3A_35 : vector<16xf32>
          %add3A_481 = arith.addf %add3A_456, %mul3A_480 : vector<16xf32>
          %add3A_482 = arith.addf %unpack3A_463, %unpack3A_471 : vector<16xf32>
          %reduce_sum3A = arith.constant true
          %reduce_sum3A_483 = vector.broadcast %reduce_sum3A : i1 to vector<16xi1>
          %reduce_sum3A_484 = tpu.scan <sum>, %add3A_481 masked %reduce_sum3A_483 : vector<16xf32>, vector<16xi1> -> vector<16xf32>
          %reduce_sum3A_485 = vector.extract %reduce_sum3A_484[15] : f32 from vector<16xf32>
          %broadcast_in_dim3A_486 = vector.broadcast %reduce_sum3A_485 : f32 to vector<16xf32>
          %add3A_487 = arith.addf %broadcast_in_dim3A_486, %get3A_37 : vector<16xf32>
          %neg3A = arith.constant 0.000000e+00 : f32
          %neg3A_488 = vector.broadcast %neg3A : f32 to vector<16xf32>
          %neg3A_489 = arith.subf %neg3A_488, %add3A_487 : vector<16xf32>
          %exp3A = math.exp %neg3A_489 : vector<16xf32>
          %add3A_490 = arith.constant 1.000000e+00 : f32
          %add3A_491 = vector.broadcast %add3A_490 : f32 to vector<16xf32>
          %add3A_492 = arith.addf %add3A_491, %exp3A : vector<16xf32>
          %div3A = arith.constant 1.000000e+00 : f32
          %div3A_493 = vector.broadcast %div3A : f32 to vector<16xf32>
          %div3A_494 = arith.divf %div3A_493, %add3A_492 : vector<16xf32>
          %mul3A_495 = arith.mulf %div3A_494, %add3A_307 : vector<16xf32>
          %swap3A_496 = arith.index_cast %scan3A_283 : i32 to index
          %swap3A_497 = arith.constant 0 : index
          %swap3A_498 = tpu.vector_load %arg23[%swap3A_496, %swap3A_497] {strides = array<i32>} : memref<32x128xf32, #tpu.memory_space<vmem>>, vector<16xf32>,
          tpu.vector_store %arg23[%swap3A_496, %swap3A_497], %mul3A_495 {strides = array<i32>} : memref<32x128xf32, #tpu.memory_space<vmem>>, vector<16xf32>,
          %mul3A_499 = arith.mulf %div3A_494, %add3A_332 : vector<16xf32>
          %swap3A_500 = arith.index_cast %scan3A_283 : i32 to index
          %swap3A_501 = arith.constant 16 : index
          %swap3A_502 = tpu.vector_load %arg23[%swap3A_500, %swap3A_501] {strides = array<i32>} : memref<32x128xf32, #tpu.memory_space<vmem>>, vector<16xf32>,
          tpu.vector_store %arg23[%swap3A_500, %swap3A_501], %mul3A_499 {strides = array<i32>} : memref<32x128xf32, #tpu.memory_space<vmem>>, vector<16xf32>,
          %mul3A_503 = arith.mulf %div3A_494, %add3A_357 : vector<16xf32>
          %swap3A_504 = arith.index_cast %scan3A_283 : i32 to index
          %swap3A_505 = arith.constant 32 : index
          %swap3A_506 = tpu.vector_load %arg23[%swap3A_504, %swap3A_505] {strides = array<i32>} : memref<32x128xf32, #tpu.memory_space<vmem>>, vector<16xf32>,
          tpu.vector_store %arg23[%swap3A_504, %swap3A_505], %mul3A_503 {strides = array<i32>} : memref<32x128xf32, #tpu.memory_space<vmem>>, vector<16xf32>,
          %mul3A_507 = arith.mulf %div3A_494, %add3A_382 : vector<16xf32>
          %swap3A_508 = arith.index_cast %scan3A_283 : i32 to index
          %swap3A_509 = arith.constant 48 : index
          %swap3A_510 = tpu.vector_load %arg23[%swap3A_508, %swap3A_509] {strides = array<i32>} : memref<32x128xf32, #tpu.memory_space<vmem>>, vector<16xf32>,
          tpu.vector_store %arg23[%swap3A_508, %swap3A_509], %mul3A_507 {strides = array<i32>} : memref<32x128xf32, #tpu.memory_space<vmem>>, vector<16xf32>,
          %mul3A_511 = arith.mulf %div3A_494, %add3A_407 : vector<16xf32>
          %swap3A_512 = arith.index_cast %scan3A_283 : i32 to index
          %swap3A_513 = arith.constant 64 : index
          %swap3A_514 = tpu.vector_load %arg23[%swap3A_512, %swap3A_513] {strides = array<i32>} : memref<32x128xf32, #tpu.memory_space<vmem>>, vector<16xf32>,
          tpu.vector_store %arg23[%swap3A_512, %swap3A_513], %mul3A_511 {strides = array<i32>} : memref<32x128xf32, #tpu.memory_space<vmem>>, vector<16xf32>,
          %mul3A_515 = arith.mulf %div3A_494, %add3A_432 : vector<16xf32>
          %swap3A_516 = arith.index_cast %scan3A_283 : i32 to index
          %swap3A_517 = arith.constant 80 : index
          %swap3A_518 = tpu.vector_load %arg23[%swap3A_516, %swap3A_517] {strides = array<i32>} : memref<32x128xf32, #tpu.memory_space<vmem>>, vector<16xf32>,
          tpu.vector_store %arg23[%swap3A_516, %swap3A_517], %mul3A_515 {strides = array<i32>} : memref<32x128xf32, #tpu.memory_space<vmem>>, vector<16xf32>,
          %mul3A_519 = arith.mulf %div3A_494, %add3A_457 : vector<16xf32>
          %swap3A_520 = arith.index_cast %scan3A_283 : i32 to index
          %swap3A_521 = arith.constant 96 : index
          %swap3A_522 = tpu.vector_load %arg23[%swap3A_520, %swap3A_521] {strides = array<i32>} : memref<32x128xf32, #tpu.memory_space<vmem>>, vector<16xf32>,
          tpu.vector_store %arg23[%swap3A_520, %swap3A_521], %mul3A_519 {strides = array<i32>} : memref<32x128xf32, #tpu.memory_space<vmem>>, vector<16xf32>,
          %mul3A_523 = arith.mulf %div3A_494, %add3A_482 : vector<16xf32>
          %swap3A_524 = arith.index_cast %scan3A_283 : i32 to index
          %swap3A_525 = arith.constant 112 : index
          %swap3A_526 = tpu.vector_load %arg23[%swap3A_524, %swap3A_525] {strides = array<i32>} : memref<32x128xf32, #tpu.memory_space<vmem>>, vector<16xf32>,
          tpu.vector_store %arg23[%swap3A_524, %swap3A_525], %mul3A_523 {strides = array<i32>} : memref<32x128xf32, #tpu.memory_space<vmem>>, vector<16xf32>,
        }
        %scan3A_271 = arith.constant 32 : i32
        %get3A_272 = arith.constant 0 : index
        %get3A_273 = tpu.vector_load %arg15[%get3A_272] {strides = array<i32>} : memref<32xi32, #tpu.memory_space<vmem>>, vector<16xi32>,
        %swap3A_274 = arith.constant 0 : index
        %swap3A_275 = tpu.vector_load %arg17[%swap3A_274] {strides = array<i32>} : memref<32xi32, #tpu.memory_space<vmem>>, vector<16xi32>,
        tpu.vector_store %arg17[%swap3A_274], %get3A_273 {strides = array<i32>} : memref<32xi32, #tpu.memory_space<vmem>>, vector<16xi32>,
        %get3A_276 = arith.constant 16 : index
        %get3A_277 = tpu.vector_load %arg15[%get3A_276] {strides = array<i32>} : memref<32xi32, #tpu.memory_space<vmem>>, vector<16xi32>,
        %swap3A_278 = arith.constant 16 : index
        %swap3A_279 = tpu.vector_load %arg17[%swap3A_278] {strides = array<i32>} : memref<32xi32, #tpu.memory_space<vmem>>, vector<16xi32>,
        tpu.vector_store %arg17[%swap3A_278], %get3A_277 {strides = array<i32>} : memref<32xi32, #tpu.memory_space<vmem>>, vector<16xi32>,
        %dma_start3A_280 = arith.constant 0 : i32
        %dma_start3A_281 = arith.constant 0 : i32
        %dma_start3A_282 = tpu.memref_slice %arg27[%dma_start3A_280, %dma_start3A_281] : memref<10000x128xf32, #tpu.memory_space<vmem_shared>> -> memref<10000x128xf32, #tpu.memory_space<vmem_shared>>
        tpu.enqueue_indirect_dma source(%arg23 : memref<32x128xf32, #tpu.memory_space<vmem>>) target(%dma_start3A_282 : memref<10000x128xf32, #tpu.memory_space<vmem_shared>>) offsets(%arg17 : memref<32xi32, #tpu.memory_space<vmem>>) semaphore(%arg33 : memref<!tpu.dma_semaphore, #tpu.memory_space<semaphore_mem>>) {add = true}
      } else {
      }
    }
    %scan3A_163 = arith.constant 157 : i32
    %add3A_164 = arith.constant 0 : i32
    %add3A_165 = arith.addi %add3A, %add3A_164 : i32
    %lt3A_166 = arith.constant 10000 : i32
    %lt3A_167 = arith.cmpi slt, %add3A_165, %lt3A_166 : i32
    %convert_element_type3A_168 = arith.extui %lt3A_167 : i1 to i32
    %cond3A_169 = arith.constant 0 : i32
    %cond3A_170 = arith.cmpi ne, %convert_element_type3A_168, %cond3A_169 : i32
    scf.if %cond3A_170 {
      %dma_wait3A_189 = arith.constant 0 : i32
      %dma_wait3A_190 = arith.constant 0 : i32
      %dma_wait3A_191 = tpu.memref_slice %arg27[%dma_wait3A_189, %dma_wait3A_190] : memref<10000x128xf32, #tpu.memory_space<vmem_shared>> -> memref<10000x128xf32, #tpu.memory_space<vmem_shared>>
      tpu.wait_indirect_dma semaphore(%arg32 : memref<!tpu.dma_semaphore, #tpu.memory_space<semaphore_mem>>) src(%arg22 : memref<32x128xf32, #tpu.memory_space<vmem>>) dst(%dma_wait3A_191 : memref<10000x128xf32, #tpu.memory_space<vmem_shared>>)
    } else {
    }
    %add3A_171 = arith.constant 32 : i32
    %add3A_172 = arith.addi %add3A, %add3A_171 : i32
    %lt3A_173 = arith.constant 10000 : i32
    %lt3A_174 = arith.cmpi slt, %add3A_172, %lt3A_173 : i32
    %convert_element_type3A_175 = arith.extui %lt3A_174 : i1 to i32
    %cond3A_176 = arith.constant 0 : i32
    %cond3A_177 = arith.cmpi ne, %convert_element_type3A_175, %cond3A_176 : i32
    scf.if %cond3A_177 {
      %dma_wait3A_189 = arith.constant 0 : i32
      %dma_wait3A_190 = arith.constant 0 : i32
      %dma_wait3A_191 = tpu.memref_slice %arg27[%dma_wait3A_189, %dma_wait3A_190] : memref<10000x128xf32, #tpu.memory_space<vmem_shared>> -> memref<10000x128xf32, #tpu.memory_space<vmem_shared>>
      tpu.wait_indirect_dma semaphore(%arg33 : memref<!tpu.dma_semaphore, #tpu.memory_space<semaphore_mem>>) src(%arg23 : memref<32x128xf32, #tpu.memory_space<vmem>>) dst(%dma_wait3A_191 : memref<10000x128xf32, #tpu.memory_space<vmem_shared>>)
    } else {
    }
    %barrier3A_178 = arith.constant 0 : index
    tpu.barrier barrier_id(%barrier3A_178)
    %lt3A_179 = arith.constant 15 : i32
    %lt3A_180 = arith.cmpi slt, %arg1, %lt3A_179 : i32
    %convert_element_type3A_181 = arith.extui %lt3A_180 : i1 to i32
    %cond3A_182 = arith.constant 0 : i32
    %cond3A_183 = arith.cmpi ne, %convert_element_type3A_181, %cond3A_182 : i32
    scf.if %cond3A_183 {
      %mul3A_189 = arith.constant 10000 : i32
      %mul3A_190 = arith.muli %arg0, %mul3A_189 : i32
      %add3A_191 = arith.addi %mul3A_190, %mul3A_2 : i32
      "tpu.region"() ({
        %run_scoped3A = tpu.sem_alloc : memref<!tpu.dma_semaphore, #tpu.memory_space<semaphore_mem>>
        %dma_start3A_192 = arith.constant 0 : i32
        %dma_start3A_193 = tpu.memref_slice %arg8[%add3A_191, %dma_start3A_192] : memref<20000x128xf32, #tpu.memory_space<hbm>> -> memref<632x128xf32, #tpu.memory_space<hbm>>
        %dma_start3A_194 = arith.constant 0 : i32
        %dma_start3A_195 = tpu.memref_slice %arg27[%mul3A_2, %dma_start3A_194] : memref<10000x128xf32, #tpu.memory_space<vmem_shared>> -> memref<632x128xf32, #tpu.memory_space<vmem_shared>>
        tpu.enqueue_dma source(%dma_start3A_195 : memref<632x128xf32, #tpu.memory_space<vmem_shared>>) target(%dma_start3A_193 : memref<632x128xf32, #tpu.memory_space<hbm>>) target_semaphore(%run_scoped3A : memref<!tpu.dma_semaphore, #tpu.memory_space<semaphore_mem>>)
        %dma_wait3A_196 = arith.constant 0 : i32
        %dma_wait3A_197 = tpu.memref_slice %arg8[%add3A_191, %dma_wait3A_196] : memref<20000x128xf32, #tpu.memory_space<hbm>> -> memref<632x128xf32, #tpu.memory_space<hbm>>
        %dma_wait3A_198 = arith.constant 0 : i32
        %dma_wait3A_199 = tpu.memref_slice %arg27[%mul3A_2, %dma_wait3A_198] : memref<10000x128xf32, #tpu.memory_space<vmem_shared>> -> memref<632x128xf32, #tpu.memory_space<vmem_shared>>
        tpu.wait_dma2 semaphore(%run_scoped3A : memref<!tpu.dma_semaphore, #tpu.memory_space<semaphore_mem>>) src(%dma_wait3A_199 : memref<632x128xf32, #tpu.memory_space<vmem_shared>>) dst(%dma_wait3A_197 : memref<632x128xf32, #tpu.memory_space<hbm>>)
        tpu.yield
      }) : () -> ()
    } else {
    }
    %eq3A_184 = arith.constant 15 : i32
    %eq3A_185 = arith.cmpi eq, %arg1, %eq3A_184 : i32
    %convert_element_type3A_186 = arith.extui %eq3A_185 : i1 to i32
    %cond3A_187 = arith.constant 0 : i32
    %cond3A_188 = arith.cmpi ne, %convert_element_type3A_186, %cond3A_187 : i32
    scf.if %cond3A_188 {
      %mul3A_189 = arith.constant 10000 : i32
      %mul3A_190 = arith.muli %arg0, %mul3A_189 : i32
      %add3A_191 = arith.addi %mul3A_190, %mul3A_2 : i32
      "tpu.region"() ({
        %run_scoped3A = tpu.sem_alloc : memref<!tpu.dma_semaphore, #tpu.memory_space<semaphore_mem>>
        %dma_start3A_192 = arith.constant 0 : i32
        %dma_start3A_193 = tpu.memref_slice %arg8[%add3A_191, %dma_start3A_192] : memref<20000x128xf32, #tpu.memory_space<hbm>> -> memref<520x128xf32, #tpu.memory_space<hbm>>
        %dma_start3A_194 = arith.constant 0 : i32
        %dma_start3A_195 = tpu.memref_slice %arg27[%mul3A_2, %dma_start3A_194] : memref<10000x128xf32, #tpu.memory_space<vmem_shared>> -> memref<520x128xf32, #tpu.memory_space<vmem_shared>>
        tpu.enqueue_dma source(%dma_start3A_195 : memref<520x128xf32, #tpu.memory_space<vmem_shared>>) target(%dma_start3A_193 : memref<520x128xf32, #tpu.memory_space<hbm>>) target_semaphore(%run_scoped3A : memref<!tpu.dma_semaphore, #tpu.memory_space<semaphore_mem>>)
        %dma_wait3A_196 = arith.constant 0 : i32
        %dma_wait3A_197 = tpu.memref_slice %arg8[%add3A_191, %dma_wait3A_196] : memref<20000x128xf32, #tpu.memory_space<hbm>> -> memref<520x128xf32, #tpu.memory_space<hbm>>
        %dma_wait3A_198 = arith.constant 0 : i32
        %dma_wait3A_199 = tpu.memref_slice %arg27[%mul3A_2, %dma_wait3A_198] : memref<10000x128xf32, #tpu.memory_space<vmem_shared>> -> memref<520x128xf32, #tpu.memory_space<vmem_shared>>
        tpu.wait_dma2 semaphore(%run_scoped3A : memref<!tpu.dma_semaphore, #tpu.memory_space<semaphore_mem>>) src(%dma_wait3A_199 : memref<520x128xf32, #tpu.memory_space<vmem_shared>>) dst(%dma_wait3A_197 : memref<520x128xf32, #tpu.memory_space<hbm>>)
        tpu.yield
      }) : () -> ()
    } else {
    }
    return
  }
}

module attributes {stable_mosaic.version = 14 : i64} {
  func.func @_fin_body(%arg0: i32, %arg1: memref<2x400x128xf32, #tpu.memory_space<vmem>>, %arg2: memref<128x128xf32, #tpu.memory_space<vmem>>, %arg3: memref<400x128xf32, #tpu.memory_space<vmem>>) attributes {dimension_semantics = [#tpu.dimension_semantics<arbitrary>], iteration_bounds = array<i64: 25>, scalar_prefetch = 0 : i64, scratch_operands = 0 : i64, tpu.core_type = #tpu.core_type<tc>, window_params = [{transform_indices = @transform_0, window_bounds = array<i64: 2, 400, 128>}, {pipeline_mode = #tpu.pipeline_mode<synchronous>, transform_indices = @transform_1, window_bounds = array<i64: 128, 128>}, {transform_indices = @transform_2, window_bounds = array<i64: 400, 128>}]} {
    %get3A = arith.constant 0 : index
    %get3A_0 = arith.constant 0 : index
    %get3A_1 = arith.constant 0 : index
    %get3A_2 = vector.load %arg1[%get3A, %get3A_0, %get3A_1] : memref<2x400x128xf32, #tpu.memory_space<vmem>>, vector<1x400x128xf32>
    %get3A_3 = vector.shape_cast %get3A_2 : vector<1x400x128xf32> to vector<400x128xf32>
    %get3A_4 = arith.constant 1 : index
    %get3A_5 = arith.constant 0 : index
    %get3A_6 = arith.constant 0 : index
    %get3A_7 = vector.load %arg1[%get3A_4, %get3A_5, %get3A_6] : memref<2x400x128xf32, #tpu.memory_space<vmem>>, vector<1x400x128xf32>
    %get3A_8 = vector.shape_cast %get3A_7 : vector<1x400x128xf32> to vector<400x128xf32>
    %add3A = arith.addf %get3A_3, %get3A_8 : vector<400x128xf32>
    %get3A_9 = arith.constant 0 : index
    %get3A_10 = arith.constant 0 : index
    %get3A_11 = vector.load %arg2[%get3A_9, %get3A_10] : memref<128x128xf32, #tpu.memory_space<vmem>>, vector<128x128xf32>
    %dot_general3A = arith.constant dense<0.000000e+00> : vector<400x128xf32>
    %dot_general3A_12 = tpu.matmul %add3A, %get3A_11, %dot_general3A {dimension_numbers = #tpu.dot_dimension_numbers<[1], [0], [0], [1], [0, 0, 1, 1], [], []>, transpose_lhs_hint = false} : vector<400x128xf32>, vector<128x128xf32>, vector<400x128xf32> -> vector<400x128xf32>
    %swap3A = arith.constant 0 : index
    %swap3A_13 = arith.constant 0 : index
    %swap3A_14 = vector.load %arg3[%swap3A, %swap3A_13] : memref<400x128xf32, #tpu.memory_space<vmem>>, vector<400x128xf32>
    tpu.vector_store %arg3[%swap3A, %swap3A_13], %dot_general3A_12 {strides = array<i32>} : memref<400x128xf32, #tpu.memory_space<vmem>>, vector<400x128xf32>,
    return
  }
  func.func @transform_0(%arg0: i32) -> (i32, i32, i32) {
    %c0_i32 = arith.constant 0 : i32
    %c0_i32_0 = arith.constant 0 : i32
    %c0_i32_1 = arith.constant 0 : i32
    return %c0_i32, %arg0, %c0_i32_0 : i32, i32, i32
  }
  func.func @transform_1(%arg0: i32) -> (i32, i32) {
    %c0_i32 = arith.constant 0 : i32
    %c0_i32_0 = arith.constant 0 : i32
    %c0_i32_1 = arith.constant 0 : i32
    return %c0_i32, %c0_i32_0 : i32, i32
  }
  func.func @transform_2(%arg0: i32) -> (i32, i32) {
    %c0_i32 = arith.constant 0 : i32
    %c0_i32_0 = arith.constant 0 : i32
    return %arg0, %c0_i32 : i32, i32
  }
}

module attributes {stable_mosaic.version = 14 : i64} {
  func.func @_tab_body(%arg0: i32, %arg1: memref<400x128xf32, #tpu.memory_space<vmem>>, %arg2: memref<512x128xf32, #tpu.memory_space<vmem>>, %arg3: memref<128x128xf32, #tpu.memory_space<vmem>>, %arg4: memref<128x128xf32, #tpu.memory_space<vmem>>, %arg5: memref<128x128xf32, #tpu.memory_space<vmem>>, %arg6: memref<1x128xf32, #tpu.memory_space<vmem>>, %arg7: memref<400x128xi32, #tpu.memory_space<vmem>>, %arg8: memref<512x128xi32, #tpu.memory_space<vmem>>, %arg9: memref<512x128xf32, #tpu.memory_space<vmem>>) attributes {dimension_semantics = [#tpu.dimension_semantics<arbitrary>], iteration_bounds = array<i64: 45>, scalar_prefetch = 0 : i64, scratch_operands = 0 : i64, tpu.core_type = #tpu.core_type<tc>, window_params = [{transform_indices = @transform_0, window_bounds = array<i64: 400, 128>}, {transform_indices = @transform_1, window_bounds = array<i64: 512, 128>}, {pipeline_mode = #tpu.pipeline_mode<synchronous>, transform_indices = @transform_2, window_bounds = array<i64: 128, 128>}, {pipeline_mode = #tpu.pipeline_mode<synchronous>, transform_indices = @transform_3, window_bounds = array<i64: 128, 128>}, {pipeline_mode = #tpu.pipeline_mode<synchronous>, transform_indices = @transform_4, window_bounds = array<i64: 128, 128>}, {pipeline_mode = #tpu.pipeline_mode<synchronous>, transform_indices = @transform_5, window_bounds = array<i64: 1, 128>}, {transform_indices = @transform_6, window_bounds = array<i64: 400, 128>}, {transform_indices = @transform_7, window_bounds = array<i64: 512, 128>}, {transform_indices = @transform_8, window_bounds = array<i64: 512, 128>}]} {
    %lt3A = arith.constant 25 : i32
    %lt3A_0 = arith.cmpi slt, %arg0, %lt3A : i32
    %convert_element_type3A = arith.extui %lt3A_0 : i1 to i32
    %cond3A = arith.constant 0 : i32
    %cond3A_1 = arith.cmpi ne, %convert_element_type3A, %cond3A : i32
    scf.if %cond3A_1 {
      %get3A = arith.constant 0 : index
      %get3A_6 = arith.constant 0 : index
      %get3A_7 = vector.load %arg1[%get3A, %get3A_6] : memref<400x128xf32, #tpu.memory_space<vmem>>, vector<400x128xf32>
      %get3A_8 = arith.constant 0 : index
      %get3A_9 = arith.constant 0 : index
      %get3A_10 = vector.load %arg3[%get3A_8, %get3A_9] : memref<128x128xf32, #tpu.memory_space<vmem>>, vector<128x128xf32>
      %dot_general3A = arith.constant dense<0.000000e+00> : vector<400x128xf32>
      %dot_general3A_11 = tpu.matmul %get3A_7, %get3A_10, %dot_general3A {dimension_numbers = #tpu.dot_dimension_numbers<[1], [0], [0], [1], [0, 0, 1, 1], [], []>, transpose_lhs_hint = false} : vector<400x128xf32>, vector<128x128xf32>, vector<400x128xf32> -> vector<400x128xf32>
      %bitcast_convert_type3A = tpu.bitcast %dot_general3A_11 : vector<400x128xf32> -> vector<400x128xi32>
      %add3A = arith.constant 32767 : i32
      %add3A_12 = vector.broadcast %add3A : i32 to vector<400x128xi32>
      %add3A_13 = arith.addi %bitcast_convert_type3A, %add3A_12 : vector<400x128xi32>
      %shift_right_logical3A = arith.constant 16 : i32
      %shift_right_logical3A_14 = vector.broadcast %shift_right_logical3A : i32 to vector<400x128xi32>
      %shift_right_logical3A_15 = arith.shrui %bitcast_convert_type3A, %shift_right_logical3A_14 : vector<400x128xi32>
      %and3A = arith.constant 1 : i32
      %and3A_16 = vector.broadcast %and3A : i32 to vector<400x128xi32>
      %and3A_17 = arith.andi %shift_right_logical3A_15, %and3A_16 : vector<400x128xi32>
      %add3A_18 = arith.addi %add3A_13, %and3A_17 : vector<400x128xi32>
      %shift_right_logical3A_19 = arith.constant 16 : i32
      %shift_right_logical3A_20 = vector.broadcast %shift_right_logical3A_19 : i32 to vector<400x128xi32>
      %shift_right_logical3A_21 = arith.shrui %add3A_18, %shift_right_logical3A_20 : vector<400x128xi32>
      %bitcast_convert_type3A_22 = tpu.bitcast %get3A_7 : vector<400x128xf32> -> vector<400x128xi32>
      %add3A_23 = arith.constant 32767 : i32
      %add3A_24 = vector.broadcast %add3A_23 : i32 to vector<400x128xi32>
      %add3A_25 = arith.addi %bitcast_convert_type3A_22, %add3A_24 : vector<400x128xi32>
      %shift_right_logical3A_26 = arith.constant 16 : i32
      %shift_right_logical3A_27 = vector.broadcast %shift_right_logical3A_26 : i32 to vector<400x128xi32>
      %shift_right_logical3A_28 = arith.shrui %bitcast_convert_type3A_22, %shift_right_logical3A_27 : vector<400x128xi32>
      %and3A_29 = arith.constant 1 : i32
      %and3A_30 = vector.broadcast %and3A_29 : i32 to vector<400x128xi32>
      %and3A_31 = arith.andi %shift_right_logical3A_28, %and3A_30 : vector<400x128xi32>
      %add3A_32 = arith.addi %add3A_25, %and3A_31 : vector<400x128xi32>
      %shift_right_logical3A_33 = arith.constant 16 : i32
      %shift_right_logical3A_34 = vector.broadcast %shift_right_logical3A_33 : i32 to vector<400x128xi32>
      %shift_right_logical3A_35 = arith.shrui %add3A_32, %shift_right_logical3A_34 : vector<400x128xi32>
      %shift_left3A = arith.constant 16 : i32
      %shift_left3A_36 = vector.broadcast %shift_left3A : i32 to vector<400x128xi32>
      %shift_left3A_37 = arith.shli %shift_right_logical3A_35, %shift_left3A_36 : vector<400x128xi32>
      %or3A = arith.ori %shift_right_logical3A_21, %shift_left3A_37 : vector<400x128xi32>
      %bitcast_convert_type3A_38 = tpu.bitcast %or3A : vector<400x128xi32> -> vector<400x128xi32>
      %swap3A = arith.constant 0 : index
      %swap3A_39 = arith.constant 0 : index
      %swap3A_40 = vector.load %arg7[%swap3A, %swap3A_39] : memref<400x128xi32, #tpu.memory_space<vmem>>, vector<400x128xi32>
      tpu.vector_store %arg7[%swap3A, %swap3A_39], %bitcast_convert_type3A_38 {strides = array<i32>} : memref<400x128xi32, #tpu.memory_space<vmem>>, vector<400x128xi32>,
    } else {
    }
    %ge3A = arith.constant 25 : i32
    %ge3A_2 = arith.cmpi sge, %arg0, %ge3A : i32
    %convert_element_type3A_3 = arith.extui %ge3A_2 : i1 to i32
    %cond3A_4 = arith.constant 0 : i32
    %cond3A_5 = arith.cmpi ne, %convert_element_type3A_3, %cond3A_4 : i32
    scf.if %cond3A_5 {
      %get3A = arith.constant 0 : index
      %get3A_6 = arith.constant 0 : index
      %get3A_7 = vector.load %arg2[%get3A, %get3A_6] : memref<512x128xf32, #tpu.memory_space<vmem>>, vector<512x128xf32>
      %get3A_8 = arith.constant 0 : index
      %get3A_9 = arith.constant 0 : index
      %get3A_10 = vector.load %arg4[%get3A_8, %get3A_9] : memref<128x128xf32, #tpu.memory_space<vmem>>, vector<128x128xf32>
      %dot_general3A = arith.constant dense<0.000000e+00> : vector<512x128xf32>
      %dot_general3A_11 = tpu.matmul %get3A_7, %get3A_10, %dot_general3A {dimension_numbers = #tpu.dot_dimension_numbers<[1], [0], [0], [1], [0, 0, 1, 1], [], []>, transpose_lhs_hint = false} : vector<512x128xf32>, vector<128x128xf32>, vector<512x128xf32> -> vector<512x128xf32>
      %bitcast_convert_type3A = tpu.bitcast %dot_general3A_11 : vector<512x128xf32> -> vector<512x128xi32>
      %add3A = arith.constant 32767 : i32
      %add3A_12 = vector.broadcast %add3A : i32 to vector<512x128xi32>
      %add3A_13 = arith.addi %bitcast_convert_type3A, %add3A_12 : vector<512x128xi32>
      %shift_right_logical3A = arith.constant 16 : i32
      %shift_right_logical3A_14 = vector.broadcast %shift_right_logical3A : i32 to vector<512x128xi32>
      %shift_right_logical3A_15 = arith.shrui %bitcast_convert_type3A, %shift_right_logical3A_14 : vector<512x128xi32>
      %and3A = arith.constant 1 : i32
      %and3A_16 = vector.broadcast %and3A : i32 to vector<512x128xi32>
      %and3A_17 = arith.andi %shift_right_logical3A_15, %and3A_16 : vector<512x128xi32>
      %add3A_18 = arith.addi %add3A_13, %and3A_17 : vector<512x128xi32>
      %shift_right_logical3A_19 = arith.constant 16 : i32
      %shift_right_logical3A_20 = vector.broadcast %shift_right_logical3A_19 : i32 to vector<512x128xi32>
      %shift_right_logical3A_21 = arith.shrui %add3A_18, %shift_right_logical3A_20 : vector<512x128xi32>
      %bitcast_convert_type3A_22 = tpu.bitcast %get3A_7 : vector<512x128xf32> -> vector<512x128xi32>
      %add3A_23 = arith.constant 32767 : i32
      %add3A_24 = vector.broadcast %add3A_23 : i32 to vector<512x128xi32>
      %add3A_25 = arith.addi %bitcast_convert_type3A_22, %add3A_24 : vector<512x128xi32>
      %shift_right_logical3A_26 = arith.constant 16 : i32
      %shift_right_logical3A_27 = vector.broadcast %shift_right_logical3A_26 : i32 to vector<512x128xi32>
      %shift_right_logical3A_28 = arith.shrui %bitcast_convert_type3A_22, %shift_right_logical3A_27 : vector<512x128xi32>
      %and3A_29 = arith.constant 1 : i32
      %and3A_30 = vector.broadcast %and3A_29 : i32 to vector<512x128xi32>
      %and3A_31 = arith.andi %shift_right_logical3A_28, %and3A_30 : vector<512x128xi32>
      %add3A_32 = arith.addi %add3A_25, %and3A_31 : vector<512x128xi32>
      %shift_right_logical3A_33 = arith.constant 16 : i32
      %shift_right_logical3A_34 = vector.broadcast %shift_right_logical3A_33 : i32 to vector<512x128xi32>
      %shift_right_logical3A_35 = arith.shrui %add3A_32, %shift_right_logical3A_34 : vector<512x128xi32>
      %shift_left3A = arith.constant 16 : i32
      %shift_left3A_36 = vector.broadcast %shift_left3A : i32 to vector<512x128xi32>
      %shift_left3A_37 = arith.shli %shift_right_logical3A_35, %shift_left3A_36 : vector<512x128xi32>
      %or3A = arith.ori %shift_right_logical3A_21, %shift_left3A_37 : vector<512x128xi32>
      %bitcast_convert_type3A_38 = tpu.bitcast %or3A : vector<512x128xi32> -> vector<512x128xi32>
      %swap3A = arith.constant 0 : index
      %swap3A_39 = arith.constant 0 : index
      %swap3A_40 = vector.load %arg8[%swap3A, %swap3A_39] : memref<512x128xi32, #tpu.memory_space<vmem>>, vector<512x128xi32>
      tpu.vector_store %arg8[%swap3A, %swap3A_39], %bitcast_convert_type3A_38 {strides = array<i32>} : memref<512x128xi32, #tpu.memory_space<vmem>>, vector<512x128xi32>,
      %get3A_41 = arith.constant 0 : index
      %get3A_42 = arith.constant 0 : index
      %get3A_43 = vector.load %arg5[%get3A_41, %get3A_42] : memref<128x128xf32, #tpu.memory_space<vmem>>, vector<128x128xf32>
      %dot_general3A_44 = arith.constant dense<0.000000e+00> : vector<512x128xf32>
      %dot_general3A_45 = tpu.matmul %get3A_7, %get3A_43, %dot_general3A_44 {dimension_numbers = #tpu.dot_dimension_numbers<[1], [0], [0], [1], [0, 0, 1, 1], [], []>, transpose_lhs_hint = false} : vector<512x128xf32>, vector<128x128xf32>, vector<512x128xf32> -> vector<512x128xf32>
      %get3A_46 = arith.constant 0 : index
      %get3A_47 = arith.constant 0 : index
      %get3A_48 = vector.load %arg6[%get3A_46, %get3A_47] : memref<1x128xf32, #tpu.memory_space<vmem>>, vector<1x128xf32>
      %add3A_49 = vector.broadcast %get3A_48 : vector<1x128xf32> to vector<512x128xf32>
      %add3A_50 = arith.addf %dot_general3A_45, %add3A_49 : vector<512x128xf32>
      %swap3A_51 = arith.constant 0 : index
      %swap3A_52 = arith.constant 0 : index
      %swap3A_53 = vector.load %arg9[%swap3A_51, %swap3A_52] : memref<512x128xf32, #tpu.memory_space<vmem>>, vector<512x128xf32>
      tpu.vector_store %arg9[%swap3A_51, %swap3A_52], %add3A_50 {strides = array<i32>} : memref<512x128xf32, #tpu.memory_space<vmem>>, vector<512x128xf32>,
    } else {
    }
    return
  }
  func.func @transform_0(%arg0: i32) -> (i32, i32) {
    %min3A = arith.constant 24 : i32
    %min3A_0 = arith.minsi %arg0, %min3A : i32
    %c0_i32 = arith.constant 0 : i32
    %c0_i32_1 = arith.constant 0 : i32
    return %min3A_0, %c0_i32 : i32, i32
  }
  func.func @transform_1(%arg0: i32) -> (i32, i32) {
    %sub3A = arith.constant 25 : i32
    %sub3A_0 = arith.subi %arg0, %sub3A : i32
    %jit3A = arith.constant 0 : i32
    %jit3A_1 = arith.constant 19 : i32
    %max3A = arith.maxsi %jit3A, %sub3A_0 : i32
    %min3A = arith.minsi %jit3A_1, %max3A : i32
    %c0_i32 = arith.constant 0 : i32
    %c0_i32_2 = arith.constant 0 : i32
    return %min3A, %c0_i32 : i32, i32
  }
  func.func @transform_2(%arg0: i32) -> (i32, i32) {
    %c0_i32 = arith.constant 0 : i32
    %c0_i32_0 = arith.constant 0 : i32
    %c0_i32_1 = arith.constant 0 : i32
    return %c0_i32, %c0_i32_0 : i32, i32
  }
  func.func @transform_3(%arg0: i32) -> (i32, i32) {
    %c0_i32 = arith.constant 0 : i32
    %c0_i32_0 = arith.constant 0 : i32
    %c0_i32_1 = arith.constant 0 : i32
    return %c0_i32, %c0_i32_0 : i32, i32
  }
  func.func @transform_4(%arg0: i32) -> (i32, i32) {
    %c0_i32 = arith.constant 0 : i32
    %c0_i32_0 = arith.constant 0 : i32
    %c0_i32_1 = arith.constant 0 : i32
    return %c0_i32, %c0_i32_0 : i32, i32
  }
  func.func @transform_5(%arg0: i32) -> (i32, i32) {
    %c0_i32 = arith.constant 0 : i32
    %c0_i32_0 = arith.constant 0 : i32
    %c0_i32_1 = arith.constant 0 : i32
    return %c0_i32, %c0_i32_0 : i32, i32
  }
  func.func @transform_6(%arg0: i32) -> (i32, i32) {
    %min3A = arith.constant 24 : i32
    %min3A_0 = arith.minsi %arg0, %min3A : i32
    %c0_i32 = arith.constant 0 : i32
    %c0_i32_1 = arith.constant 0 : i32
    return %min3A_0, %c0_i32 : i32, i32
  }
  func.func @transform_7(%arg0: i32) -> (i32, i32) {
    %sub3A = arith.constant 25 : i32
    %sub3A_0 = arith.subi %arg0, %sub3A : i32
    %jit3A = arith.constant 0 : i32
    %jit3A_1 = arith.constant 19 : i32
    %max3A = arith.maxsi %jit3A, %sub3A_0 : i32
    %min3A = arith.minsi %jit3A_1, %max3A : i32
    %c0_i32 = arith.constant 0 : i32
    %c0_i32_2 = arith.constant 0 : i32
    return %min3A, %c0_i32 : i32, i32
  }
  func.func @transform_8(%arg0: i32) -> (i32, i32) {
    %sub3A = arith.constant 25 : i32
    %sub3A_0 = arith.subi %arg0, %sub3A : i32
    %jit3A = arith.constant 0 : i32
    %jit3A_1 = arith.constant 19 : i32
    %max3A = arith.maxsi %jit3A, %sub3A_0 : i32
    %min3A = arith.minsi %jit3A_1, %max3A : i32
    %c0_i32 = arith.constant 0 : i32
    %c0_i32_2 = arith.constant 0 : i32
    return %min3A, %c0_i32 : i32, i32
  }
}

</mosaic_0001>

<sc_bundles>
// kernel: kernel.5.cloned.1.call-start
scs
__scs_entry_jumppad:
0x0: {  	(pc) =	sbr.rel $0x88, $3  }
0x1: {  	(tag) =	ssettag $0x0;
	lr =	simm.s32 $0x1  }
0x2: {  	[smem:$0x3F96] =	sst lr;
	_ =	strace $0xD0000000  }
0x3: {  	_ = 	snop  }
0x4: {  	_ = 	snop  }
0x5: {  	_ = 	snop  }
0x6: {  	_ = 	snop  }
0x7: {  	_ = 	snop  }
__scs_overlays_trampoline_lowered:
0x8: {  	[smem:$0x3FA5] =	sst s0  }
0x9: {  	[smem:$0x3FA6] =	sst s1  }
0xa: {  	[smem:$0x3FA7] =	sst s2  }
0xb: {  	[smem:$0x3FA8] =	sst s3  }
0xc: {  	[smem:$0x3FA9] =	sst s4  }
0xd: {  	[smem:$0x3FAA] =	sst s5  }
0xe: {  	[smem:$0x3FAB] =	sst s6  }
0xf: {  	[smem:$0x3FAC] =	sst s7  }
0x10: {  	[smem:$0x3FAD] =	sst s8  }
0x11: {  	[smem:$0x3FAE] =	sst s9;
	s0 =	simm.s32 @!p0 $0x0  }
0x12: {  	s1 =	sld [smem:$0x3F94];
	s0 =	simm.s32 @p0 $0x1  }
0x13: {  	[smem:$0x3FAF] =	sst s0;
	s0 =	simm.s32 @!p1 $0x0  }
0x14: {  	s2 =	sld [smem:$0x3F93];
	s0 =	simm.s32 @p1 $0x1  }
0x15: {  	[smem:$0x3FB0] =	sst s0;
	s0 =	simm.s32 @!p2 $0x0  }
0x16: {  	s3 =	sld [smem:$0x3FDB];
	s0 =	simm.s32 @p2 $0x1  }
0x17: {  	s4 =	simm.s32 $0x1BF5;
	[smem:$0x3FB2] =	sst s0  }
0x18: {  	s0 =	sld [smem:$0x3F95];
	_ =	swait.ge [sflag:s4], $0x0  }
0x19: {  	s7 =	sld [smem:$0x3F96]  }
0x1a: {  	s8 =	sadd.s32 $0xFFFFE003, lr  }
0x1b: {  	s9 =	sadd.s32 $0xFFFFFEF7, lr;
	s5 =	simm.s32 $0xFFFFFFFF;
	p2 =	slt.u32 s8, $0xFFFFF086  }
0x1c: {  	p1 =	slt.u32 s9, $0xF7A;
	s5 =	simm.s32 @!p2 $0x0  }
0x1d: {  	s5 =	simm.s32 @p1 $0x1;
	p0 =	seq.s32 s7, s2  }
0x1e: {  	s7 =	smul.u32 @!p0 $0xF7A, s2;
	p2 =	seq.s32 @!p0 s5, $0x0  }
0x1f: {  	s9 =	smul.u32 $0xF7A, s1;
	s8 =	simm.s32 @!p0 $0x1BF5;
	p2 =	por !p2, p0  }
0x20: {  	[sflag:s8] =	ssyncset.s32 @!p0 $0xFFFFF086;
	s6 =	sadd.s32 @!p0 s3, s7;
	s7 =	simm.s32 @!p0 $0x108  }
0x21: {  	s3 =	sadd.s32 s3, s9;
	s6 =	sadd.s32 @!p0 $0x88, s6;
	s7 =	simm.s32 @p2 $0x1082  }
0x22: {  	[simem:s7], [sflag:s8] =	dma.local @!p0 [hbm:s6], $0xF7A  }
0x23: {  	s9 =	sor.u32 $0xD0000000, s2;
	s6 =	simm.s32 $0x108;
	_ =	swait.ge @!p0 [sflag:s8], $0x0  }
0x24: {  	s3 =	sadd.s32 $0x88, s3;
	s6 =	simm.s32 @!p1 $0x1082;
	[sflag:s4] =	ssyncset.s32 $0xFFFFF086  }
0x25: {  	[simem:s6], [sflag:s4] =	dma.local [hbm:s3], $0xF7A  }
0x26: {  	[smem:$0x3F96] =	sst s1;
	(tag) =	ssettag s2;
	_ =	strace s9  }
0x27: {  	s1 =	sld [smem:$0x3FA6]  }
0x28: {  	s2 =	sld [smem:$0x3FA7]  }
0x29: {  	s4 =	sld [smem:$0x3FA9]  }
0x2a: {  	p0 =	seq.s32 s5, $0x0;
	s5 =	sld [smem:$0x3FAA]  }
0x2b: {  	s6 =	sld [smem:$0x3FAB]  }
0x2c: {  	s7 =	sld [smem:$0x3FAC]  }
0x2d: {  	s3 =	simm.s32 $0x108;
	s8 =	sld [smem:$0x3FAD]  }
0x2e: {  	s3 =	simm.s32 @!p0 $0x1082;
	s9 =	sld [smem:$0x3FAE]  }
0x2f: {  	lr =	sadd.s32 s0, s3;
	s0 =	sld [smem:$0x3FA5]  }
0x30: {  	s3 =	sld [smem:$0x3FA8]  }
0x31: {  	[smem:$0x3FB1] =	sst s10  }
0x32: {  	s10 =	sld [smem:$0x3FAF];
	_ =	sdelay $0x3  }
0x33: {  	p0 =	seq.s32 s10, $0x1;
	s10 =	sld [smem:$0x3FB1];
	_ =	sdelay $0x3  }
0x34: {  	[smem:$0x3FB1] =	sst s10  }
0x35: {  	s10 =	sld [smem:$0x3FB0];
	_ =	sdelay $0x3  }
0x36: {  	p1 =	seq.s32 s10, $0x1;
	s10 =	sld [smem:$0x3FB1];
	_ =	sdelay $0x3  }
0x37: {  	[smem:$0x3FB1] =	sst s10  }
0x38: {  	s10 =	sld [smem:$0x3FB2]  }
0x39: {  	_ = 	snop;
	(pc) =	sbr.ind lr, $3  }
0x3a: {  	_ = 	snop  }
0x3b: {  	_ = 	snop  }
0x3c: {  	p2 =	seq.s32 s10, $0x1;
	s10 =	sld [smem:$0x3FB1]  }
0x3d: {  	_ =	shalt  }
0x3e: {  	_ =	shalt  }
0x3f: {  	_ =	shalt  }
0x40: {  	_ =	shalt  }
0x41: {  	_ =	shalt  }
0x42: {  	_ =	shalt  }
0x43: {  	_ =	shalt  }
0x44: {  	_ =	shalt  }
0x45: {  	_ =	shalt  }
0x46: {  	_ =	shalt  }
0x47: {  	_ =	shalt  }
0x48: {  	_ =	shalt  }
0x49: {  	_ =	shalt  }
0x4a: {  	_ =	shalt  }
0x4b: {  	_ =	shalt  }
0x4c: {  	_ =	shalt  }
0x4d: {  	_ =	shalt  }
0x4e: {  	_ =	shalt  }
0x4f: {  	_ =	shalt  }
0x50: {  	_ =	shalt  }
0x51: {  	_ =	shalt  }
0x52: {  	_ =	shalt  }
0x53: {  	_ =	shalt  }
0x54: {  	_ =	shalt  }
0x55: {  	_ =	shalt  }
0x56: {  	_ =	shalt  }
0x57: {  	_ =	shalt  }
0x58: {  	_ =	shalt  }
0x59: {  	_ =	shalt  }
0x5a: {  	_ =	shalt  }
0x5b: {  	_ =	shalt  }
0x5c: {  	_ =	shalt  }
0x5d: {  	_ =	shalt  }
0x5e: {  	_ =	shalt  }
0x5f: {  	_ =	shalt  }
0x60: {  	_ =	shalt  }
0x61: {  	_ =	shalt  }
0x62: {  	_ =	shalt  }
0x63: {  	_ =	shalt  }
0x64: {  	_ =	shalt  }
0x65: {  	_ =	shalt  }
0x66: {  	_ =	shalt  }
0x67: {  	_ =	shalt  }
0x68: {  	_ =	shalt  }
0x69: {  	_ =	shalt  }
0x6a: {  	_ =	shalt  }
0x6b: {  	_ =	shalt  }
0x6c: {  	_ =	shalt  }
0x6d: {  	_ =	shalt  }
0x6e: {  	_ =	shalt  }
0x6f: {  	_ =	shalt  }
0x70: {  	_ =	shalt  }
0x71: {  	_ =	shalt  }
0x72: {  	_ =	shalt  }
0x73: {  	_ =	shalt  }
0x74: {  	_ =	shalt  }
0x75: {  	_ =	shalt  }
0x76: {  	_ =	shalt  }
0x77: {  	_ =	shalt  }
0x78: {  	_ =	shalt  }
0x79: {  	_ =	shalt  }
0x7a: {  	_ =	shalt  }
0x7b: {  	_ =	shalt  }
0x7c: {  	_ =	shalt  }
0x7d: {  	_ =	shalt  }
0x7e: {  	_ =	shalt  }
0x7f: {  	_ =	shalt  }
0x80: {  	_ =	shalt  }
0x81: {  	_ =	shalt  }
0x82: {  	_ =	shalt  }
0x83: {  	_ =	shalt  }
0x84: {  	_ =	shalt  }
0x85: {  	_ =	shalt  }
0x86: {  	_ =	shalt  }
0x87: {  	_ =	shalt  }
.Lfunc_end0:
.L_simem_size_0:
called_computation_lowered:
.L_overlay_start_0:
0x88: {  	s2 =	sld [smem:$0x3FD9]  }
0x89: {  	s3 =	sld [smem:$0x3FFE];
	_ =	sdelay $0x1  }
0x8a: {  	s1 =	srdreg.scid  }
0x8b: {  	s0 =	sand.u32 $0x1, s1  }
0x8c: {  	s17 =	sshll.u32 s0, $0xA;
	s2 =	sadd.s32 s3, s2  }
0x8d: {  	s2 =	sadd.s32 s2, s17  }
0x8e: {  	[smem:$0x3FBD] =	sst s2  }
0x8f: {  	_ = 	snop  }
0x90: {  	s2 =	sld [smem:$0x3FD0];
	(tm) =	ssettm $0x1  }
0x91: {  	s18 =	sld [smem:$0x3FFB];
	_ =	sdelay $0x3  }
0x92: {  	_ =	strace s18  }
0x93: {  	s3 =	sld [smem:$0x3FFC];
	_ =	sdelay $0x3  }
0x94: {  	_ =	strace s3  }
0x95: {  	s3 =	sld [smem:$0x3FFD];
	_ =	sdelay $0x3  }
0x96: {  	_ =	strace s3  }
0x97: {  	_ =	strace $0x8FFFFFFF  }
0x98: {  	s19 =	sld [smem:$0x3FDB];
	_ =	sdelay $0x1  }
0x99: {  	s4 =	simm.s32 $_scs_section_size  }
0x9a: {  	s5 =	simm.s32 $_size__tile_overlayer_lowered;
	s6 =	simm.s32 $_tile_overlayer_lowered  }
0x9b: {  	s22 =	simm.s32 $0x1BFF;
	s21 =	sshll.u32 s6, $0x1;
	s3 =	sadd.s32 s4, s19  }
0x9c: {  	s7 =	simm.s32 $0x0;
	s20 =	sshll.u32 s5, $0x1;
	s5 =	sadd.s32 s21, s3  }
0x9d: {  	[timem:s7], [sflag:s22] =	dma.local [hbm:s5], s20  }
0x9e: {  	_ =	swait.ge [sflag:s22], s20  }
0x9f: {  	s4 =	ssub.s32 $0x0, s20;
	[sflag:s22] =	ssyncset.done $0x0  }
0xa0: {  	[sflag:s22] =	ssyncadd.s32 s4;
	_ =	sdelay $0x1  }
0xa1: {  	s23 =	simm.s32 $0x1B8B  }
0xa2: {  	_ =	swait.ge [sflag:s23], $0x1  }
0xa3: {  	[sflag:s23] =	ssyncset.done $0x0  }
0xa4: {  	s25 =	simm.s32 $0x1B8E;
	s24 =	sld [smem:$0x3FFE];
	[sflag:s23] =	ssyncadd.s32 $0xFFFFFFFF  }
0xa5: {  	s26 =	simm.s32 $execute0_lowered;
	[smem:$0x3FD2] =	sst s25  }
0xa6: {  	s5 =	sshll.u32 s26, $0x1;
	_ =	strace $0x80000046;
	[dreg:$0x1] =	wrdreg $0xFFFFFFFF  }
0xa7: {  	s28 =	simm.s32 $_size_execute0_lowered;
	s3 =	sadd.s32 s3, s5;
	[dreg:$0x0] =	wrdreg $0x0  }
0xa8: {  	s5 =	sshll.u32 s28, $0x1;
	[dreg:$0x2] =	wrdreg s3  }
0xa9: {  	[dreg:$0x3] =	wrdreg s5  }
0xaa: {  	[dreg:$0x4] =	wrdreg $0xC0  }
0xab: {  	_ =	task [dreg:s7], $0x5FFFF  }
0xac: {  	[dreg:$0x1] =	wrdreg $0xFFFFFFFF  }
0xad: {  	[dreg:$0x0] =	wrdreg $0x60  }
0xae: {  	[dreg:$0x2] =	wrdreg s24  }
0xaf: {  	[dreg:$0x3] =	wrdreg s2  }
0xb0: {  	[dreg:$0x4] =	wrdreg $0xA9800  }
0xb1: {  	[dreg:$0x5] =	wrdreg $0x9  }
0xb2: {  	_ =	task.clear_ibuf [dreg:s7], $0x6FFFF;
	_ =	strace $0x90000046  }
0xb3: {  	s29 =	simm.s32 $0x9;
	_ =	strace $0x80000048  }
0xb4: {  	_ =	swait.ge [sflag:s29], $0x1  }
0xb5: {  	[sflag:s29] =	ssyncadd.s32 $0xFFFFFFFF  }
0xb6: {  	_ =	strace $0x90000048  }
0xb7: {  	_ =	sfence  }
0xb8: {  	s30 =	sld [smem:$0x0];
	_ =	sdelay $0x2  }
0xb9: {  	s31 =	sshll.u32 s1, $0xD;
	s1 =	sshrl.u32 s1, $0x2  }
0xba: {  	s3 =	sand.u32 $0x4000, s31;
	s1 =	sadd.s32 s1, s30  }
0xbb: {  	s0 =	sor.u32 s3, s0;
	s1 =	sshll.u32 s1, $0x11  }
0xbc: {  	s0 =	sor.u32 s1, s0  }
0xbd: {  	s0 =	sadd.s32 $0x8F2B, s0  }
0xbe: {  	[sflag:s0] =	ssyncadd.remote.s32 $0x1  }
0xbf: {  	_ =	sfence.sel $0xFFFF  }
0xc0: {  	[dreg:$0x0] =	wrdreg $0xFFFFFFFF;
	(pc) =	sbr.abs _section_cstart, $3  }
0xc1: {  	[dreg:$0x1] =	wrdreg $0xFFFFFFFF  }
0xc2: {  	_ =	task.clear_ibuf [dreg:s7], $0x2FFFF;
	_ =	strace $0x9FFFFFFF  }
0xc3: {  	(tm) =	ssettm $0x7FFFFFFF  }
tec
execute0_lowered:
.L_overlay_start_1:
0x0: {  	(tag) =	ssettag $0x1  }
0x1: {  	s0 =	rddreg [dreg:$0x0]  }
0x2: {  	s1 =	rddreg [dreg:$0x1]  }
0x3: {  	s3 =	rddreg [dreg:$0x2]  }
0x4: {  	s2 =	simm.s32 $0x0;
	s17 =	stileid.u32;
	s4 =	srdreg.scid  }
0x5: {  	[smem:$0x7FF] =	sst s2;
	s14 =	smul.u32 $0x50, s17  }
0x6: {  	s5 =	sadd.s32 $0x4E4200, s0;
	s6 =	sadd.s32 $0x2AA00, s0;
	s16 =	smul.u32 $0x4F000, s17  }
0x7: {  	s7 =	sadd.s32 $0x2A00, s0;
	s4 =	sand.u32 $0x1, s4;
	s15 =	sadd.s32 $0x2800, s0  }
0x8: {  	s11 =	sadd.s32 $0xA2A00, s0;
	s8 =	sadd.s32 s14, s0;
	s14 =	sshrl.u32 s16, $0x2  }
0x9: {  	_ =	strace $0x80000047;
	[dreg:$0x4] =	wrdreg s15;
	s20 =	sadd.s32 s14, s3  }
0xa: {  	s9 =	sadd.s32 $0x52A00, s0;
	s19 =	sadd.s32 $0x1000, s20;
	[dreg:$0x5] =	wrdreg s20  }
0xb: {  	s13 =	smul.u32 $0x2780, s17;
	s14 =	sadd.s32 $0x2000, s20;
	[dreg:$0x6] =	wrdreg s19  }
0xc: {  	s23 =	smul.u32 $0x27100, s4;
	s22 =	sadd.s32 $0x3000, s20;
	[dreg:$0x7] =	wrdreg s14  }
0xd: {  	s10 =	ssub.s32 $0x2, s4;
	s15 =	sadd.s32 $0x4000, s20;
	[dreg:$0x8] =	wrdreg s22  }
0xe: {  	s13 =	sadd.s32 s13, s23;
	s25 =	sadd.s32 $0x5000, s20;
	[dreg:$0x9] =	wrdreg s15  }
0xf: {  	s24 =	smul.u32 $0x138800, s4;
	s26 =	sadd.s32 s11, s13;
	[dreg:$0xa] =	wrdreg s25  }
0x10: {  	s18 =	sshrl.u32 s10, $0x1;
	s13 =	sadd.s32 $0x6000, s20;
	[dreg:$0xc] =	wrdreg s26  }
0x11: {  	s0 =	ssub.s32 s10, s18;
	s23 =	sadd.s32 $0xA000, s20;
	[dreg:$0xe] =	wrdreg s13  }
0x12: {  	s28 =	sshrl.u32 s24, $0x3;
	s24 =	sadd.s32 $0xB000, s20;
	[dreg:$0x12] =	wrdreg s23  }
0x13: {  	s0 =	smax.u32 s0, $0x1;
	[dreg:$0x13] =	wrdreg s24  }
0x14: {  	s14 =	sadd.s32 $0x7000, s20;
	[smem:$0x7FA] =	sst s0  }
0x15: {  	s15 =	sadd.s32 $0x8000, s20;
	[dreg:$0xf] =	wrdreg s14  }
0x16: {  	s12 =	sshll.u32 s17, $0x1;
	s22 =	sadd.s32 $0x9000, s20;
	[dreg:$0x10] =	wrdreg s15  }
0x17: {  	s16 =	sor.u32 s4, s12;
	s25 =	sadd.s32 $0xC000, s20;
	[dreg:$0x11] =	wrdreg s22  }
0x18: {  	s18 =	ssub.s32 $0x2710, s12;
	s26 =	sadd.s32 $0xD000, s20;
	[dreg:$0x14] =	wrdreg s25  }
0x19: {  	s19 =	ssub.s32 $0x26F0, s12;
	s12 =	sadd.s32 $0x11000, s20;
	[dreg:$0x15] =	wrdreg s26  }
0x1a: {  	s13 =	sadd.s32 $0x12000, s20;
	[dreg:$0x19] =	wrdreg s12  }
0x1b: {  	s23 =	sadd.s32 $0x13000, s20;
	[dreg:$0x1a] =	wrdreg s13  }
0x1c: {  	s29 =	simm.s32 $0x20;
	s24 =	sadd.s32 $0x12B400, s3;
	[dreg:$0x1e] =	wrdreg s23  }
0x1d: {  	s30 =	simm.s32 $0x700;
	s14 =	sadd.s32 $0x128400, s3;
	[dreg:$0x1f] =	wrdreg s24  }
0x1e: {  	s31 =	simm.s32 $0x0;
	s15 =	sadd.s32 $0x129400, s3;
	[dreg:$0x1b] =	wrdreg s14  }
0x1f: {  	p0 =	seq.s32 s17, $0xF;
	s22 =	sadd.s32 $0x12A400, s3;
	[dreg:$0x1c] =	wrdreg s15  }
0x20: {  	s2 =	smul.u32 $0x2800, s4;
	s26 =	sadd.s32 $0x12C400, s3;
	[dreg:$0x1d] =	wrdreg s22  }
0x21: {  	s4 =	smul.u32 $0x28000, s4;
	s12 =	sadd.s32 $0x12E400, s3;
	[smem:$0x7EE] =	sst s26  }
0x22: {  	s21 =	smul.u32 $0xC0, s16;
	s13 =	sadd.s32 $0x12F400, s3;
	[smem:$0x7F1] =	sst s12  }
0x23: {  	s25 =	smul.u32 $0x2800, s17;
	s17 =	sadd.s32 $0x131400, s3;
	[smem:$0x7F2] =	sst s13  }
0x24: {  	s10 =	sshrl.u32 s21, $0x3;
	s23 =	sadd.s32 $0x134400, s3;
	[smem:$0x7F5] =	sst s17  }
0x25: {  	s10 =	sadd.s32 s5, s10;
	s24 =	sadd.s32 $0x135400, s3;
	[smem:$0x7F8] =	sst s23  }
0x26: {  	v1 =	vmov s2;
	s2 =	simm.s32 $0x4;
	s10 =	sadd.s32 $0x300, s10;
	[smem:$0x7F9] =	sst s24  }
0x27: {  	s4 =	sadd.s32 s4, s9;
	s15 =	sadd.s32 $0x130400, s3;
	[dreg:$0xb] =	wrdreg s10  }
0x28: {  	s21 =	sadd.s32 $0x2200, s8;
	s22 =	sadd.s32 $0x133400, s3;
	[smem:$0x7F4] =	sst s15  }
0x29: {  	s0 =	simm.s32 $0x7;
	s26 =	sadd.s32 $0x137400, s3;
	[smem:$0x7F7] =	sst s22  }
0x2a: {  	s10 =	sadd.s32 s11, s28;
	s28 =	sadd.s32 $0xE000, s20;
	[smem:$0x7FC] =	sst s26  }
0x2b: {  	s8 =	simm.s32 $0x780;
	s11 =	sadd.s32 $0x10000, s20;
	[dreg:$0x16] =	wrdreg s28  }
0x2c: {  	s12 =	simm.s32 $0x40;
	s4 =	sadd.s32 s25, s4;
	[dreg:$0x18] =	wrdreg s11  }
0x2d: {  	s13 =	simm.s32 $0x8880;
	s25 =	sadd.s32 $0x136400, s3;
	[smem:$0x7F0] =	sst s4  }
0x2e: {  	s23 =	simm.s32 $0x3;
	s10 =	sadd.s32 $0x25080, s10;
	[smem:$0x7FB] =	sst s25  }
0x2f: {  	v0 =	vlaneseq.u32;
	s24 =	simm.s32 $0x6800;
	s28 =	sadd.s32 $0x12D400, s3;
	[dreg:$0xd] =	wrdreg s10  }
.Ltmp0:
0x30: {  	v0 =	vmul.u32 $0x6, v0;
	s10 =	sadd.s32 $0xF000, s20;
	[smem:$0x7EF] =	sst s28;
	(pc) =	sbr.rel .LBB2_1-.Ltmp0, $4  }
0x31: {  	s11 =	smul.u32 $0x18, s16;
	s20 =	sadd.s32 $0x132400, s3;
	[dreg:$0x17] =	wrdreg s10  }
0x32: {  	v2 =	vimm.f32 $0.0e+00;
	v3 =	vadd.s32 $0x2, v0;
	s15 =	sor.u32 $0x40, s16;
	s28 =	sadd.s32 $0x138400, s3;
	[smem:$0x7F6] =	sst s20  }
0x33: {  	v4 =	vadd.s32 $0x4, v0;
	v6 =	vadd.s32 $0x60, v0;
	v7 =	vadd.s32 $0x62, v0;
	s22 =	sor.u32 $0x60, s16;
	s14 =	sadd.s32 s5, s11;
	[smem:$0x7FD] =	sst s28  }
0x34: {  	v5 =	vadd.s32 $0x5, v0;
	v8 =	vadd.s32 $0x64, v0;
	v9 =	vadd.s32 $0x65, v0;
	[tilespmem:$0x1FFF0] =	vst v3;
	s16 =	simm.s32 $0x7800;
	s11 =	simm.s32 $0x8800;
	[smem:$0x7F3] =	sst s14  }
.LBB2_18:
0x35: {  	s4 =	simm.s32 $0x5  }
0x36: {  	_ =	swait.ge [sflag:s4], $0x1000  }
0x37: {  	[sflag:s4] =	ssyncset.done $0x0  }
0x38: {  	s26 =	simm.s32 $0x6;
	[sflag:s4] =	ssyncadd.s32 $0xFFFFF000  }
0x39: {  	_ =	swait.ge [sflag:s26], $0x1000  }
0x3a: {  	[sflag:s26] =	ssyncset.done $0x0  }
0x3b: {  	[sflag:s26] =	ssyncadd.s32 $0xFFFFF000  }
0x3c: {  	[bflag:$0x0] =	sbarrier.arrive $0xFFFF  }
0x3d: {  	s4 =	rddreg [dreg:$0x1b]  }
0x3e: {  	s10 =	simm.s32 @p0 $0x1FC7;
	s14 =	rddreg [dreg:$0xd];
	s4 =	sshrl.u32 @p0 s4, $0x3  }
0x3f: {  	[hbm:s14], [sflag:s10] =	dma.local @p0 [spmem:s4], $0x2080  }
0x40: {  	s4 =	simm.s32 @p0 $0x7  }
0x41: {  	s10 =	stileid.u32;
	_ =	swait.ge @p0 [sflag:s4], $0x2080  }
0x42: {  	s10 =	sshll.u32 @!p0 s10, $0x6;
	[sflag:s4] =	ssyncset.done @p0 $0x0  }
0x43: {  	[sflag:s4] =	ssyncadd.s32 @p0 $0xFFFFDF80;
	s4 =	sor.u32 @!p0 $0x1C07, s10;
	s10 =	rddreg [dreg:$0x5]  }
0x44: {  	s14 =	rddreg [dreg:$0xc];
	s10 =	sshrl.u32 @!p0 s10, $0x3  }
0x45: {  	[hbm:s14], [sflag:s4] =	dma.local @!p0 [spmem:s10], $0x2780  }
0x46: {  	s4 =	simm.s32 @!p0 $0x7  }
0x47: {  	_ =	swait.ge @!p0 [sflag:s4], $0x2780  }
0x48: {  	s28 =	sld [smem:$0x7FA];
	_ =	sdelay $0x1  }
0x49: {  	s31 =	sadd.s32 $0x1, s31  }
0x4a: {  	p1 =	sne.s32 s31, s28  }
.Ltmp1:
0x4b: {  	_ = 	snop;
	(pc) =	sbr.rel @!p1 .LBB2_19-.Ltmp1, $3  }
0x4c: {  	_ =	sdelay $0x1  }
0x4d: {  	[sflag:s4] =	ssyncset.done @!p0 $0x0  }
0x4e: {  	[sflag:s4] =	ssyncadd.s32 @!p0 $0xFFFFD880  }
.LBB2_1:
0x4f: {  	s10 =	simm.s32 $0x0;
	s4 =	rddreg [dreg:$0x4];
	s14 =	simm.s32 $0xA880  }
0x50: {  	[tilespmem:s14], [sflag:$0x7] =	stream.linear.gather [hbm4b:s4+s10], $0x100, $0x38;
	[tilespmem:$0x1E200] =	vst v63  }
0x51: {  	_ =	swait.ge [sflag:s0], $0x100  }
0x52: {  	[sflag:s0] =	ssyncset.done $0x0  }
0x53: {  	s26 =	sadd.s32 $0x0, s21;
	[sflag:s0] =	ssyncadd.s32 $0xFFFFFF00  }
0x54: {  	[tilespmem:s11], [sflag:$0x7] =	stream.linear.gather [hbm4b:s26+s10], $0x40, $0x38;
	[tilespmem:$0x1E200] =	vst v63  }
0x55: {  	_ =	swait.ge [sflag:s0], $0x40  }
0x56: {  	[sflag:s0] =	ssyncset.done $0x0  }
0x57: {  	[sflag:s0] =	ssyncadd.s32 $0xFFFFFFC0  }
0x58: {  	[tilespmem:s13], [sflag:$0x3] =	stream.indirect.gather [hbm4b:s7+s12], $0x80, s11, s12, $0xb8;
	[tilespmem:$0x1E200] =	vst v63  }
0x59: {  	_ =	swait.ge [sflag:s23], $0x2000  }
0x5a: {  	s28 =	sld [smem:$0x7F0]  }
0x5b: {  	[sflag:s23] =	ssyncset.done $0x0  }
0x5c: {  	[sflag:s23] =	ssyncadd.s32 $0xFFFFE000  }
0x5d: {  	[hbm4b:s28+s10] =	stream.linear.scatter [tilespmem:s13], [sflag:$0x7], $0x2000, $0x38;
	[tilespmem:$0x1E200] =	vst v63  }
0x5e: {  	s17 =	sadd.s32 $0x8, s21;
	_ =	swait.ge [sflag:s0], $0x2000  }
0x5f: {  	s14 =	simm.s32 $0x10;
	s4 =	sadd.s32 $0x400, s28;
	[sflag:s0] =	ssyncset.done $0x0  }
.LBB2_2:
0x60: {  	s20 =	sadd.s32 s14, s21;
	s10 =	simm.s32 $0x0;
	[sflag:s0] =	ssyncadd.s32 $0xFFFFE000  }
0x61: {  	[tilespmem:s11], [sflag:$0x7] =	stream.linear.gather [hbm4b:s17+s10], $0x40, $0x38;
	[tilespmem:$0x1E200] =	vst v63  }
0x62: {  	p1 =	sne.s32 s14, $0x48;
	s14 =	sadd.s32 $0x8, s14;
	_ =	swait.ge [sflag:s0], $0x40  }
0x63: {  	s17 =	smov.u32 s20;
	[sflag:s0] =	ssyncset.done $0x0  }
0x64: {  	[sflag:s0] =	ssyncadd.s32 $0xFFFFFFC0  }
0x65: {  	[tilespmem:s13], [sflag:$0x3] =	stream.indirect.gather [hbm4b:s7+s12], $0x80, s11, s12, $0xb8;
	[tilespmem:$0x1E200] =	vst v63  }
0x66: {  	_ =	swait.ge [sflag:s23], $0x2000  }
.Ltmp2:
0x67: {  	[sflag:s23] =	ssyncset.done $0x0;
	(pc) =	sbr.rel @p1 .LBB2_2-.Ltmp2, $4  }
0x68: {  	[sflag:s23] =	ssyncadd.s32 $0xFFFFE000  }
0x69: {  	[hbm4b:s4+s10] =	stream.linear.scatter [tilespmem:s13], [sflag:$0x7], $0x2000, $0x38;
	[tilespmem:$0x1E200] =	vst v63  }
0x6a: {  	_ =	swait.ge [sflag:s0], $0x2000  }
0x6b: {  	s4 =	sadd.s32 $0x400, s4;
	[sflag:s0] =	ssyncset.done $0x0  }
0x6c: {  	[sflag:s0] =	ssyncadd.s32 $0xFFFFE000  }
0x6d: {  	[tilespmem:s11], [sflag:$0x7] =	stream.linear.gather [hbm4b:s17+s10], $0x40, $0x38;
	[tilespmem:$0x1E200] =	vst v63  }
0x6e: {  	_ =	swait.ge [sflag:s0], $0x40  }
0x6f: {  	[sflag:s0] =	ssyncset.done $0x0  }
0x70: {  	[sflag:s0] =	ssyncadd.s32 $0xFFFFFFC0  }
0x71: {  	[tilespmem:s13], [sflag:$0x3] =	stream.indirect.gather [hbm4b:s7+s12], $0x80, s11, s12, $0xb8;
	[tilespmem:$0x1E200] =	vst v63  }
0x72: {  	_ =	swait.ge [sflag:s23], $0x2000  }
0x73: {  	p1 =	por $0x1, $0x1;
	[sflag:s23] =	ssyncset.done $0x0  }
.Ltmp3:
0x74: {  	[sflag:s23] =	ssyncadd.s32 $0xFFFFE000;
	(pc) =	sbr.rel @!p1 .LBB2_5-.Ltmp3, $4  }
0x75: {  	[hbm4b:s4+s10] =	stream.linear.scatter [tilespmem:s13], [sflag:$0x7], $0x2000, $0x38;
	[tilespmem:$0x1E200] =	vst v63  }
0x76: {  	_ =	swait.ge [sflag:s0], $0x2000  }
0x77: {  	[sflag:s0] =	ssyncset.done $0x0  }
0x78: {  	s4 =	simm.s32 $0x0;
	s10 =	simm.s32 $0x200;
	[sflag:s0] =	ssyncadd.s32 $0xFFFFE000  }
.LBB2_4:
0x79: {  	p1 =	sne.s32 s10, $0x3E00;
	[tilespmem:s4+$0x6870] =	vst v2  }
0x7a: {  	[tilespmem:s4+$0x6800] =	vst v2  }
0x7b: {  	[tilespmem:s4+$0x6810] =	vst v2  }
.Ltmp4:
0x7c: {  	[tilespmem:s4+$0x6820] =	vst v2;
	(pc) =	sbr.rel @p1 .LBB2_4-.Ltmp4, $4  }
0x7d: {  	[tilespmem:s4+$0x6830] =	vst v2  }
0x7e: {  	[tilespmem:s4+$0x6840] =	vst v2  }
0x7f: {  	[tilespmem:s4+$0x6850] =	vst v2  }
0x80: {  	[tilespmem:s4+$0x6860] =	vst v2;
	s4 =	sshra.s32 s10, $0x2;
	s10 =	sadd.s32 $0x200, s10  }
.LBB2_5:
0x81: {  	[tilespmem:s4+$0x6870] =	vst v2  }
0x82: {  	[tilespmem:s4+$0x6800] =	vst v2  }
0x83: {  	[tilespmem:s4+$0x6810] =	vst v2  }
.Ltmp5:
0x84: {  	[tilespmem:s4+$0x6820] =	vst v2;
	(pc) =	sbr.rel @!p0 .LBB2_6-.Ltmp5, $4  }
0x85: {  	[tilespmem:s4+$0x6830] =	vst v2  }
0x86: {  	[tilespmem:s4+$0x6840] =	vst v2  }
0x87: {  	[tilespmem:s4+$0x6850] =	vst v2  }
0x88: {  	[tilespmem:s4+$0x6860] =	vst v2  }
0x89: {  	s4 =	rddreg [dreg:$0x1b]  }
0x8a: {  	[spmem:s4] =	stream.linear.scatter [tilespmem:s24], [sflag:$0x7], $0x1000, $0x38;
	[tilespmem:$0x1E200] =	vst v63  }
0x8b: {  	_ =	swait.ge [sflag:s0], $0x1000  }
0x8c: {  	[sflag:s0] =	ssyncset.done $0x0  }
0x8d: {  	s26 =	rddreg [dreg:$0x1c];
	[sflag:s0] =	ssyncadd.s32 $0xFFFFF000  }
0x8e: {  	[spmem:s26] =	stream.linear.scatter [tilespmem:s24], [sflag:$0x7], $0x1000, $0x38;
	[tilespmem:$0x1E200] =	vst v63  }
0x8f: {  	_ =	swait.ge [sflag:s0], $0x1000  }
0x90: {  	[sflag:s0] =	ssyncset.done $0x0  }
0x91: {  	s28 =	rddreg [dreg:$0x1d];
	[sflag:s0] =	ssyncadd.s32 $0xFFFFF000  }
0x92: {  	[spmem:s28] =	stream.linear.scatter [tilespmem:s24], [sflag:$0x7], $0x1000, $0x38;
	[tilespmem:$0x1E200] =	vst v63  }
0x93: {  	_ =	swait.ge [sflag:s0], $0x1000  }
0x94: {  	[sflag:s0] =	ssyncset.done $0x0  }
0x95: {  	s10 =	rddreg [dreg:$0x1f];
	[sflag:s0] =	ssyncadd.s32 $0xFFFFF000  }
0x96: {  	[spmem:s10] =	stream.linear.scatter [tilespmem:s24], [sflag:$0x7], $0x1000, $0x38;
	[tilespmem:$0x1E200] =	vst v63  }
0x97: {  	_ =	swait.ge [sflag:s0], $0x1000  }
0x98: {  	s14 =	sld [smem:$0x7EE]  }
0x99: {  	[sflag:s0] =	ssyncset.done $0x0  }
0x9a: {  	[sflag:s0] =	ssyncadd.s32 $0xFFFFF000  }
0x9b: {  	[spmem:s14] =	stream.linear.scatter [tilespmem:s24], [sflag:$0x7], $0x1000, $0x38;
	[tilespmem:$0x1E200] =	vst v63  }
0x9c: {  	_ =	swait.ge [sflag:s0], $0x1000  }
0x9d: {  	s17 =	sld [smem:$0x7EF]  }
0x9e: {  	[sflag:s0] =	ssyncset.done $0x0  }
0x9f: {  	[sflag:s0] =	ssyncadd.s32 $0xFFFFF000  }
0xa0: {  	[spmem:s17] =	stream.linear.scatter [tilespmem:s24], [sflag:$0x7], $0x1000, $0x38;
	[tilespmem:$0x1E200] =	vst v63  }
0xa1: {  	_ =	swait.ge [sflag:s0], $0x1000  }
0xa2: {  	s20 =	sld [smem:$0x7F1]  }
0xa3: {  	[sflag:s0] =	ssyncset.done $0x0  }
0xa4: {  	[sflag:s0] =	ssyncadd.s32 $0xFFFFF000  }
0xa5: {  	[spmem:s20] =	stream.linear.scatter [tilespmem:s24], [sflag:$0x7], $0x1000, $0x38;
	[tilespmem:$0x1E200] =	vst v63  }
0xa6: {  	_ =	swait.ge [sflag:s0], $0x1000  }
0xa7: {  	s25 =	sld [smem:$0x7F2]  }
0xa8: {  	[sflag:s0] =	ssyncset.done $0x0  }
0xa9: {  	[sflag:s0] =	ssyncadd.s32 $0xFFFFF000  }
0xaa: {  	[spmem:s25] =	stream.linear.scatter [tilespmem:s24], [sflag:$0x7], $0x1000, $0x38;
	[tilespmem:$0x1E200] =	vst v63  }
0xab: {  	_ =	swait.ge [sflag:s0], $0x1000  }
0xac: {  	s26 =	sld [smem:$0x7F4]  }
0xad: {  	[sflag:s0] =	ssyncset.done $0x0  }
0xae: {  	[sflag:s0] =	ssyncadd.s32 $0xFFFFF000  }
0xaf: {  	[spmem:s26] =	stream.linear.scatter [tilespmem:s24], [sflag:$0x7], $0x1000, $0x38;
	[tilespmem:$0x1E200] =	vst v63  }
0xb0: {  	_ =	swait.ge [sflag:s0], $0x1000  }
0xb1: {  	s28 =	sld [smem:$0x7F5]  }
0xb2: {  	[sflag:s0] =	ssyncset.done $0x0  }
0xb3: {  	[sflag:s0] =	ssyncadd.s32 $0xFFFFF000  }
0xb4: {  	[spmem:s28] =	stream.linear.scatter [tilespmem:s24], [sflag:$0x7], $0x1000, $0x38;
	[tilespmem:$0x1E200] =	vst v63  }
0xb5: {  	_ =	swait.ge [sflag:s0], $0x1000  }
0xb6: {  	s10 =	sld [smem:$0x7F6]  }
0xb7: {  	[sflag:s0] =	ssyncset.done $0x0  }
0xb8: {  	[sflag:s0] =	ssyncadd.s32 $0xFFFFF000  }
0xb9: {  	[spmem:s10] =	stream.linear.scatter [tilespmem:s24], [sflag:$0x7], $0x1000, $0x38;
	[tilespmem:$0x1E200] =	vst v63  }
0xba: {  	_ =	swait.ge [sflag:s0], $0x1000  }
0xbb: {  	s14 =	sld [smem:$0x7F7]  }
0xbc: {  	[sflag:s0] =	ssyncset.done $0x0  }
0xbd: {  	[sflag:s0] =	ssyncadd.s32 $0xFFFFF000  }
0xbe: {  	[spmem:s14] =	stream.linear.scatter [tilespmem:s24], [sflag:$0x7], $0x1000, $0x38;
	[tilespmem:$0x1E200] =	vst v63  }
0xbf: {  	_ =	swait.ge [sflag:s0], $0x1000  }
0xc0: {  	s17 =	sld [smem:$0x7F8]  }
0xc1: {  	[sflag:s0] =	ssyncset.done $0x0  }
0xc2: {  	[sflag:s0] =	ssyncadd.s32 $0xFFFFF000  }
0xc3: {  	[spmem:s17] =	stream.linear.scatter [tilespmem:s24], [sflag:$0x7], $0x1000, $0x38;
	[tilespmem:$0x1E200] =	vst v63  }
0xc4: {  	_ =	swait.ge [sflag:s0], $0x1000  }
0xc5: {  	s20 =	sld [smem:$0x7F9]  }
0xc6: {  	[sflag:s0] =	ssyncset.done $0x0  }
0xc7: {  	[sflag:s0] =	ssyncadd.s32 $0xFFFFF000  }
0xc8: {  	[spmem:s20] =	stream.linear.scatter [tilespmem:s24], [sflag:$0x7], $0x1000, $0x38;
	[tilespmem:$0x1E200] =	vst v63  }
0xc9: {  	_ =	swait.ge [sflag:s0], $0x1000  }
0xca: {  	s25 =	sld [smem:$0x7FB]  }
0xcb: {  	[sflag:s0] =	ssyncset.done $0x0  }
0xcc: {  	[sflag:s0] =	ssyncadd.s32 $0xFFFFF000  }
0xcd: {  	[spmem:s25] =	stream.linear.scatter [tilespmem:s24], [sflag:$0x7], $0x1000, $0x38;
	[tilespmem:$0x1E200] =	vst v63  }
0xce: {  	_ =	swait.ge [sflag:s0], $0x1000  }
0xcf: {  	s26 =	sld [smem:$0x7FC]  }
0xd0: {  	[sflag:s0] =	ssyncset.done $0x0  }
0xd1: {  	[sflag:s0] =	ssyncadd.s32 $0xFFFFF000  }
0xd2: {  	[spmem:s26] =	stream.linear.scatter [tilespmem:s24], [sflag:$0x7], $0x1000, $0x38;
	[tilespmem:$0x1E200] =	vst v63  }
0xd3: {  	_ =	swait.ge [sflag:s0], $0x1000  }
0xd4: {  	s28 =	sld [smem:$0x7FD]  }
0xd5: {  	[sflag:s0] =	ssyncset.done $0x0  }
.Ltmp6:
0xd6: {  	[sflag:s0] =	ssyncadd.s32 $0xFFFFF000;
	(pc) =	sbr.rel .LBB2_8-.Ltmp6, $4  }
0xd7: {  	[spmem:s28] =	stream.linear.scatter [tilespmem:s24], [sflag:$0x7], $0x400, $0x38;
	[tilespmem:$0x1E200] =	vst v63  }
0xd8: {  	_ =	swait.ge [sflag:s0], $0x400  }
0xd9: {  	[sflag:s0] =	ssyncset.done $0x0  }
0xda: {  	[sflag:s0] =	ssyncadd.s32 $0xFFFFFC00  }
.LBB2_6:
0xdb: {  	s4 =	rddreg [dreg:$0x5]  }
0xdc: {  	[spmem:s4] =	stream.linear.scatter [tilespmem:s24], [sflag:$0x7], $0x1000, $0x38;
	[tilespmem:$0x1E200] =	vst v63  }
0xdd: {  	_ =	swait.ge [sflag:s0], $0x1000  }
0xde: {  	[sflag:s0] =	ssyncset.done $0x0  }
0xdf: {  	s17 =	rddreg [dreg:$0x6];
	[sflag:s0] =	ssyncadd.s32 $0xFFFFF000  }
0xe0: {  	[spmem:s17] =	stream.linear.scatter [tilespmem:s24], [sflag:$0x7], $0x1000, $0x38;
	[tilespmem:$0x1E200] =	vst v63  }
0xe1: {  	_ =	swait.ge [sflag:s0], $0x1000  }
0xe2: {  	[sflag:s0] =	ssyncset.done $0x0  }
0xe3: {  	s20 =	rddreg [dreg:$0x7];
	[sflag:s0] =	ssyncadd.s32 $0xFFFFF000  }
0xe4: {  	[spmem:s20] =	stream.linear.scatter [tilespmem:s24], [sflag:$0x7], $0x1000, $0x38;
	[tilespmem:$0x1E200] =	vst v63  }
0xe5: {  	_ =	swait.ge [sflag:s0], $0x1000  }
0xe6: {  	[sflag:s0] =	ssyncset.done $0x0  }
0xe7: {  	s25 =	rddreg [dreg:$0x8];
	[sflag:s0] =	ssyncadd.s32 $0xFFFFF000  }
0xe8: {  	[spmem:s25] =	stream.linear.scatter [tilespmem:s24], [sflag:$0x7], $0x1000, $0x38;
	[tilespmem:$0x1E200] =	vst v63  }
0xe9: {  	_ =	swait.ge [sflag:s0], $0x1000  }
0xea: {  	[sflag:s0] =	ssyncset.done $0x0  }
0xeb: {  	s26 =	rddreg [dreg:$0x9];
	[sflag:s0] =	ssyncadd.s32 $0xFFFFF000  }
0xec: {  	[spmem:s26] =	stream.linear.scatter [tilespmem:s24], [sflag:$0x7], $0x1000, $0x38;
	[tilespmem:$0x1E200] =	vst v63  }
0xed: {  	_ =	swait.ge [sflag:s0], $0x1000  }
0xee: {  	[sflag:s0] =	ssyncset.done $0x0  }
0xef: {  	s28 =	rddreg [dreg:$0xa];
	[sflag:s0] =	ssyncadd.s32 $0xFFFFF000  }
0xf0: {  	[spmem:s28] =	stream.linear.scatter [tilespmem:s24], [sflag:$0x7], $0x1000, $0x38;
	[tilespmem:$0x1E200] =	vst v63  }
0xf1: {  	_ =	swait.ge [sflag:s0], $0x1000  }
0xf2: {  	[sflag:s0] =	ssyncset.done $0x0  }
0xf3: {  	s10 =	rddreg [dreg:$0xe];
	[sflag:s0] =	ssyncadd.s32 $0xFFFFF000  }
0xf4: {  	[spmem:s10] =	stream.linear.scatter [tilespmem:s24], [sflag:$0x7], $0x1000, $0x38;
	[tilespmem:$0x1E200] =	vst v63  }
0xf5: {  	_ =	swait.ge [sflag:s0], $0x1000  }
0xf6: {  	[sflag:s0] =	ssyncset.done $0x0  }
0xf7: {  	s14 =	rddreg [dreg:$0xf];
	[sflag:s0] =	ssyncadd.s32 $0xFFFFF000  }
0xf8: {  	[spmem:s14] =	stream.linear.scatter [tilespmem:s24], [sflag:$0x7], $0x1000, $0x38;
	[tilespmem:$0x1E200] =	vst v63  }
0xf9: {  	_ =	swait.ge [sflag:s0], $0x1000  }
0xfa: {  	[sflag:s0] =	ssyncset.done $0x0  }
0xfb: {  	s17 =	rddreg [dreg:$0x10];
	[sflag:s0] =	ssyncadd.s32 $0xFFFFF000  }
0xfc: {  	[spmem:s17] =	stream.linear.scatter [tilespmem:s24], [sflag:$0x7], $0x1000, $0x38;
	[tilespmem:$0x1E200] =	vst v63  }
0xfd: {  	_ =	swait.ge [sflag:s0], $0x1000  }
0xfe: {  	[sflag:s0] =	ssyncset.done $0x0  }
0xff: {  	s20 =	rddreg [dreg:$0x11];
	[sflag:s0] =	ssyncadd.s32 $0xFFFFF000  }
0x100: {  	[spmem:s20] =	stream.linear.scatter [tilespmem:s24], [sflag:$0x7], $0x1000, $0x38;
	[tilespmem:$0x1E200] =	vst v63  }
0x101: {  	_ =	swait.ge [sflag:s0], $0x1000  }
0x102: {  	[sflag:s0] =	ssyncset.done $0x0  }
0x103: {  	s25 =	rddreg [dreg:$0x12];
	[sflag:s0] =	ssyncadd.s32 $0xFFFFF000  }
0x104: {  	[spmem:s25] =	stream.linear.scatter [tilespmem:s24], [sflag:$0x7], $0x1000, $0x38;
	[tilespmem:$0x1E200] =	vst v63  }
0x105: {  	_ =	swait.ge [sflag:s0], $0x1000  }
0x106: {  	[sflag:s0] =	ssyncset.done $0x0  }
0x107: {  	s26 =	rddreg [dreg:$0x13];
	[sflag:s0] =	ssyncadd.s32 $0xFFFFF000  }
0x108: {  	[spmem:s26] =	stream.linear.scatter [tilespmem:s24], [sflag:$0x7], $0x1000, $0x38;
	[tilespmem:$0x1E200] =	vst v63  }
0x109: {  	_ =	swait.ge [sflag:s0], $0x1000  }
0x10a: {  	[sflag:s0] =	ssyncset.done $0x0  }
0x10b: {  	s28 =	rddreg [dreg:$0x14];
	[sflag:s0] =	ssyncadd.s32 $0xFFFFF000  }
0x10c: {  	[spmem:s28] =	stream.linear.scatter [tilespmem:s24], [sflag:$0x7], $0x1000, $0x38;
	[tilespmem:$0x1E200] =	vst v63  }
0x10d: {  	_ =	swait.ge [sflag:s0], $0x1000  }
0x10e: {  	[sflag:s0] =	ssyncset.done $0x0  }
0x10f: {  	s10 =	rddreg [dreg:$0x15];
	[sflag:s0] =	ssyncadd.s32 $0xFFFFF000  }
0x110: {  	[spmem:s10] =	stream.linear.scatter [tilespmem:s24], [sflag:$0x7], $0x1000, $0x38;
	[tilespmem:$0x1E200] =	vst v63  }
0x111: {  	_ =	swait.ge [sflag:s0], $0x1000  }
0x112: {  	[sflag:s0] =	ssyncset.done $0x0  }
0x113: {  	s14 =	rddreg [dreg:$0x16];
	[sflag:s0] =	ssyncadd.s32 $0xFFFFF000  }
0x114: {  	[spmem:s14] =	stream.linear.scatter [tilespmem:s24], [sflag:$0x7], $0x1000, $0x38;
	[tilespmem:$0x1E200] =	vst v63  }
0x115: {  	_ =	swait.ge [sflag:s0], $0x1000  }
0x116: {  	[sflag:s0] =	ssyncset.done $0x0  }
0x117: {  	s17 =	rddreg [dreg:$0x17];
	[sflag:s0] =	ssyncadd.s32 $0xFFFFF000  }
0x118: {  	[spmem:s17] =	stream.linear.scatter [tilespmem:s24], [sflag:$0x7], $0x1000, $0x38;
	[tilespmem:$0x1E200] =	vst v63  }
0x119: {  	_ =	swait.ge [sflag:s0], $0x1000  }
0x11a: {  	[sflag:s0] =	ssyncset.done $0x0  }
0x11b: {  	s20 =	rddreg [dreg:$0x18];
	[sflag:s0] =	ssyncadd.s32 $0xFFFFF000  }
0x11c: {  	[spmem:s20] =	stream.linear.scatter [tilespmem:s24], [sflag:$0x7], $0x1000, $0x38;
	[tilespmem:$0x1E200] =	vst v63  }
0x11d: {  	_ =	swait.ge [sflag:s0], $0x1000  }
0x11e: {  	[sflag:s0] =	ssyncset.done $0x0  }
0x11f: {  	s25 =	rddreg [dreg:$0x19];
	[sflag:s0] =	ssyncadd.s32 $0xFFFFF000  }
0x120: {  	[spmem:s25] =	stream.linear.scatter [tilespmem:s24], [sflag:$0x7], $0x1000, $0x38;
	[tilespmem:$0x1E200] =	vst v63  }
0x121: {  	_ =	swait.ge [sflag:s0], $0x1000  }
0x122: {  	[sflag:s0] =	ssyncset.done $0x0  }
0x123: {  	s26 =	rddreg [dreg:$0x1a];
	[sflag:s0] =	ssyncadd.s32 $0xFFFFF000  }
0x124: {  	[spmem:s26] =	stream.linear.scatter [tilespmem:s24], [sflag:$0x7], $0x1000, $0x38;
	[tilespmem:$0x1E200] =	vst v63  }
0x125: {  	_ =	swait.ge [sflag:s0], $0x1000  }
0x126: {  	[sflag:s0] =	ssyncset.done $0x0  }
0x127: {  	s28 =	rddreg [dreg:$0x1e];
	[sflag:s0] =	ssyncadd.s32 $0xFFFFF000  }
0x128: {  	[spmem:s28] =	stream.linear.scatter [tilespmem:s24], [sflag:$0x7], $0xC00, $0x38;
	[tilespmem:$0x1E200] =	vst v63  }
0x129: {  	_ =	swait.ge [sflag:s0], $0xC00  }
0x12a: {  	[sflag:s0] =	ssyncset.done $0x0  }
0x12b: {  	[sflag:s0] =	ssyncadd.s32 $0xFFFFF400  }
.LBB2_8:
0x12c: {  	[bflag:$0x0] =	sbarrier.arrive $0xFFFF  }
0x12d: {  	v10 =	vld [tilespmem:$0xA880]  }
0x12e: {  	v11 =	vld [tilespmem:$0xA890]  }
0x12f: {  	v12 =	vld [tilespmem:$0xA8A0]  }
0x130: {  	v13 =	vld [tilespmem:$0xA8B0]  }
0x131: {  	v14 =	vld [tilespmem:$0xA8C0]  }
0x132: {  	v15 =	vld [tilespmem:$0xA8D0];
	s4 =	sld [smem:$0x7F3]  }
0x133: {  	v16 =	vld [tilespmem:$0xA8E0]  }
0x134: {  	s25 =	simm.s32 $0x0;
	s26 =	simm.s32 $0x1;
	v17 =	vld [tilespmem:$0xA8F0]  }
0x135: {  	v18 =	vld [tilespmem:$0xA900];
	[tilespmem:s25], [sflag:$0x1] =	stream.linear.gather [hbm4b:s4+s25], $0xC0, $0x38  }
0x136: {  	_ =	swait.ge [sflag:s26], $0xC0  }
0x137: {  	v3 =	vld [tilespmem:$0x1FFF0];
	_ =	sdelay $0x2  }
0x138: {  	[sflag:s26] =	ssyncset.done $0x0  }
0x139: {  	[sflag:s26] =	ssyncadd.s32 $0xFFFFFF40  }
0x13a: {  	v19 =	vld.idx.msk [tilespmem:v0+s25+$0x0], $0xffff  }
0x13b: {  	v21 =	vld.idx.msk [tilespmem:v4+s25+$0x0], $0xffff  }
0x13c: {  	v22 =	vld.idx.msk [tilespmem:v5+s25+$0x0], $0xffff  }
0x13d: {  	v20 =	vld.idx.msk [tilespmem:v3+s25+$0x0], $0xffff;
	_ =	sdelay $0x2  }
0x13e: {  	v19 =	vadd.s32 v1, v19;
	[tilespmem:$0x200] =	vst v21  }
0x13f: {  	vm0 =	vlt.s32 v22, $0x270F;
	[tilespmem:$0x300] =	vst v19  }
0x140: {  	[tilespmem:$0x280] =	vst v20;
	v20 =	vnsel vm0, $0x270F, v22  }
0x141: {  	[tilespmem:$0x600] =	vst v20  }
0x142: {  	v19 =	vld.idx.msk [tilespmem:v6+s25+$0x0], $0xffff  }
0x143: {  	v20 =	vld.idx.msk [tilespmem:v7+s25+$0x0], $0xffff  }
0x144: {  	v21 =	vld.idx.msk [tilespmem:v8+s25+$0x0], $0xffff  }
0x145: {  	v63 =	vld.idx.msk [tilespmem:v9+s25+$0x0], $0xffff;
	_ =	sdelay $0x3  }
0x146: {  	[tilespmem:$0x210] =	vst v21  }
0x147: {  	vm15 =	vlt.s32 v63, $0x270F;
	[tilespmem:$0x290] =	vst v20;
	v19 =	vadd.s32 v1, v19  }
0x148: {  	v20 =	vnsel vm15, $0x270F, v63;
	[tilespmem:$0x310] =	vst v19  }
0x149: {  	s28 =	simm.s32 $0x200;
	s10 =	simm.s32 $0x800;
	[tilespmem:$0x610] =	vst v20  }
0x14a: {  	[tilespmem:s10], [sflag:$0x3] =	stream.indirect.gather [hbm4b:s1+s29], $0x80, s28, s29, $0xb8;
	[tilespmem:$0x1E200] =	vst v63  }
0x14b: {  	s14 =	simm.s32 $0x1800;
	s10 =	simm.s32 $0x280  }
0x14c: {  	[tilespmem:s14], [sflag:$0x3] =	stream.indirect.gather [hbm4b:s6+s29], $0x80, s10, s29, $0xb8;
	[tilespmem:$0x1E200] =	vst v63  }
.Ltmp7:
0x14d: {  	_ = 	snop;
	(pc) =	sbr.rel .LBB2_9-.Ltmp7, $4  }
0x14e: {  	s17 =	simm.s32 $0x300;
	s20 =	simm.s32 $0x4800  }
0x14f: {  	[tilespmem:s20], [sflag:$0x3] =	stream.indirect.gather [hbm4b:s9+s29], $0x80, s17, s29, $0xb8;
	[tilespmem:$0x1E200] =	vst v63  }
0x150: {  	s26 =	rddreg [dreg:$0xb];
	s28 =	simm.s32 $0x100  }
0x151: {  	[tilespmem:s28], [sflag:$0x2] =	stream.linear.gather [hbm4b:s26+s25], $0xC0, $0x38;
	[tilespmem:$0x1E200] =	vst v63  }
.LBB2_17:
0x152: {  	s25 =	sadd.s32 $0x1, s25  }
0x153: {  	p1 =	sne.s32 s25, $0x9D  }
.Ltmp8:
0x154: {  	_ = 	snop;
	(pc) =	sbr.rel @!p1 .LBB2_18-.Ltmp8, $1  }
0x155: {  	_ =	sdelay $0x3  }
.LBB2_9:
0x156: {  	s14 =	sshll.u32 s25, $0x6  }
0x157: {  	s4 =	sadd.s32 s15, s14  }
0x158: {  	p1 =	sgt.u32 s4, $0x270F  }
0x159: {  	p2 =	sge.u32 s14, s19;
	s4 =	smul.u32 @!p1 $0x18, s4  }
0x15a: {  	v19 =	vlaneseq.u32 @!p2  }
0x15b: {  	v19 =	vmul.u32 @!p2 $0x6, v19;
	s10 =	sadd.s32 @!p1 s5, s4;
	s4 =	simm.s32 @!p1 $0x0  }
0x15c: {  	[tilespmem:s4], [sflag:$0x1] =	stream.linear.gather @!p1 [hbm4b:s10+s4], $0xC0, $0x38;
	[tilespmem:$0x1E200] =	vst v63  }
0x15d: {  	v20 =	vadd.s32 @!p2 $0x2, v19;
	s10 =	simm.s32 @!p2 $0x2  }
0x15e: {  	v21 =	vadd.s32 @!p2 $0x4, v19;
	_ =	swait.ge @!p2 [sflag:s10], $0xC0  }
0x15f: {  	v22 =	vadd.s32 @!p2 $0x5, v19;
	[sflag:s10] =	ssyncset.done @!p2 $0x0  }
0x160: {  	[sflag:s10] =	ssyncadd.s32 @!p2 $0xFFFFFF40;
	s10 =	simm.s32 @!p2 $0x100  }
0x161: {  	v23 =	vld.idx.msk @!p2 [tilespmem:v19+s10+$0x0], $0xffff  }
0x162: {  	v20 =	vld.idx.msk @!p2 [tilespmem:v20+s10+$0x0], $0xffff  }
0x163: {  	v21 =	vld.idx.msk @!p2 [tilespmem:v21+s10+$0x0], $0xffff  }
0x164: {  	v22 =	vld.idx.msk @!p2 [tilespmem:v22+s10+$0x0], $0xffff;
	_ =	sdelay $0x2  }
0x165: {  	v24 =	vadd.s32 @!p2 $0x60, v19  }
0x166: {  	[tilespmem:$0x480] =	vst @!p2 v20;
	v20 =	vadd.s32 @!p2 v1, v23;
	v23 =	vadd.s32 @!p2 $0x64, v19  }
0x167: {  	[tilespmem:$0x400] =	vst @!p2 v21;
	v21 =	vadd.s32 @!p2 $0x62, v19;
	vm0 =	vlt.s32 @!p2 v22, $0x270F;
	v19 =	vadd.s32 @!p2 $0x65, v19  }
0x168: {  	[tilespmem:$0x500] =	vst @!p2 v20;
	v20 =	vnsel @!p2 vm0, $0x270F, v22  }
0x169: {  	[tilespmem:$0x680] =	vst @!p2 v20  }
0x16a: {  	v20 =	vld.idx.msk @!p2 [tilespmem:v24+s10+$0x0], $0xffff  }
0x16b: {  	v22 =	vld.idx.msk @!p2 [tilespmem:v23+s10+$0x0], $0xffff  }
0x16c: {  	v19 =	vld.idx.msk @!p2 [tilespmem:v19+s10+$0x0], $0xffff  }
0x16d: {  	v21 =	vld.idx.msk @!p2 [tilespmem:v21+s10+$0x0], $0xffff;
	_ =	sdelay $0x1  }
0x16e: {  	v20 =	vadd.s32 @!p2 v1, v20  }
0x16f: {  	[tilespmem:$0x510] =	vst @!p2 v20  }
0x170: {  	[tilespmem:$0x410] =	vst @!p2 v22;
	vm0 =	vlt.s32 @!p2 v19, $0x270F  }
0x171: {  	p3 =	sge.u32 s14, s18;
	[tilespmem:$0x490] =	vst @!p2 v21;
	v19 =	vnsel @!p2 vm0, $0x270F, v19  }
0x172: {  	s17 =	simm.s32 @!p2 $0x400;
	s20 =	simm.s32 @!p2 $0x2800;
	s10 =	simm.s32 @!p2 $0x20;
	[tilespmem:$0x690] =	vst @!p2 v19  }
0x173: {  	[tilespmem:s20], [sflag:$0x4] =	stream.indirect.gather @!p2 [hbm4b:s1+s10], $0x80, s17, s10, $0xb8;
	[tilespmem:$0x1E200] =	vst v63  }
.Ltmp9:
0x174: {  	_ = 	snop;
	(pc) =	sbr.rel @p3 .LBB2_13-.Ltmp9, $4  }
0x175: {  	s17 =	simm.s32 @!p2 $0x480;
	s20 =	simm.s32 @!p2 $0x3800  }
0x176: {  	[tilespmem:s20], [sflag:$0x4] =	stream.indirect.gather @!p2 [hbm4b:s6+s10], $0x80, s17, s10, $0xb8;
	[tilespmem:$0x1E200] =	vst v63  }
0x177: {  	s17 =	simm.s32 @!p2 $0x500;
	s20 =	simm.s32 @!p2 $0x5800  }
0x178: {  	[tilespmem:s20], [sflag:$0x4] =	stream.indirect.gather @!p2 [hbm4b:s9+s10], $0x80, s17, s10, $0xb8;
	[tilespmem:$0x1E200] =	vst v63  }
0x179: {  	_ =	swait.ge [sflag:s23], $0x2000  }
0x17a: {  	[sflag:s23] =	ssyncset.done $0x0  }
0x17b: {  	[sflag:s23] =	ssyncadd.s32 $0xFFFFE000  }
0x17c: {  	_ =	swait.ge [sflag:s23], $0x1000  }
0x17d: {  	p3 =	seq.s32 s25, $0x0;
	[sflag:s23] =	ssyncset.done $0x0  }
0x17e: {  	s10 =	simm.s32 @!p3 $0x5;
	[sflag:s23] =	ssyncadd.s32 $0xFFFFF000  }
0x17f: {  	_ =	swait.ge @!p3 [sflag:s10], $0x1000  }
0x180: {  	[sflag:s10] =	ssyncset.done @!p3 $0x0  }
0x181: {  	s17 =	simm.s32 $0x0;
	[sflag:s10] =	ssyncadd.s32 @!p3 $0xFFFFF000  }
0x182: {  	v31 =	vld [tilespmem:s17+$0x870]  }
0x183: {  	v20 =	vld [tilespmem:s17+$0x860]  }
0x184: {  	v21 =	vld [tilespmem:s17+$0x850]  }
0x185: {  	v22 =	vld [tilespmem:s17+$0x840]  }
0x186: {  	v23 =	vld [tilespmem:s17+$0x830]  }
0x187: {  	v24 =	vld [tilespmem:s17+$0x820]  }
0x188: {  	v25 =	vld [tilespmem:s17+$0x800]  }
0x189: {  	v26 =	vld [tilespmem:s17+$0x1800]  }
0x18a: {  	v27 =	vld [tilespmem:s17+$0x810]  }
0x18b: {  	v28 =	vld [tilespmem:s17+$0x1810]  }
0x18c: {  	v19 =	vld [tilespmem:s17+$0x4800]  }
0x18d: {  	v29 =	vld [tilespmem:s17+$0x1820]  }
0x18e: {  	v33 =	vld [tilespmem:s17+$0x4810];
	v30 =	vunpack.i.l.bf16.f32 v25;
	v32 =	vunpack.i.l.bf16.f32 v26  }
0x18f: {  	v36 =	vld [tilespmem:s17+$0x1830];
	v35 =	vunpack.i.l.bf16.f32 v20;
	v30 =	vadd.f32 v32, v30  }
0x190: {  	v38 =	vld [tilespmem:s17+$0x4820];
	v62 =	vunpack.i.l.bf16.f32 v31;
	v34 =	vunpack.i.l.bf16.f32 v27;
	v37 =	vunpack.i.l.bf16.f32 v28  }
0x191: {  	v40 =	vld [tilespmem:s17+$0x1840];
	v39 =	vunpack.i.l.bf16.f32 v21;
	v19 =	vadd.f32 v19, v30;
	v30 =	vadd.f32 v37, v34  }
0x192: {  	v42 =	vld [tilespmem:s17+$0x4830];
	v63 =	vunpack.i.l.bf16.f32 v22;
	v47 =	vunpack.i.l.bf16.f32 v24;
	v41 =	vunpack.i.l.bf16.f32 v29  }
0x193: {  	v43 =	vld [tilespmem:s17+$0x1850];
	v37 =	vadd.f32 v41, v47;
	v19 =	vmax.f32 v19, $0.0e+00;
	v30 =	vadd.f32 v33, v30  }
0x194: {  	v44 =	vld [tilespmem:s17+$0x4840];
	v48 =	vunpack.i.l.bf16.f32 v23;
	v49 =	vunpack.i.l.bf16.f32 v36;
	v19 =	vmul.f32 v19, v10  }
0x195: {  	v50 =	vld [tilespmem:s17+$0x1860];
	v33 =	vadd.f32 v49, v48;
	v37 =	vadd.f32 v38, v37;
	v30 =	vmax.f32 v30, $0.0e+00  }
0x196: {  	v45 =	vld [tilespmem:s17+$0x4850];
	v51 =	vunpack.i.l.bf16.f32 v40;
	v19 =	vadd.f32 $0.0e+00, v19;
	v30 =	vmul.f32 v30, v11  }
0x197: {  	v41 =	vadd.f32 v51, v63;
	v34 =	vld [tilespmem:s17+$0x1870];
	v37 =	vmax.f32 v37, $0.0e+00;
	v33 =	vadd.f32 v42, v33  }
0x198: {  	v53 =	vld [tilespmem:s17+$0x4860];
	v52 =	vunpack.i.l.bf16.f32 v43;
	v19 =	vadd.f32 v30, v19;
	v30 =	vmul.f32 v37, v12  }
0x199: {  	v39 =	vadd.f32 v52, v39;
	v41 =	vadd.f32 v44, v41;
	v33 =	vmax.f32 v33, $0.0e+00  }
0x19a: {  	v55 =	vld [tilespmem:s17+$0x4870];
	v54 =	vunpack.i.l.bf16.f32 v50;
	v19 =	vadd.f32 v30, v19;
	v30 =	vmul.f32 v33, v13  }
0x19b: {  	v39 =	vadd.f32 v45, v39;
	v41 =	vmax.f32 v41, $0.0e+00;
	v33 =	vadd.f32 v54, v35  }
0x19c: {  	v56 =	vunpack.i.l.bf16.f32 v34;
	v19 =	vadd.f32 v30, v19;
	v30 =	vmul.f32 v41, v14  }
0x19d: {  	v39 =	vmax.f32 v39, $0.0e+00;
	v32 =	vadd.f32 v56, v62;
	v33 =	vadd.f32 v53, v33  }
0x19e: {  	v57 =	vmul.f32 v39, v15;
	v30 =	vadd.f32 v30, v19  }
0x19f: {  	s26 =	simm.s32 $0x80;
	v32 =	vadd.f32 v55, v32;
	v33 =	vmax.f32 v33, $0.0e+00  }
0x1a0: {  	v58 =	vld [tilespmem:s26+$0x860];
	v33 =	vmul.f32 v33, v16;
	v30 =	vadd.f32 v57, v30  }
0x1a1: {  	v46 =	vld [tilespmem:s26+$0x1820];
	v32 =	vmax.f32 v32, $0.0e+00  }
0x1a2: {  	v45 =	vld [tilespmem:s26+$0x820];
	v32 =	vmul.f32 v32, v17;
	v30 =	vadd.f32 v33, v30  }
0x1a3: {  	v27 =	vunpack.i.u.bf16.f32 v27;
	v28 =	vunpack.i.u.bf16.f32 v28;
	v47 =	vld [tilespmem:s26+$0x1800]  }
0x1a4: {  	v38 =	vadd.f32 v28, v27;
	v28 =	vld [tilespmem:s26+$0x1830];
	v30 =	vadd.f32 v32, v30  }
0x1a5: {  	v39 =	vld [tilespmem:s26+$0x1850]  }
0x1a6: {  	v21 =	vunpack.i.u.bf16.f32 v21;
	v59 =	vunpack.i.u.bf16.f32 v43;
	v42 =	vld [tilespmem:s26+$0x830];
	(xrf2) =	vadd.scan.msk.f32 $0xffff, v30  }
0x1a7: {  	v26 =	vunpack.i.u.bf16.f32 v26;
	v41 =	vld [tilespmem:s26+$0x840];
	v33 =	vunpack.i.u.bf16.f32 v22;
	v22 =	vadd.f32 v59, v21  }
0x1a8: {  	v21 =	vunpack.i.u.bf16.f32 v23;
	v23 =	vunpack.i.u.bf16.f32 v24;
	v24 =	vunpack.i.u.bf16.f32 v25;
	v25 =	vld [tilespmem:s26+$0x800]  }
0x1a9: {  	v32 =	vadd.f32 v26, v24;
	v24 =	vld [tilespmem:s26+$0x1810]  }
0x1aa: {  	v30 =	vunpack.i.u.bf16.f32 v36;
	v36 =	vunpack.i.u.bf16.f32 v40;
	v40 =	vld [tilespmem:s26+$0x810]  }
0x1ab: {  	v29 =	vunpack.i.u.bf16.f32 v29;
	v48 =	vunpack.i.u.bf16.f32 v50;
	v44 =	vadd.f32 v30, v21;
	v21 =	vld [tilespmem:s26+$0x4800]  }
0x1ac: {  	v49 =	vunpack.i.l.bf16.f32 v47;
	v60 =	vunpack.i.l.bf16.f32 v45;
	v37 =	vld [tilespmem:s26+$0x850];
	v63 =	vunpack.i.l.bf16.f32 v28  }
0x1ad: {  	v50 =	vld [tilespmem:s26+$0x4810];
	v55 =	vunpack.i.l.bf16.f32 v46;
	v35 =	vunpack.i.l.bf16.f32 v39;
	v30 =	vunpack.i.l.bf16.f32 v25  }
0x1ae: {  	v52 =	vld [tilespmem:s26+$0x1840];
	v62 =	vunpack.i.l.bf16.f32 v42;
	v51 =	vunpack.i.l.bf16.f32 v41;
	v30 =	vadd.f32 v49, v30  }
0x1af: {  	v56 =	vld [tilespmem:s26+$0x4820];
	v43 =	vadd.f32 v29, v23;
	v54 =	vunpack.i.l.bf16.f32 v24;
	v53 =	vunpack.i.l.bf16.f32 v40  }
0x1b0: {  	v23 =	vunpack.i.u.bf16.f32 v58;
	v21 =	vadd.f32 v21, v30;
	v30 =	vadd.f32 v54, v53;
	v57, _, _ =	vpop (xrf2)  }
0x1b1: {  	v29 =	vunpack.i.l.bf16.f32 v37;
	v26 =	vunpack.i.l.bf16.f32 v58;
	v61 =	vbroadcast v57, $0xF;
	v57 =	vld [tilespmem:s26+$0x4830]  }
0x1b2: {  	v49 =	vadd.f32 v55, v60;
	v21 =	vmax.f32 v21, $0.0e+00;
	v30 =	vadd.f32 v50, v30  }
0x1b3: {  	v21 =	vmul.f32 v21, v10;
	v60 =	vadd.f32 v61, v18;
	v61 =	vadd.f32 v63, v62;
	v63 =	vld [tilespmem:s26+$0x4840]  }
0x1b4: {  	v49 =	vadd.f32 v56, v49;
	v30 =	vmax.f32 v30, $0.0e+00;
	v62 =	vunpack.i.l.bf16.f32 v52  }
0x1b5: {  	v59 =	vld [tilespmem:s26+$0x4850];
	v21 =	vadd.f32 $0.0e+00, v21;
	v58 =	vmul.f32 v30, v11;
	v51 =	vadd.f32 v62, v51  }
0x1b6: {  	v56 =	vld [tilespmem:s26+$0x1860];
	v49 =	vmax.f32 v49, $0.0e+00;
	v50 =	vsub.f32 $0.0e+00, v60;
	v53 =	vadd.f32 v57, v61  }
0x1b7: {  	v19 =	vld [tilespmem:s26+$0x870];
	v29 =	vadd.f32 v35, v29;
	v49 =	vmul.f32 v49, v12;
	v21 =	vadd.f32 v58, v21  }
0x1b8: {  	v30 =	vld [tilespmem:s26+$0x1870];
	v50 =	vmul.f32 $1.442695020e+00, v50;
	v53 =	vmax.f32 v53, $0.0e+00;
	v51 =	vadd.f32 v63, v51  }
0x1b9: {  	v60 =	vld [tilespmem:s26+$0x4860];
	v21 =	vadd.f32 v49, v21;
	v61 =	vmul.f32 v53, v13  }
0x1ba: {  	v29 =	vadd.f32 v59, v29;
	(erf) = vpow2.f32 v50;
	v51 =	vmax.f32 v51, $0.0e+00  }
0x1bb: {  	v62 =	vunpack.i.l.bf16.f32 v56;
	v63 =	vld [tilespmem:s26+$0x4870];
	v21 =	vadd.f32 v61, v21;
	v57 =	vmul.f32 v51, v14  }
0x1bc: {  	v27 =	vunpack.i.l.bf16.f32 v19;
	v29 =	vmax.f32 v29, $0.0e+00;
	v26 =	vadd.f32 v62, v26  }
0x1bd: {  	v29 =	vmul.f32 v29, v15;
	v58 =	vunpack.i.l.bf16.f32 v30;
	v21 =	vadd.f32 v57, v21  }
0x1be: {  	v27 =	vadd.f32 v58, v27;
	v26 =	vadd.f32 v60, v26  }
0x1bf: {  	v29 =	vadd.f32 v29, v21  }
0x1c0: {  	v20 =	vunpack.i.u.bf16.f32 v20;
	v26 =	vmax.f32 v26, $0.0e+00;
	v27 =	vadd.f32 v63, v27  }
0x1c1: {  	s20 =	simm.s32 $0x100;
	v31 =	vunpack.i.u.bf16.f32 v31;
	v47 =	vunpack.i.u.bf16.f32 v47;
	v26 =	vmul.f32 v26, v16  }
0x1c2: {  	v34 =	vunpack.i.u.bf16.f32 v34;
	v35 =	vadd.f32 v48, v20;
	v48 =	vld [tilespmem:s20+$0x840];
	v27 =	vmax.f32 v27, $0.0e+00  }
0x1c3: {  	v33 =	vadd.f32 v36, v33;
	v36 =	vld [tilespmem:s20+$0x850];
	v27 =	vmul.f32 v27, v17;
	v26 =	vadd.f32 v26, v29;
	v29 =	vpop (erf)  }
0x1c4: {  	v31 =	vadd.f32 v34, v31;
	v28 =	vunpack.i.u.bf16.f32 v28;
	v63 =	vld [tilespmem:s20+$0x1850];
	v29 =	vadd.f32 $1.000000000e+00, v29  }
0x1c5: {  	v59 =	vunpack.i.u.bf16.f32 v37;
	v25 =	vunpack.i.u.bf16.f32 v25;
	v49 =	vld [tilespmem:s20+$0x820];
	v26 =	vadd.f32 v27, v26  }
0x1c6: {  	v24 =	vunpack.i.u.bf16.f32 v24;
	v58 =	vunpack.i.u.bf16.f32 v52;
	v52 =	vld [tilespmem:s20+$0x4800];
	(erf) = vrcp.f32 v29  }
0x1c7: {  	v62 =	vunpack.i.u.bf16.f32 v45;
	v60 =	vunpack.i.u.bf16.f32 v41;
	v41 =	vld [tilespmem:s20+$0x800];
	v21 =	vunpack.i.u.bf16.f32 v39;
	(xrf2) =	vadd.scan.msk.f32 $0xffff, v26  }
0x1c8: {  	v61 =	vunpack.i.u.bf16.f32 v42;
	v42 =	vld [tilespmem:s20+$0x810];
	v21 =	vadd.f32 v21, v59;
	v59 =	vunpack.i.u.bf16.f32 v56  }
0x1c9: {  	v56 =	vunpack.i.l.bf16.f32 v36;
	v45 =	vunpack.i.l.bf16.f32 v63;
	v29 =	vunpack.i.u.bf16.f32 v46;
	v46 =	vld [tilespmem:s20+$0x1800]  }
0x1ca: {  	v50 =	vunpack.i.u.bf16.f32 v48;
	v51 =	vld [tilespmem:s20+$0x1810];
	v27 =	vunpack.i.u.bf16.f32 v40;
	v45 =	vadd.f32 v45, v56  }
0x1cb: {  	v48 =	vunpack.i.l.bf16.f32 v48;
	v39 =	vld [tilespmem:s20+$0x860];
	v26 =	vadd.f32 v47, v25;
	v25 =	vadd.f32 v24, v27  }
0x1cc: {  	v57 =	vunpack.i.u.bf16.f32 v49;
	v40 =	vld [tilespmem:s20+$0x830];
	v24 =	vadd.f32 v59, v23;
	v27 =	vadd.f32 v29, v62  }
0x1cd: {  	v47 =	vld [tilespmem:s20+$0x1820];
	v29 =	vadd.f32 v28, v61;
	v28 =	vadd.f32 v58, v60;
	v60 =	vunpack.i.u.bf16.f32 v36  }
0x1ce: {  	v59 =	vld [tilespmem:s20+$0x4810];
	v61 =	vunpack.i.u.bf16.f32 v63;
	v62 =	vunpack.i.l.bf16.f32 v41;
	v63 =	vunpack.i.l.bf16.f32 v46  }
0x1cf: {  	v58 =	vld [tilespmem:s20+$0x1830];
	v36 =	vunpack.i.l.bf16.f32 v49;
	v23 =	vadd.f32 v61, v60;
	v34 =	vadd.f32 v63, v62;
	v37 =	vpop (erf)  }
0x1d0: {  	v49 =	vld [tilespmem:s20+$0x1840];
	v60 =	vunpack.i.l.bf16.f32 v42;
	v61 =	vunpack.i.l.bf16.f32 v51;
	v31 =	vmul.f32 v37, v31  }
0x1d1: {  	v53 =	vunpack.i.u.bf16.f32 v39;
	v63 =	vld [tilespmem:s20+$0x4820];
	v34 =	vadd.f32 v52, v34;
	v52 =	vadd.f32 v61, v60;
	v3, _, _ =	vpop (xrf2)  }
0x1d2: {  	v20 =	vld [tilespmem:s20+$0x870];
	v55 =	vunpack.i.u.bf16.f32 v40;
	v62 =	vunpack.i.l.bf16.f32 v47;
	v3 =	vbroadcast v3, $0xF;
	[tilespmem:s17+$0x6870] =	vst v31  }
0x1d3: {  	v34 =	vmax.f32 v34, $0.0e+00;
	v52 =	vadd.f32 v59, v52;
	v31 =	vadd.f32 v62, v36;
	v60 =	vld [tilespmem:s20+$0x4830]  }
0x1d4: {  	v36 =	vunpack.i.l.bf16.f32 v40;
	v40 =	vunpack.i.l.bf16.f32 v58;
	v3 =	vadd.f32 v3, v18  }
0x1d5: {  	v34 =	vmul.f32 v34, v10;
	v52 =	vmax.f32 v52, $0.0e+00;
	v36 =	vadd.f32 v40, v36;
	v59 =	vld [tilespmem:s20+$0x4840]  }
0x1d6: {  	v40 =	vunpack.i.l.bf16.f32 v49;
	v61 =	vld [tilespmem:s20+$0x1860];
	v31 =	vadd.f32 v63, v31;
	v3 =	vsub.f32 $0.0e+00, v3  }
0x1d7: {  	v34 =	vadd.f32 $0.0e+00, v34;
	v52 =	vmul.f32 v52, v11;
	v40 =	vadd.f32 v40, v48;
	v48 =	vld [tilespmem:s20+$0x4850]  }
0x1d8: {  	v31 =	vmax.f32 v31, $0.0e+00;
	v3 =	vmul.f32 $1.442695020e+00, v3;
	v60 =	vadd.f32 v60, v36  }
0x1d9: {  	v39 =	vunpack.i.l.bf16.f32 v39;
	v34 =	vadd.f32 v52, v34;
	v52 =	vld [tilespmem:s20+$0x4860];
	v31 =	vmul.f32 v31, v12  }
0x1da: {  	v36 =	vld [tilespmem:s20+$0x1870];
	v40 =	vadd.f32 v59, v40;
	(erf) = vpow2.f32 v3;
	v60 =	vmax.f32 v60, $0.0e+00  }
0x1db: {  	v62 =	vunpack.i.l.bf16.f32 v61;
	v3 =	vadd.f32 v31, v34;
	v31 =	vmul.f32 v60, v13  }
0x1dc: {  	v45 =	vadd.f32 v48, v45;
	v34 =	vadd.f32 v62, v39;
	v40 =	vmax.f32 v40, $0.0e+00  }
0x1dd: {  	v63 =	vld [tilespmem:s20+$0x4870];
	v3 =	vadd.f32 v31, v3;
	v31 =	vmul.f32 v40, v14  }
0x1de: {  	v54 =	vunpack.i.l.bf16.f32 v20;
	v60 =	vmax.f32 v45, $0.0e+00;
	v34 =	vadd.f32 v52, v34  }
0x1df: {  	v59 =	vunpack.i.l.bf16.f32 v36;
	v3 =	vadd.f32 v31, v3;
	v31 =	vmul.f32 v60, v15  }
0x1e0: {  	v41 =	vunpack.i.u.bf16.f32 v41;
	v34 =	vmax.f32 v34, $0.0e+00;
	v39 =	vadd.f32 v59, v54  }
0x1e1: {  	s28 =	simm.s32 $0x180;
	v42 =	vunpack.i.u.bf16.f32 v42;
	v3 =	vadd.f32 v31, v3;
	v31 =	vmul.f32 v34, v16  }
0x1e2: {  	v47 =	vunpack.i.u.bf16.f32 v47;
	v58 =	vunpack.i.u.bf16.f32 v58;
	v56 =	vld [tilespmem:s28+$0x860];
	v63 =	vadd.f32 v63, v39  }
0x1e3: {  	v49 =	vunpack.i.u.bf16.f32 v49;
	v62 =	vunpack.i.u.bf16.f32 v46;
	v52 =	vld [tilespmem:s28+$0x1850];
	v59 =	vunpack.i.u.bf16.f32 v61  }
0x1e4: {  	v54 =	vld [tilespmem:s28+$0x850];
	v60 =	vmul.f32 v37, v32;
	v34 =	vunpack.i.u.bf16.f32 v51;
	v45 =	vmax.f32 v63, $0.0e+00  }
0x1e5: {  	v46 =	vld [tilespmem:s28+$0x840];
	v51 =	vadd.f32 v47, v57;
	v3 =	vadd.f32 v31, v3;
	v45 =	vmul.f32 v45, v17;
	v31 =	vpop (erf)  }
0x1e6: {  	v40 =	vld [tilespmem:s28+$0x830];
	v47 =	vadd.f32 v58, v55;
	v58 =	vmul.f32 v37, v38;
	v48 =	vadd.f32 $1.000000000e+00, v31  }
0x1e7: {  	v39 =	vld [tilespmem:s28+$0x870];
	v55 =	vmul.f32 v37, v44;
	v32 =	vadd.f32 v34, v42;
	v3 =	vadd.f32 v45, v3  }
0x1e8: {  	v42 =	vunpack.i.u.bf16.f32 v56;
	v34 =	vld [tilespmem:s28+$0x1820];
	v45 =	vadd.f32 v49, v50;
	(erf) = vrcp.f32 v48  }
0x1e9: {  	v49 =	vunpack.i.u.bf16.f32 v54;
	v50 =	vunpack.i.u.bf16.f32 v52;
	(xrf2) =	vadd.scan.msk.f32 $0xffff, v3;
	v48 =	vld [tilespmem:s28+$0x820];
	[tilespmem:s17+$0x6800] =	vst v60  }
0x1ea: {  	s10 =	simm.s32 $0x800;
	v31 =	vadd.f32 v62, v41;
	v41 =	vadd.f32 v59, v53;
	v59 =	vmul.f32 v37, v43;
	v38 =	vld [tilespmem:s28+$0x800]  }
.LBB2_11:
0x1eb: {  	p3 =	sne.s32 s10, $0x3E00;
	v57 =	vld [tilespmem:s28+$0x1800];
	v44 =	vunpack.i.u.bf16.f32 v46;
	v3 =	vadd.f32 v50, v49;
	[tilespmem:s17+$0x6810] =	vst v58;
	v33 =	vmul.f32 v37, v33;
	v43 =	vmovc v51  }
0x1ec: {  	v62 =	vmul.f32 v37, v22;
	v35 =	vmul.f32 v37, v35;
	v51 =	vld [tilespmem:s28+$0x810]  }
0x1ed: {  	v22 =	vmovc v21;
	v37 =	vunpack.i.u.bf16.f32 v19;
	v21 =	vmovc v23;
	v56 =	vunpack.i.l.bf16.f32 v56;
	v49 =	vunpack.i.u.bf16.f32 v40;
	[tilespmem:s17+$0x6820] =	vst v59  }
0x1ee: {  	v19 =	vmovc v20;
	v61 =	vunpack.i.u.bf16.f32 v30;
	v52 =	vunpack.i.l.bf16.f32 v52;
	v58 =	vld [tilespmem:s28+$0x1810];
	v50 =	vunpack.i.u.bf16.f32 v48;
	[tilespmem:s17+$0x6830] =	vst v55;
	v23 =	vmovc v3  }
0x1ef: {  	v30 =	vmovc v36;
	v20 =	vmovc v39;
	v46 =	vunpack.i.l.bf16.f32 v46;
	v59 =	vunpack.i.l.bf16.f32 v39;
	v63 =	vadd.f32 v61, v37;
	v3 =	vld [tilespmem:s28+$0x4800];
	[tilespmem:s17+$0x6840] =	vst v33  }
0x1f0: {  	v53 =	vmovc v29;
	v39 =	vunpack.i.l.bf16.f32 v54;
	v55 =	vmovc v42;
	v60 =	vld [tilespmem:s28+$0x1830];
	[tilespmem:s17+$0x6850] =	vst v62;
	v61 =	vunpack.i.l.bf16.f32 v38;
	v36 =	vunpack.i.l.bf16.f32 v57  }
0x1f1: {  	v33 =	vmov v28;
	v42 =	vld [tilespmem:s28+$0x4810];
	v37 =	vpop (erf);
	[tilespmem:s17+$0x6860] =	vst v35;
	s17 =	smov.u32 s26;
	s26 =	smov.u32 s20;
	s20 =	smov.u32 s28;
	v35 =	vadd.f32 v36, v61;
	v28 =	vunpack.i.l.bf16.f32 v51  }
0x1f2: {  	v29 =	vmov v47;
	v36 =	vunpack.i.l.bf16.f32 v48;
	v48 =	vld [tilespmem:s20+$0x1840];
	v54 =	vmul.f32 v37, v63  }
0x1f3: {  	v61 =	vunpack.i.l.bf16.f32 v34;
	v47 =	vunpack.i.l.bf16.f32 v58;
	v62 =	vld [tilespmem:s20+$0x4820];
	v63, _, _ =	vpop (xrf2)  }
0x1f4: {  	v3 =	vadd.f32 v3, v35;
	v47 =	vadd.f32 v47, v28;
	v63 =	vbroadcast v63, $0xF;
	[tilespmem:s17+$0x6870] =	vst v54;
	v28 =	vmovc v45  }
0x1f5: {  	v40 =	vunpack.i.l.bf16.f32 v40;
	v36 =	vadd.f32 v61, v36;
	v45 =	vunpack.i.l.bf16.f32 v60;
	v54 =	vld [tilespmem:s20+$0x4830];
	v35 =	vmovc v24;
	v24 =	vmovc v41  }
0x1f6: {  	v3 =	vmax.f32 v3, $0.0e+00;
	v41 =	vadd.f32 v42, v47;
	v42 =	vadd.f32 v63, v18  }
0x1f7: {  	v40 =	vadd.f32 v45, v40;
	v3 =	vmul.f32 v3, v10;
	v45 =	vunpack.i.l.bf16.f32 v48;
	v47 =	vld [tilespmem:s20+$0x4840]  }
0x1f8: {  	v41 =	vmax.f32 v41, $0.0e+00;
	v36 =	vadd.f32 v62, v36;
	v42 =	vsub.f32 $0.0e+00, v42;
	v61 =	vld [tilespmem:s20+$0x1860]  }
0x1f9: {  	v45 =	vadd.f32 v45, v46;
	v3 =	vadd.f32 $0.0e+00, v3;
	v41 =	vmul.f32 v41, v11;
	v46 =	vld [tilespmem:s20+$0x4850]  }
0x1fa: {  	v62 =	vmax.f32 v36, $0.0e+00;
	v42 =	vmul.f32 $1.442695020e+00, v42;
	v40 =	vadd.f32 v54, v40;
	v36 =	vld [tilespmem:s20+$0x1870]  }
0x1fb: {  	v39 =	vadd.f32 v52, v39;
	v3 =	vadd.f32 v41, v3;
	v41 =	vmul.f32 v62, v12;
	v52 =	vld [tilespmem:s20+$0x4860]  }
0x1fc: {  	v40 =	vmax.f32 v40, $0.0e+00;
	v45 =	vadd.f32 v47, v45;
	(erf) = vpow2.f32 v42  }
0x1fd: {  	v3 =	vadd.f32 v41, v3;
	v40 =	vmul.f32 v40, v13;
	v41 =	vunpack.i.l.bf16.f32 v61;
	v42 =	vld [tilespmem:s20+$0x4870]  }
0x1fe: {  	v45 =	vmax.f32 v45, $0.0e+00;
	v39 =	vadd.f32 v46, v39;
	v41 =	vadd.f32 v41, v56  }
0x1ff: {  	v3 =	vadd.f32 v40, v3;
	v40 =	vmul.f32 v45, v14;
	v45 =	vunpack.i.l.bf16.f32 v36  }
0x200: {  	v39 =	vmax.f32 v39, $0.0e+00;
	v41 =	vadd.f32 v52, v41;
	v45 =	vadd.f32 v45, v59  }
0x201: {  	v38 =	vunpack.i.u.bf16.f32 v38;
	v3 =	vadd.f32 v40, v3;
	v40 =	vmul.f32 v39, v15  }
0x202: {  	s28 =	sshra.s32 s10, $0x2;
	v47 =	vunpack.i.u.bf16.f32 v57;
	v41 =	vmax.f32 v41, $0.0e+00;
	v52 =	vadd.f32 v42, v45  }
0x203: {  	v45 =	vunpack.i.u.bf16.f32 v51;
	v39 =	vld [tilespmem:s28+$0x870];
	v3 =	vadd.f32 v40, v3;
	v40 =	vmul.f32 v41, v16  }
0x204: {  	v34 =	vunpack.i.u.bf16.f32 v34;
	v41 =	vunpack.i.u.bf16.f32 v58;
	v56 =	vld [tilespmem:s28+$0x860];
	v46 =	vmax.f32 v52, $0.0e+00  }
0x205: {  	v57 =	vunpack.i.u.bf16.f32 v60;
	v54 =	vld [tilespmem:s28+$0x850];
	v3 =	vadd.f32 v40, v3;
	v40 =	vmul.f32 v46, v17;
	v42 =	vpop (erf)  }
0x206: {  	v59 =	vunpack.i.u.bf16.f32 v61;
	v58 =	vunpack.i.u.bf16.f32 v48;
	v52 =	vld [tilespmem:s28+$0x1850];
	v42 =	vadd.f32 $1.000000000e+00, v42  }
.Ltmp10:
0x207: {  	v60 =	vmul.f32 v37, v26;
	v26 =	vmovc v31;
	v31 =	vadd.f32 v47, v38;
	v46 =	vld [tilespmem:s28+$0x840];
	v3 =	vadd.f32 v40, v3;
	(pc) =	sbr.rel @p3 .LBB2_11-.Ltmp10, $4  }
0x208: {  	v51 =	vadd.f32 v34, v50;
	v61 =	vadd.f32 v41, v45;
	v40 =	vld [tilespmem:s28+$0x830];
	(erf) = vrcp.f32 v42  }
0x209: {  	v47 =	vadd.f32 v57, v49;
	v45 =	vadd.f32 v58, v44;
	v48 =	vld [tilespmem:s28+$0x820];
	v42 =	vunpack.i.u.bf16.f32 v56;
	(xrf2) =	vadd.scan.msk.f32 $0xffff, v3  }
0x20a: {  	v41 =	vadd.f32 v59, v55;
	v58 =	vmul.f32 v37, v25;
	v25 =	vmovc v32;
	v34 =	vld [tilespmem:s28+$0x1820];
	v49 =	vunpack.i.u.bf16.f32 v54;
	[tilespmem:s17+$0x6800] =	vst v60  }
0x20b: {  	s10 =	sadd.s32 $0x200, s10;
	v59 =	vmul.f32 v37, v27;
	v55 =	vmul.f32 v37, v53;
	v27 =	vmovc v43;
	v32 =	vmovc v61;
	v38 =	vld [tilespmem:s28+$0x800];
	v50 =	vunpack.i.u.bf16.f32 v52  }
0x20c: {  	v53 =	vld [tilespmem:s28+$0x1800];
	[tilespmem:s17+$0x6810] =	vst v58  }
0x20d: {  	v3 =	vmul.f32 v37, v33;
	v44 =	vld [tilespmem:s28+$0x810];
	[tilespmem:s17+$0x6820] =	vst v59  }
0x20e: {  	v61 =	vmul.f32 v37, v22;
	v43 =	vld [tilespmem:s28+$0x1810];
	[tilespmem:s17+$0x6830] =	vst v55  }
0x20f: {  	v19 =	vunpack.i.u.bf16.f32 v19;
	v30 =	vunpack.i.u.bf16.f32 v30;
	v60 =	vld [tilespmem:s28+$0x4800];
	[tilespmem:s17+$0x6840] =	vst v3  }
0x210: {  	v30 =	vadd.f32 v30, v19;
	v3 =	vmul.f32 v37, v35;
	v22 =	vld [tilespmem:s28+$0x1830];
	[tilespmem:s17+$0x6850] =	vst v61  }
0x211: {  	v54 =	vunpack.i.l.bf16.f32 v54;
	v19 =	vunpack.i.l.bf16.f32 v38;
	v35 =	vld [tilespmem:s28+$0x4810];
	v62 =	vunpack.i.l.bf16.f32 v53;
	v55 =	vpop (erf)  }
0x212: {  	v52 =	vunpack.i.l.bf16.f32 v52;
	[tilespmem:s17+$0x6860] =	vst v3;
	v37 =	vadd.f32 v62, v19;
	v30 =	vmul.f32 v55, v30  }
0x213: {  	v52 =	vadd.f32 v52, v54;
	v57 =	vunpack.i.l.bf16.f32 v44;
	v59 =	vld [tilespmem:s28+$0x4820];
	v63 =	vunpack.i.l.bf16.f32 v43  }
0x214: {  	v19 =	vld [tilespmem:s28+$0x1840];
	v33 =	vadd.f32 v60, v37;
	v37 =	vadd.f32 v63, v57;
	[tilespmem:s26+$0x6870] =	vst v30  }
0x215: {  	v58 =	vunpack.i.l.bf16.f32 v34;
	v30 =	vunpack.i.l.bf16.f32 v46;
	v57 =	vunpack.i.l.bf16.f32 v48;
	v60 =	vld [tilespmem:s28+$0x4830]  }
0x216: {  	v57 =	vadd.f32 v58, v57;
	v33 =	vmax.f32 v33, $0.0e+00;
	v35 =	vadd.f32 v35, v37  }
0x217: {  	v58 =	vunpack.i.l.bf16.f32 v22;
	v61 =	vld [tilespmem:s28+$0x4840];
	v37 =	vunpack.i.l.bf16.f32 v40;
	v33 =	vmul.f32 v33, v10  }
0x218: {  	v37 =	vadd.f32 v58, v37;
	v57 =	vadd.f32 v59, v57;
	v58 =	vld [tilespmem:s28+$0x1860];
	v35 =	vmax.f32 v35, $0.0e+00  }
0x219: {  	v62 =	vld [tilespmem:s28+$0x4850];
	v59 =	vunpack.i.l.bf16.f32 v19;
	v33 =	vadd.f32 $0.0e+00, v33;
	v35 =	vmul.f32 v35, v11  }
0x21a: {  	v30 =	vadd.f32 v59, v30;
	v59 =	vld [tilespmem:s28+$0x1870];
	v57 =	vmax.f32 v57, $0.0e+00;
	v37 =	vadd.f32 v60, v37  }
0x21b: {  	v3 =	vunpack.i.l.bf16.f32 v56;
	v60 =	vmul.f32 v57, v12;
	v57 =	vld [tilespmem:s28+$0x4860];
	v33 =	vadd.f32 v35, v33  }
0x21c: {  	v56 =	vunpack.i.l.bf16.f32 v39;
	v30 =	vadd.f32 v61, v30;
	v37 =	vmax.f32 v37, $0.0e+00  }
0x21d: {  	v61 =	vld [tilespmem:s28+$0x4870];
	v33 =	vadd.f32 v60, v33;
	v63 =	vmul.f32 v37, v13;
	v60 =	vunpack.i.l.bf16.f32 v58  }
0x21e: {  	v52 =	vadd.f32 v62, v52;
	v30 =	vmax.f32 v30, $0.0e+00;
	v3 =	vadd.f32 v60, v3  }
0x21f: {  	v30 =	vmul.f32 v30, v14;
	v62 =	vunpack.i.l.bf16.f32 v59;
	v33 =	vadd.f32 v63, v33  }
0x220: {  	v35 =	vadd.f32 v62, v56;
	v63 =	vmax.f32 v52, $0.0e+00;
	v3 =	vadd.f32 v57, v3  }
0x221: {  	v52 =	vmul.f32 v63, v15;
	v30 =	vadd.f32 v30, v33  }
0x222: {  	v35 =	vadd.f32 v61, v35;
	v3 =	vmax.f32 v3, $0.0e+00  }
0x223: {  	v30 =	vadd.f32 v52, v30;
	v3 =	vmul.f32 v3, v16  }
0x224: {  	v54 =	vmax.f32 v35, $0.0e+00  }
0x225: {  	v56 =	vmul.f32 v54, v17;
	v3 =	vadd.f32 v3, v30  }
0x226: {  	v57, _, _ =	vpop (xrf2)  }
0x227: {  	v33 =	vbroadcast v57, $0xF;
	v3 =	vadd.f32 v56, v3;
	_ =	sdelay $0x1  }
0x228: {  	v60 =	vadd.f32 v33, v18;
	(xrf2) =	vadd.scan.msk.f32 $0xffff, v3;
	_ =	sdelay $0x1  }
0x229: {  	v3 =	vsub.f32 $0.0e+00, v60;
	_ =	sdelay $0x1  }
0x22a: {  	v3 =	vmul.f32 $1.442695020e+00, v3;
	_ =	sdelay $0x1  }
0x22b: {  	(erf) = vpow2.f32 v3;
	_ =	sdelay $0x3  }
0x22c: {  	v3, _, _ =	vpop (xrf2)  }
0x22d: {  	v3 =	vbroadcast v3, $0xF;
	_ =	sdelay $0x1  }
0x22e: {  	v3 =	vadd.f32 v3, v18;
	_ =	sdelay $0x1  }
0x22f: {  	v61 =	vpop (erf);
	v3 =	vsub.f32 $0.0e+00, v3  }
0x230: {  	v30 =	vadd.f32 $1.000000000e+00, v61  }
0x231: {  	v3 =	vmul.f32 $1.442695020e+00, v3  }
0x232: {  	(erf) = vrcp.f32 v30  }
0x233: {  	(erf) = vpow2.f32 v3;
	_ =	sdelay $0x5  }
0x234: {  	v3 =	vmul.f32 v55, v26  }
0x235: {  	v25 =	vmul.f32 v55, v25  }
0x236: {  	[tilespmem:s26+$0x6800] =	vst v3;
	v3 =	vmul.f32 v55, v27;
	v62 =	vpop (erf)  }
0x237: {  	v29 =	vmul.f32 v55, v29;
	v21 =	vmul.f32 v55, v21;
	[tilespmem:s26+$0x6810] =	vst v25;
	v63 =	vpop (erf)  }
0x238: {  	[tilespmem:s26+$0x6820] =	vst v3;
	v3 =	vunpack.i.u.bf16.f32 v20;
	v20 =	vunpack.i.u.bf16.f32 v36;
	v33 =	vadd.f32 $1.000000000e+00, v63  }
0x239: {  	[tilespmem:s26+$0x6830] =	vst v29;
	v35 =	vmul.f32 v55, v28;
	v3 =	vadd.f32 v20, v3  }
0x23a: {  	[tilespmem:s26+$0x6850] =	vst v21;
	v20 =	vmul.f32 v55, v24;
	(erf) = vrcp.f32 v33  }
0x23b: {  	[tilespmem:s26+$0x6840] =	vst v35;
	v3 =	vmul.f32 v62, v3  }
0x23c: {  	[tilespmem:s26+$0x6860] =	vst v20;
	v20 =	vmul.f32 v62, v31  }
0x23d: {  	[tilespmem:s20+$0x6870] =	vst v3;
	v3 =	vmul.f32 v62, v32  }
0x23e: {  	v22 =	vunpack.i.u.bf16.f32 v22;
	[tilespmem:s20+$0x6800] =	vst v20  }
0x23f: {  	v37 =	vunpack.i.u.bf16.f32 v46;
	v20 =	vmul.f32 v62, v51;
	[tilespmem:s20+$0x6810] =	vst v3;
	v3 =	vmul.f32 v62, v45  }
0x240: {  	v46 =	vunpack.i.u.bf16.f32 v48;
	v48 =	vunpack.i.u.bf16.f32 v38;
	v52 =	vmul.f32 v62, v47  }
0x241: {  	v51 =	vunpack.i.u.bf16.f32 v53;
	v53 =	vunpack.i.u.bf16.f32 v59;
	[tilespmem:s20+$0x6820] =	vst v20;
	v20 =	vunpack.i.u.bf16.f32 v39  }
0x242: {  	v54 =	vunpack.i.u.bf16.f32 v44;
	v23 =	vmul.f32 v62, v23;
	[tilespmem:s20+$0x6830] =	vst v52;
	v20 =	vadd.f32 v53, v20  }
0x243: {  	v56 =	vunpack.i.u.bf16.f32 v34;
	v26 =	vmul.f32 v62, v41;
	v27 =	vadd.f32 v51, v48;
	[tilespmem:s20+$0x6840] =	vst v3;
	v3 =	vpop (erf)  }
0x244: {  	v57 =	vadd.f32 v56, v46;
	v55 =	vunpack.i.u.bf16.f32 v43;
	[tilespmem:s20+$0x6850] =	vst v23;
	v20 =	vmul.f32 v3, v20  }
0x245: {  	v40 =	vunpack.i.u.bf16.f32 v40;
	v29 =	vadd.f32 v55, v54;
	[tilespmem:s20+$0x6860] =	vst v26;
	v59 =	vmul.f32 v3, v27  }
0x246: {  	v19 =	vunpack.i.u.bf16.f32 v19;
	v22 =	vadd.f32 v22, v40;
	v60 =	vmul.f32 v3, v57;
	[tilespmem:s28+$0x6870] =	vst v20  }
0x247: {  	v19 =	vadd.f32 v19, v37;
	v20 =	vmul.f32 v3, v29;
	[tilespmem:s28+$0x6800] =	vst v59  }
0x248: {  	v61 =	vadd.f32 v50, v49;
	v62 =	vunpack.i.u.bf16.f32 v58;
	v22 =	vmul.f32 v3, v22;
	[tilespmem:s28+$0x6820] =	vst v60  }
0x249: {  	v19 =	vmul.f32 v3, v19;
	[tilespmem:s28+$0x6810] =	vst v20;
	v20 =	vadd.f32 v62, v42  }
0x24a: {  	v63 =	vmul.f32 v3, v61;
	[tilespmem:s28+$0x6830] =	vst v22  }
0x24b: {  	[tilespmem:s28+$0x6840] =	vst v19;
	v3 =	vmul.f32 v3, v20  }
0x24c: {  	[tilespmem:s28+$0x6850] =	vst v63  }
0x24d: {  	[tilespmem:s28+$0x6860] =	vst v3  }
0x24e: {  	v3 =	vld [tilespmem:$0x600]  }
0x24f: {  	v19 =	vld [tilespmem:$0x610];
	_ =	sdelay $0x3  }
0x250: {  	[tilespmem:$0x700] =	vst v3  }
0x251: {  	[tilespmem:$0x710] =	vst v19  }
0x252: {  	[spmem:s3] =	stream.indirect.scatter.add.f32 [tilespmem:s24], [sflag:$0x5], $0x80, s30, s29, $0xb8;
	[tilespmem:$0x1E200] =	vst v63  }
.LBB2_13:
0x253: {  	s10 =	sadd.s32 s22, s14  }
0x254: {  	p3 =	sgt.u32 s10, $0x270F  }
0x255: {  	s10 =	smul.u32 @!p3 $0x18, s10  }
0x256: {  	v3 =	vlaneseq.u32 @!p1  }
0x257: {  	v3 =	vmul.u32 @!p1 $0x6, v3;
	s14 =	simm.s32 @!p3 $0x0;
	s17 =	simm.s32 @!p3 $0x100;
	s10 =	sadd.s32 @!p3 s5, s10  }
0x258: {  	[tilespmem:s17], [sflag:$0x2] =	stream.linear.gather @!p3 [hbm4b:s10+s14], $0xC0, $0x38;
	[tilespmem:$0x1E200] =	vst v63  }
0x259: {  	v19 =	vadd.s32 @!p1 $0x2, v3;
	s10 =	simm.s32 @!p1 $0x1  }
0x25a: {  	v20 =	vadd.s32 @!p1 $0x4, v3;
	_ =	swait.ge @!p1 [sflag:s10], $0xC0  }
0x25b: {  	v21 =	vadd.s32 @!p1 $0x5, v3;
	[sflag:s10] =	ssyncset.done @!p1 $0x0  }
0x25c: {  	[sflag:s10] =	ssyncadd.s32 @!p1 $0xFFFFFF40  }
0x25d: {  	v22 =	vld.idx.msk @!p1 [tilespmem:v3+s4+$0x0], $0xffff  }
0x25e: {  	v19 =	vld.idx.msk @!p1 [tilespmem:v19+s4+$0x0], $0xffff  }
0x25f: {  	v20 =	vld.idx.msk @!p1 [tilespmem:v20+s4+$0x0], $0xffff  }
0x260: {  	v21 =	vld.idx.msk @!p1 [tilespmem:v21+s4+$0x0], $0xffff;
	_ =	sdelay $0x2  }
0x261: {  	v23 =	vadd.s32 @!p1 $0x60, v3  }
0x262: {  	[tilespmem:$0x280] =	vst @!p1 v19;
	v19 =	vadd.s32 @!p1 v1, v22;
	v22 =	vadd.s32 @!p1 $0x64, v3  }
0x263: {  	[tilespmem:$0x200] =	vst @!p1 v20;
	v20 =	vadd.s32 @!p1 $0x62, v3;
	vm0 =	vlt.s32 @!p1 v21, $0x270F;
	v3 =	vadd.s32 @!p1 $0x65, v3  }
0x264: {  	[tilespmem:$0x300] =	vst @!p1 v19;
	v19 =	vnsel @!p1 vm0, $0x270F, v21  }
0x265: {  	[tilespmem:$0x600] =	vst @!p1 v19  }
0x266: {  	v19 =	vld.idx.msk @!p1 [tilespmem:v23+s4+$0x0], $0xffff  }
0x267: {  	v21 =	vld.idx.msk @!p1 [tilespmem:v22+s4+$0x0], $0xffff  }
0x268: {  	v3 =	vld.idx.msk @!p1 [tilespmem:v3+s4+$0x0], $0xffff  }
0x269: {  	v20 =	vld.idx.msk @!p1 [tilespmem:v20+s4+$0x0], $0xffff;
	_ =	sdelay $0x1  }
0x26a: {  	v19 =	vadd.s32 @!p1 v1, v19  }
0x26b: {  	[tilespmem:$0x310] =	vst @!p1 v19  }
0x26c: {  	[tilespmem:$0x210] =	vst @!p1 v21;
	vm0 =	vlt.s32 @!p1 v3, $0x270F  }
0x26d: {  	[tilespmem:$0x290] =	vst @!p1 v20;
	v3 =	vnsel @!p1 vm0, $0x270F, v3  }
0x26e: {  	s14 =	simm.s32 @!p1 $0x800;
	s10 =	simm.s32 @!p1 $0x200;
	s4 =	simm.s32 @!p1 $0x20;
	[tilespmem:$0x610] =	vst @!p1 v3  }
0x26f: {  	[tilespmem:s14], [sflag:$0x3] =	stream.indirect.gather @!p1 [hbm4b:s1+s4], $0x80, s10, s4, $0xb8;
	[tilespmem:$0x1E200] =	vst v63  }
.Ltmp11:
0x270: {  	_ = 	snop;
	(pc) =	sbr.rel @p2 .LBB2_17-.Ltmp11, $4  }
0x271: {  	s10 =	simm.s32 @!p1 $0x280;
	s14 =	simm.s32 @!p1 $0x1800  }
0x272: {  	[tilespmem:s14], [sflag:$0x3] =	stream.indirect.gather @!p1 [hbm4b:s6+s4], $0x80, s10, s4, $0xb8;
	[tilespmem:$0x1E200] =	vst v63  }
0x273: {  	s10 =	simm.s32 @!p1 $0x300;
	s14 =	simm.s32 @!p1 $0x4800  }
0x274: {  	[tilespmem:s14], [sflag:$0x3] =	stream.indirect.gather @!p1 [hbm4b:s9+s4], $0x80, s10, s4, $0xb8;
	[tilespmem:$0x1E200] =	vst v63  }
0x275: {  	_ =	swait.ge [sflag:s2], $0x2000  }
0x276: {  	[sflag:s2] =	ssyncset.done $0x0  }
0x277: {  	[sflag:s2] =	ssyncadd.s32 $0xFFFFE000  }
0x278: {  	_ =	swait.ge [sflag:s2], $0x1000  }
0x279: {  	p1 =	seq.s32 s25, $0x0;
	[sflag:s2] =	ssyncset.done $0x0  }
0x27a: {  	s4 =	simm.s32 @!p1 $0x6;
	[sflag:s2] =	ssyncadd.s32 $0xFFFFF000  }
0x27b: {  	_ =	swait.ge @!p1 [sflag:s4], $0x1000  }
0x27c: {  	[sflag:s4] =	ssyncset.done @!p1 $0x0  }
0x27d: {  	s14 =	simm.s32 $0x0;
	[sflag:s4] =	ssyncadd.s32 @!p1 $0xFFFFF000  }
0x27e: {  	v3 =	vld [tilespmem:s14+$0x2860]  }
0x27f: {  	v20 =	vld [tilespmem:s14+$0x2850]  }
0x280: {  	v21 =	vld [tilespmem:s14+$0x2840]  }
0x281: {  	v23 =	vld [tilespmem:s14+$0x2830]  }
0x282: {  	v24 =	vld [tilespmem:s14+$0x2820]  }
0x283: {  	v25 =	vld [tilespmem:s14+$0x2800]  }
0x284: {  	v26 =	vld [tilespmem:s14+$0x3800]  }
0x285: {  	v27 =	vld [tilespmem:s14+$0x2810]  }
0x286: {  	v28 =	vld [tilespmem:s14+$0x3810]  }
0x287: {  	v19 =	vld [tilespmem:s14+$0x5800]  }
0x288: {  	v29 =	vld [tilespmem:s14+$0x3820]  }
0x289: {  	v32 =	vld [tilespmem:s14+$0x5810]  }
0x28a: {  	v35 =	vld [tilespmem:s14+$0x3830];
	v22 =	vunpack.i.l.bf16.f32 v25;
	v30 =	vunpack.i.l.bf16.f32 v26  }
0x28b: {  	v39 =	vld [tilespmem:s14+$0x3840];
	v33 =	vunpack.i.l.bf16.f32 v3;
	v22 =	vadd.f32 v30, v22  }
0x28c: {  	v37 =	vld [tilespmem:s14+$0x5820];
	v34 =	vunpack.i.l.bf16.f32 v27;
	v36 =	vunpack.i.l.bf16.f32 v28;
	v38 =	vunpack.i.l.bf16.f32 v20  }
0x28d: {  	v42 =	vld [tilespmem:s14+$0x3850];
	v63 =	vunpack.i.l.bf16.f32 v21;
	v19 =	vadd.f32 v19, v22;
	v22 =	vadd.f32 v36, v34  }
0x28e: {  	v41 =	vld [tilespmem:s14+$0x5830];
	v48 =	vunpack.i.l.bf16.f32 v24;
	v40 =	vunpack.i.l.bf16.f32 v29;
	v49 =	vunpack.i.l.bf16.f32 v23  }
0x28f: {  	v51 =	vld [tilespmem:s14+$0x3860];
	v36 =	vadd.f32 v40, v48;
	v19 =	vmax.f32 v19, $0.0e+00;
	v22 =	vadd.f32 v32, v22  }
0x290: {  	v43 =	vld [tilespmem:s14+$0x5840];
	v50 =	vunpack.i.l.bf16.f32 v35;
	v52 =	vunpack.i.l.bf16.f32 v39;
	v19 =	vmul.f32 v19, v10  }
0x291: {  	v31 =	vld [tilespmem:s14+$0x2870];
	v32 =	vadd.f32 v50, v49;
	v36 =	vadd.f32 v37, v36;
	v22 =	vmax.f32 v22, $0.0e+00  }
0x292: {  	v44 =	vld [tilespmem:s14+$0x5850];
	v53 =	vunpack.i.l.bf16.f32 v42;
	v19 =	vadd.f32 $0.0e+00, v19;
	v22 =	vmul.f32 v22, v11  }
0x293: {  	v40 =	vadd.f32 v52, v63;
	v34 =	vld [tilespmem:s14+$0x3870];
	v36 =	vmax.f32 v36, $0.0e+00;
	v32 =	vadd.f32 v41, v32  }
0x294: {  	v54 =	vld [tilespmem:s14+$0x5860];
	v55 =	vunpack.i.l.bf16.f32 v51;
	v19 =	vadd.f32 v22, v19;
	v22 =	vmul.f32 v36, v12  }
0x295: {  	v38 =	vadd.f32 v53, v38;
	v40 =	vadd.f32 v43, v40;
	v32 =	vmax.f32 v32, $0.0e+00  }
0x296: {  	v56 =	vld [tilespmem:s14+$0x5870];
	v30 =	vunpack.i.l.bf16.f32 v31;
	v19 =	vadd.f32 v22, v19;
	v22 =	vmul.f32 v32, v13  }
0x297: {  	v38 =	vadd.f32 v44, v38;
	v40 =	vmax.f32 v40, $0.0e+00;
	v32 =	vadd.f32 v55, v33  }
0x298: {  	v57 =	vunpack.i.l.bf16.f32 v34;
	v19 =	vadd.f32 v22, v19;
	v22 =	vmul.f32 v40, v14  }
0x299: {  	v38 =	vmax.f32 v38, $0.0e+00;
	v30 =	vadd.f32 v57, v30;
	v32 =	vadd.f32 v54, v32  }
0x29a: {  	s4 =	simm.s32 $0x80;
	v58 =	vmul.f32 v38, v15;
	v22 =	vadd.f32 v22, v19  }
0x29b: {  	v59 =	vld [tilespmem:s4+$0x2860];
	v30 =	vadd.f32 v56, v30;
	v32 =	vmax.f32 v32, $0.0e+00  }
0x29c: {  	v45 =	vld [tilespmem:s4+$0x2830];
	v32 =	vmul.f32 v32, v16;
	v22 =	vadd.f32 v58, v22  }
0x29d: {  	v46 =	vld [tilespmem:s4+$0x3820];
	v30 =	vmax.f32 v30, $0.0e+00  }
0x29e: {  	v47 =	vld [tilespmem:s4+$0x3800];
	v30 =	vmul.f32 v30, v17;
	v22 =	vadd.f32 v32, v22  }
0x29f: {  	v27 =	vunpack.i.u.bf16.f32 v27;
	v28 =	vunpack.i.u.bf16.f32 v28;
	v49 =	vld [tilespmem:s4+$0x5810]  }
0x2a0: {  	v38 =	vadd.f32 v28, v27;
	v28 =	vld [tilespmem:s4+$0x3830];
	v22 =	vadd.f32 v30, v22  }
0x2a1: {  	v36 =	vld [tilespmem:s4+$0x2850]  }
0x2a2: {  	v20 =	vunpack.i.u.bf16.f32 v20;
	v40 =	vld [tilespmem:s4+$0x3850];
	v30 =	vunpack.i.u.bf16.f32 v42;
	(xrf2) =	vadd.scan.msk.f32 $0xffff, v22  }
0x2a3: {  	v3 =	vunpack.i.u.bf16.f32 v3;
	v42 =	vld [tilespmem:s4+$0x2820];
	v22 =	vadd.f32 v30, v20  }
0x2a4: {  	v20 =	vunpack.i.u.bf16.f32 v23;
	v23 =	vunpack.i.u.bf16.f32 v24;
	v24 =	vunpack.i.u.bf16.f32 v25;
	v25 =	vld [tilespmem:s4+$0x2800]  }
0x2a5: {  	v26 =	vunpack.i.u.bf16.f32 v26;
	v30 =	vunpack.i.u.bf16.f32 v35;
	v35 =	vunpack.i.u.bf16.f32 v39;
	v39 =	vld [tilespmem:s4+$0x2810]  }
0x2a6: {  	v21 =	vunpack.i.u.bf16.f32 v21;
	v29 =	vunpack.i.u.bf16.f32 v29;
	v32 =	vadd.f32 v26, v24;
	v24 =	vld [tilespmem:s4+$0x3810]  }
0x2a7: {  	v62 =	vunpack.i.l.bf16.f32 v45;
	v48 =	vunpack.i.l.bf16.f32 v47;
	v44 =	vadd.f32 v30, v20;
	v20 =	vld [tilespmem:s4+$0x5800]  }
0x2a8: {  	v37 =	vunpack.i.u.bf16.f32 v51;
	v41 =	vld [tilespmem:s4+$0x2840];
	v54 =	vunpack.i.l.bf16.f32 v46;
	v43 =	vadd.f32 v29, v23  }
0x2a9: {  	v23 =	vunpack.i.u.bf16.f32 v59;
	v26 =	vunpack.i.l.bf16.f32 v59;
	v59 =	vld [tilespmem:s4+$0x5850];
	v30 =	vunpack.i.l.bf16.f32 v25  }
0x2aa: {  	v33 =	vunpack.i.l.bf16.f32 v40;
	v29 =	vunpack.i.l.bf16.f32 v36;
	v30 =	vadd.f32 v48, v30  }
0x2ab: {  	v55 =	vld [tilespmem:s4+$0x5820];
	v29 =	vadd.f32 v33, v29;
	v52 =	vunpack.i.l.bf16.f32 v39;
	v53 =	vunpack.i.l.bf16.f32 v24  }
0x2ac: {  	v51 =	vld [tilespmem:s4+$0x3840];
	v60 =	vunpack.i.l.bf16.f32 v42;
	v20 =	vadd.f32 v20, v30;
	v30 =	vadd.f32 v53, v52;
	v56, _, _ =	vpop (xrf2)  }
0x2ad: {  	v63 =	vunpack.i.l.bf16.f32 v28;
	v19 =	vld [tilespmem:s4+$0x2870];
	v48 =	vadd.f32 v54, v60;
	v61 =	vbroadcast v56, $0xF  }
0x2ae: {  	v50 =	vunpack.i.l.bf16.f32 v41;
	v29 =	vadd.f32 v59, v29;
	v30 =	vadd.f32 v49, v30;
	v56 =	vld [tilespmem:s4+$0x5830]  }
0x2af: {  	v20 =	vmax.f32 v20, $0.0e+00;
	v60 =	vadd.f32 v61, v18;
	v61 =	vadd.f32 v63, v62;
	v63 =	vld [tilespmem:s4+$0x5840]  }
0x2b0: {  	v48 =	vadd.f32 v55, v48;
	v55 =	vld [tilespmem:s4+$0x3860];
	v20 =	vmul.f32 v20, v10;
	v30 =	vmax.f32 v30, $0.0e+00  }
0x2b1: {  	v62 =	vunpack.i.l.bf16.f32 v51;
	v57 =	vmul.f32 v30, v11;
	v30 =	vld [tilespmem:s4+$0x3870];
	v49 =	vsub.f32 $0.0e+00, v60  }
0x2b2: {  	v27 =	vunpack.i.l.bf16.f32 v19;
	v20 =	vadd.f32 $0.0e+00, v20;
	v50 =	vadd.f32 v62, v50  }
0x2b3: {  	v48 =	vmax.f32 v48, $0.0e+00;
	v60 =	vld [tilespmem:s4+$0x5860];
	v52 =	vadd.f32 v56, v61;
	v49 =	vmul.f32 $1.442695020e+00, v49  }
0x2b4: {  	v48 =	vmul.f32 v48, v12;
	v20 =	vadd.f32 v57, v20;
	v50 =	vadd.f32 v63, v50;
	v63 =	vld [tilespmem:s4+$0x5870]  }
0x2b5: {  	v62 =	vunpack.i.l.bf16.f32 v55;
	v52 =	vmax.f32 v52, $0.0e+00;
	(erf) = vpow2.f32 v49  }
0x2b6: {  	v20 =	vadd.f32 v48, v20;
	v54 =	vunpack.i.l.bf16.f32 v30;
	v61 =	vmul.f32 v52, v13  }
0x2b7: {  	v26 =	vadd.f32 v62, v26;
	v27 =	vadd.f32 v54, v27;
	v50 =	vmax.f32 v50, $0.0e+00  }
0x2b8: {  	v31 =	vunpack.i.u.bf16.f32 v31;
	v20 =	vadd.f32 v61, v20;
	v53 =	vmul.f32 v50, v14  }
0x2b9: {  	v29 =	vmax.f32 v29, $0.0e+00;
	v26 =	vadd.f32 v60, v26;
	v27 =	vadd.f32 v63, v27  }
0x2ba: {  	v33 =	vadd.f32 v35, v21;
	v29 =	vmul.f32 v29, v15;
	v21 =	vadd.f32 v53, v20  }
0x2bb: {  	s17 =	simm.s32 $0x100;
	v34 =	vunpack.i.u.bf16.f32 v34;
	v26 =	vmax.f32 v26, $0.0e+00;
	v27 =	vmax.f32 v27, $0.0e+00  }
0x2bc: {  	v35 =	vadd.f32 v37, v3;
	v57 =	vld [tilespmem:s17+$0x2860];
	v26 =	vmul.f32 v26, v16;
	v3 =	vadd.f32 v29, v21  }
0x2bd: {  	v31 =	vadd.f32 v34, v31;
	v62 =	vunpack.i.u.bf16.f32 v51;
	v51 =	vld [tilespmem:s17+$0x3810]  }
0x2be: {  	v36 =	vunpack.i.u.bf16.f32 v36;
	v48 =	vld [tilespmem:s17+$0x2830];
	v3 =	vadd.f32 v26, v3;
	v26 =	vmul.f32 v27, v17;
	v27 =	vpop (erf)  }
0x2bf: {  	v25 =	vunpack.i.u.bf16.f32 v25;
	v39 =	vunpack.i.u.bf16.f32 v39;
	v60 =	vld [tilespmem:s17+$0x3850];
	v27 =	vadd.f32 $1.000000000e+00, v27  }
0x2c0: {  	v24 =	vunpack.i.u.bf16.f32 v24;
	v50 =	vld [tilespmem:s17+$0x3800];
	v21 =	vunpack.i.u.bf16.f32 v40;
	v3 =	vadd.f32 v26, v3  }
0x2c1: {  	v61 =	vunpack.i.u.bf16.f32 v47;
	v21 =	vadd.f32 v21, v36;
	v36 =	vld [tilespmem:s17+$0x2850];
	(erf) = vrcp.f32 v27  }
0x2c2: {  	v28 =	vunpack.i.u.bf16.f32 v28;
	v26 =	vadd.f32 v61, v25;
	v25 =	vadd.f32 v24, v39;
	v39 =	vld [tilespmem:s17+$0x2800];
	(xrf2) =	vadd.scan.msk.f32 $0xffff, v3  }
0x2c3: {  	v59 =	vunpack.i.u.bf16.f32 v42;
	v56 =	vunpack.i.u.bf16.f32 v41;
	v52 =	vld [tilespmem:s17+$0x5800];
	v41 =	vunpack.i.u.bf16.f32 v57  }
0x2c4: {  	v53 =	vunpack.i.u.bf16.f32 v48;
	v29 =	vunpack.i.u.bf16.f32 v45;
	v27 =	vunpack.i.u.bf16.f32 v46;
	v46 =	vld [tilespmem:s17+$0x2810]  }
0x2c5: {  	v63 =	vld [tilespmem:s17+$0x2820];
	v42 =	vunpack.i.l.bf16.f32 v60;
	v61 =	vunpack.i.l.bf16.f32 v50;
	v3 =	vunpack.i.u.bf16.f32 v55  }
0x2c6: {  	v47 =	vld [tilespmem:s17+$0x2840];
	v58 =	vunpack.i.u.bf16.f32 v36;
	v27 =	vadd.f32 v27, v59;
	v59 =	vunpack.i.u.bf16.f32 v60  }
0x2c7: {  	v24 =	vadd.f32 v3, v23;
	v23 =	vadd.f32 v59, v58;
	v58 =	vld [tilespmem:s17+$0x5810];
	v60 =	vunpack.i.l.bf16.f32 v39  }
0x2c8: {  	v45 =	vld [tilespmem:s17+$0x3820];
	v40 =	vunpack.i.l.bf16.f32 v57;
	v29 =	vadd.f32 v28, v29;
	v34 =	vadd.f32 v61, v60  }
0x2c9: {  	v28 =	vadd.f32 v62, v56;
	v60 =	vunpack.i.l.bf16.f32 v51;
	v59 =	vunpack.i.l.bf16.f32 v46  }
0x2ca: {  	v57 =	vld [tilespmem:s17+$0x3830];
	v55 =	vunpack.i.u.bf16.f32 v63;
	v34 =	vadd.f32 v52, v34;
	v52 =	vadd.f32 v60, v59;
	v37 =	vpop (erf)  }
0x2cb: {  	v49 =	vld [tilespmem:s17+$0x3840];
	v56 =	vunpack.i.l.bf16.f32 v36;
	v36 =	vunpack.i.l.bf16.f32 v63;
	v31 =	vmul.f32 v37, v31  }
0x2cc: {  	v62 =	vld [tilespmem:s17+$0x5820];
	v3 =	vunpack.i.u.bf16.f32 v47;
	v47 =	vunpack.i.l.bf16.f32 v47;
	v52 =	vadd.f32 v58, v52;
	v63, _, _ =	vpop (xrf2)  }
0x2cd: {  	v20 =	vld [tilespmem:s17+$0x2870];
	v61 =	vunpack.i.l.bf16.f32 v45;
	v34 =	vmax.f32 v34, $0.0e+00;
	v59 =	vbroadcast v63, $0xF;
	[tilespmem:s14+$0x7870] =	vst v31  }
0x2ce: {  	v34 =	vmul.f32 v34, v10;
	v52 =	vmax.f32 v52, $0.0e+00;
	v31 =	vadd.f32 v61, v36;
	v60 =	vld [tilespmem:s17+$0x5830]  }
0x2cf: {  	v36 =	vunpack.i.l.bf16.f32 v48;
	v48 =	vunpack.i.l.bf16.f32 v57;
	v58 =	vadd.f32 v59, v18  }
0x2d0: {  	v34 =	vadd.f32 $0.0e+00, v34;
	v52 =	vmul.f32 v52, v11;
	v36 =	vadd.f32 v48, v36;
	v59 =	vld [tilespmem:s17+$0x5840]  }
0x2d1: {  	v48 =	vunpack.i.l.bf16.f32 v49;
	v61 =	vld [tilespmem:s17+$0x3860];
	v31 =	vadd.f32 v62, v31;
	v58 =	vsub.f32 $0.0e+00, v58  }
0x2d2: {  	v34 =	vadd.f32 v52, v34;
	v47 =	vadd.f32 v48, v47;
	v48 =	vld [tilespmem:s17+$0x5850]  }
0x2d3: {  	v52 =	vld [tilespmem:s17+$0x5860];
	v31 =	vmax.f32 v31, $0.0e+00;
	v58 =	vmul.f32 $1.442695020e+00, v58;
	v60 =	vadd.f32 v60, v36  }
0x2d4: {  	v42 =	vadd.f32 v42, v56;
	v31 =	vmul.f32 v31, v12;
	v36 =	vld [tilespmem:s17+$0x3870]  }
0x2d5: {  	v47 =	vadd.f32 v59, v47;
	(erf) = vpow2.f32 v58;
	v62 =	vmax.f32 v60, $0.0e+00  }
0x2d6: {  	v31 =	vadd.f32 v31, v34;
	v60 =	vunpack.i.l.bf16.f32 v61;
	v63 =	vmul.f32 v62, v13  }
0x2d7: {  	v42 =	vadd.f32 v48, v42;
	v47 =	vmax.f32 v47, $0.0e+00;
	v62 =	vld [tilespmem:s17+$0x5870];
	v40 =	vadd.f32 v60, v40  }
0x2d8: {  	v54 =	vunpack.i.l.bf16.f32 v20;
	v31 =	vadd.f32 v63, v31;
	v63 =	vmul.f32 v47, v14  }
0x2d9: {  	v42 =	vmax.f32 v42, $0.0e+00;
	v56 =	vunpack.i.l.bf16.f32 v36;
	v40 =	vadd.f32 v52, v40  }
0x2da: {  	v59 =	vmul.f32 v42, v15;
	v47 =	vadd.f32 v56, v54;
	v31 =	vadd.f32 v63, v31  }
0x2db: {  	s20 =	simm.s32 $0x180;
	v51 =	vunpack.i.u.bf16.f32 v51;
	v45 =	vunpack.i.u.bf16.f32 v45  }
0x2dc: {  	v56 =	vld [tilespmem:s20+$0x2860];
	v40 =	vmax.f32 v40, $0.0e+00;
	v47 =	vadd.f32 v62, v47;
	v31 =	vadd.f32 v59, v31  }
0x2dd: {  	v49 =	vunpack.i.u.bf16.f32 v49;
	v48 =	vunpack.i.u.bf16.f32 v39;
	v62 =	vmul.f32 v40, v16  }
0x2de: {  	v39 =	vld [tilespmem:s20+$0x2870];
	v60 =	vunpack.i.u.bf16.f32 v50;
	v63 =	vmax.f32 v47, $0.0e+00;
	v47 =	vunpack.i.u.bf16.f32 v57  }
0x2df: {  	v54 =	vld [tilespmem:s20+$0x2850];
	v57 =	vunpack.i.u.bf16.f32 v61;
	v34 =	vadd.f32 v62, v31;
	v40 =	vmul.f32 v63, v17  }
0x2e0: {  	v50 =	vunpack.i.u.bf16.f32 v46;
	v52 =	vld [tilespmem:s20+$0x3850];
	v47 =	vadd.f32 v47, v53;
	v41 =	vadd.f32 v57, v41;
	v31 =	vpop (erf)  }
0x2e1: {  	v46 =	vld [tilespmem:s20+$0x2840];
	v42 =	vunpack.i.u.bf16.f32 v56;
	v59 =	vadd.f32 v40, v34;
	v58 =	vadd.f32 $1.000000000e+00, v31  }
0x2e2: {  	v40 =	vld [tilespmem:s20+$0x2830];
	v31 =	vadd.f32 v60, v48;
	v60 =	vmul.f32 v37, v32;
	v32 =	vadd.f32 v51, v50  }
0x2e3: {  	v34 =	vld [tilespmem:s20+$0x3820];
	v51 =	vadd.f32 v45, v55;
	v45 =	vadd.f32 v49, v3;
	(erf) = vrcp.f32 v58  }
0x2e4: {  	v48 =	vld [tilespmem:s20+$0x2820];
	v49 =	vunpack.i.u.bf16.f32 v54;
	(xrf2) =	vadd.scan.msk.f32 $0xffff, v59;
	[tilespmem:s14+$0x7800] =	vst v60;
	v58 =	vmul.f32 v37, v38  }
0x2e5: {  	s10 =	simm.s32 $0x800;
	v50 =	vunpack.i.u.bf16.f32 v52;
	v55 =	vmul.f32 v37, v44;
	v59 =	vmul.f32 v37, v43;
	v38 =	vld [tilespmem:s20+$0x2800]  }
.LBB2_15:
0x2e6: {  	p1 =	sne.s32 s10, $0x3E00;
	v57 =	vld [tilespmem:s20+$0x3800];
	v44 =	vunpack.i.u.bf16.f32 v46;
	v3 =	vadd.f32 v50, v49;
	[tilespmem:s14+$0x7810] =	vst v58;
	v33 =	vmul.f32 v37, v33;
	v43 =	vmovc v51  }
0x2e7: {  	v62 =	vmul.f32 v37, v22;
	v35 =	vmul.f32 v37, v35;
	v51 =	vld [tilespmem:s20+$0x2810]  }
0x2e8: {  	v22 =	vmovc v21;
	v37 =	vunpack.i.u.bf16.f32 v19;
	v21 =	vmovc v23;
	v56 =	vunpack.i.l.bf16.f32 v56;
	v49 =	vunpack.i.u.bf16.f32 v40;
	[tilespmem:s14+$0x7820] =	vst v59  }
0x2e9: {  	v19 =	vmovc v20;
	v61 =	vunpack.i.u.bf16.f32 v30;
	v52 =	vunpack.i.l.bf16.f32 v52;
	v58 =	vld [tilespmem:s20+$0x3810];
	v50 =	vunpack.i.u.bf16.f32 v48;
	[tilespmem:s14+$0x7830] =	vst v55;
	v23 =	vmovc v3  }
0x2ea: {  	v30 =	vmovc v36;
	v20 =	vmovc v39;
	v46 =	vunpack.i.l.bf16.f32 v46;
	v59 =	vunpack.i.l.bf16.f32 v39;
	v63 =	vadd.f32 v61, v37;
	v3 =	vld [tilespmem:s20+$0x5800];
	[tilespmem:s14+$0x7840] =	vst v33  }
0x2eb: {  	v53 =	vmovc v29;
	v39 =	vunpack.i.l.bf16.f32 v54;
	v55 =	vmovc v42;
	v60 =	vld [tilespmem:s20+$0x3830];
	[tilespmem:s14+$0x7850] =	vst v62;
	v61 =	vunpack.i.l.bf16.f32 v38;
	v36 =	vunpack.i.l.bf16.f32 v57  }
0x2ec: {  	v33 =	vmov v28;
	v42 =	vld [tilespmem:s20+$0x5810];
	v37 =	vpop (erf);
	[tilespmem:s14+$0x7860] =	vst v35;
	s14 =	smov.u32 s4;
	s4 =	smov.u32 s17;
	s17 =	smov.u32 s20;
	v35 =	vadd.f32 v36, v61;
	v28 =	vunpack.i.l.bf16.f32 v51  }
0x2ed: {  	v29 =	vmov v47;
	v36 =	vunpack.i.l.bf16.f32 v48;
	v48 =	vld [tilespmem:s17+$0x3840];
	v54 =	vmul.f32 v37, v63  }
0x2ee: {  	v61 =	vunpack.i.l.bf16.f32 v34;
	v47 =	vunpack.i.l.bf16.f32 v58;
	v62 =	vld [tilespmem:s17+$0x5820];
	v63, _, _ =	vpop (xrf2)  }
0x2ef: {  	v3 =	vadd.f32 v3, v35;
	v47 =	vadd.f32 v47, v28;
	v63 =	vbroadcast v63, $0xF;
	[tilespmem:s14+$0x7870] =	vst v54;
	v28 =	vmovc v45  }
0x2f0: {  	v40 =	vunpack.i.l.bf16.f32 v40;
	v36 =	vadd.f32 v61, v36;
	v45 =	vunpack.i.l.bf16.f32 v60;
	v54 =	vld [tilespmem:s17+$0x5830];
	v35 =	vmovc v24;
	v24 =	vmovc v41  }
0x2f1: {  	v3 =	vmax.f32 v3, $0.0e+00;
	v41 =	vadd.f32 v42, v47;
	v42 =	vadd.f32 v63, v18  }
0x2f2: {  	v40 =	vadd.f32 v45, v40;
	v3 =	vmul.f32 v3, v10;
	v45 =	vunpack.i.l.bf16.f32 v48;
	v47 =	vld [tilespmem:s17+$0x5840]  }
0x2f3: {  	v41 =	vmax.f32 v41, $0.0e+00;
	v36 =	vadd.f32 v62, v36;
	v42 =	vsub.f32 $0.0e+00, v42;
	v61 =	vld [tilespmem:s17+$0x3860]  }
0x2f4: {  	v45 =	vadd.f32 v45, v46;
	v3 =	vadd.f32 $0.0e+00, v3;
	v41 =	vmul.f32 v41, v11;
	v46 =	vld [tilespmem:s17+$0x5850]  }
0x2f5: {  	v62 =	vmax.f32 v36, $0.0e+00;
	v42 =	vmul.f32 $1.442695020e+00, v42;
	v40 =	vadd.f32 v54, v40;
	v36 =	vld [tilespmem:s17+$0x3870]  }
0x2f6: {  	v39 =	vadd.f32 v52, v39;
	v3 =	vadd.f32 v41, v3;
	v41 =	vmul.f32 v62, v12;
	v52 =	vld [tilespmem:s17+$0x5860]  }
0x2f7: {  	v40 =	vmax.f32 v40, $0.0e+00;
	v45 =	vadd.f32 v47, v45;
	(erf) = vpow2.f32 v42  }
0x2f8: {  	v3 =	vadd.f32 v41, v3;
	v40 =	vmul.f32 v40, v13;
	v41 =	vunpack.i.l.bf16.f32 v61;
	v42 =	vld [tilespmem:s17+$0x5870]  }
0x2f9: {  	v45 =	vmax.f32 v45, $0.0e+00;
	v39 =	vadd.f32 v46, v39;
	v41 =	vadd.f32 v41, v56  }
0x2fa: {  	v3 =	vadd.f32 v40, v3;
	v40 =	vmul.f32 v45, v14;
	v45 =	vunpack.i.l.bf16.f32 v36  }
0x2fb: {  	v39 =	vmax.f32 v39, $0.0e+00;
	v41 =	vadd.f32 v52, v41;
	v45 =	vadd.f32 v45, v59  }
0x2fc: {  	v38 =	vunpack.i.u.bf16.f32 v38;
	v3 =	vadd.f32 v40, v3;
	v40 =	vmul.f32 v39, v15  }
0x2fd: {  	s20 =	sshra.s32 s10, $0x2;
	v47 =	vunpack.i.u.bf16.f32 v57;
	v41 =	vmax.f32 v41, $0.0e+00;
	v52 =	vadd.f32 v42, v45  }
0x2fe: {  	v45 =	vunpack.i.u.bf16.f32 v51;
	v39 =	vld [tilespmem:s20+$0x2870];
	v3 =	vadd.f32 v40, v3;
	v40 =	vmul.f32 v41, v16  }
0x2ff: {  	v34 =	vunpack.i.u.bf16.f32 v34;
	v41 =	vunpack.i.u.bf16.f32 v58;
	v56 =	vld [tilespmem:s20+$0x2860];
	v46 =	vmax.f32 v52, $0.0e+00  }
0x300: {  	v57 =	vunpack.i.u.bf16.f32 v60;
	v54 =	vld [tilespmem:s20+$0x2850];
	v3 =	vadd.f32 v40, v3;
	v40 =	vmul.f32 v46, v17;
	v42 =	vpop (erf)  }
0x301: {  	v59 =	vunpack.i.u.bf16.f32 v61;
	v58 =	vunpack.i.u.bf16.f32 v48;
	v52 =	vld [tilespmem:s20+$0x3850];
	v42 =	vadd.f32 $1.000000000e+00, v42  }
.Ltmp12:
0x302: {  	v60 =	vmul.f32 v37, v26;
	v26 =	vmovc v31;
	v31 =	vadd.f32 v47, v38;
	v46 =	vld [tilespmem:s20+$0x2840];
	v3 =	vadd.f32 v40, v3;
	(pc) =	sbr.rel @p1 .LBB2_15-.Ltmp12, $4  }
0x303: {  	v51 =	vadd.f32 v34, v50;
	v61 =	vadd.f32 v41, v45;
	v40 =	vld [tilespmem:s20+$0x2830];
	(erf) = vrcp.f32 v42  }
0x304: {  	v47 =	vadd.f32 v57, v49;
	v45 =	vadd.f32 v58, v44;
	v48 =	vld [tilespmem:s20+$0x2820];
	v42 =	vunpack.i.u.bf16.f32 v56;
	(xrf2) =	vadd.scan.msk.f32 $0xffff, v3  }
0x305: {  	v41 =	vadd.f32 v59, v55;
	v58 =	vmul.f32 v37, v25;
	v25 =	vmovc v32;
	v34 =	vld [tilespmem:s20+$0x3820];
	v49 =	vunpack.i.u.bf16.f32 v54;
	[tilespmem:s14+$0x7800] =	vst v60  }
0x306: {  	s10 =	sadd.s32 $0x200, s10;
	v59 =	vmul.f32 v37, v27;
	v55 =	vmul.f32 v37, v53;
	v27 =	vmovc v43;
	v32 =	vmovc v61;
	v38 =	vld [tilespmem:s20+$0x2800];
	v50 =	vunpack.i.u.bf16.f32 v52  }
0x307: {  	v53 =	vld [tilespmem:s20+$0x3800];
	[tilespmem:s14+$0x7810] =	vst v58  }
0x308: {  	v3 =	vmul.f32 v37, v33;
	v44 =	vld [tilespmem:s20+$0x2810];
	[tilespmem:s14+$0x7820] =	vst v59  }
0x309: {  	v61 =	vmul.f32 v37, v22;
	v43 =	vld [tilespmem:s20+$0x3810];
	[tilespmem:s14+$0x7830] =	vst v55  }
0x30a: {  	v19 =	vunpack.i.u.bf16.f32 v19;
	v30 =	vunpack.i.u.bf16.f32 v30;
	v60 =	vld [tilespmem:s20+$0x5800];
	[tilespmem:s14+$0x7840] =	vst v3  }
0x30b: {  	v30 =	vadd.f32 v30, v19;
	v3 =	vmul.f32 v37, v35;
	v22 =	vld [tilespmem:s20+$0x3830];
	[tilespmem:s14+$0x7850] =	vst v61  }
0x30c: {  	v54 =	vunpack.i.l.bf16.f32 v54;
	v19 =	vunpack.i.l.bf16.f32 v38;
	v35 =	vld [tilespmem:s20+$0x5810];
	v62 =	vunpack.i.l.bf16.f32 v53;
	v55 =	vpop (erf)  }
0x30d: {  	v52 =	vunpack.i.l.bf16.f32 v52;
	[tilespmem:s14+$0x7860] =	vst v3;
	v37 =	vadd.f32 v62, v19;
	v30 =	vmul.f32 v55, v30  }
0x30e: {  	v52 =	vadd.f32 v52, v54;
	v57 =	vunpack.i.l.bf16.f32 v44;
	v59 =	vld [tilespmem:s20+$0x5820];
	v63 =	vunpack.i.l.bf16.f32 v43  }
0x30f: {  	v19 =	vld [tilespmem:s20+$0x3840];
	v33 =	vadd.f32 v60, v37;
	v37 =	vadd.f32 v63, v57;
	[tilespmem:s4+$0x7870] =	vst v30  }
0x310: {  	v58 =	vunpack.i.l.bf16.f32 v34;
	v30 =	vunpack.i.l.bf16.f32 v46;
	v57 =	vunpack.i.l.bf16.f32 v48;
	v60 =	vld [tilespmem:s20+$0x5830]  }
0x311: {  	v57 =	vadd.f32 v58, v57;
	v33 =	vmax.f32 v33, $0.0e+00;
	v35 =	vadd.f32 v35, v37  }
0x312: {  	v58 =	vunpack.i.l.bf16.f32 v22;
	v61 =	vld [tilespmem:s20+$0x5840];
	v37 =	vunpack.i.l.bf16.f32 v40;
	v33 =	vmul.f32 v33, v10  }
0x313: {  	v37 =	vadd.f32 v58, v37;
	v57 =	vadd.f32 v59, v57;
	v58 =	vld [tilespmem:s20+$0x3860];
	v35 =	vmax.f32 v35, $0.0e+00  }
0x314: {  	v62 =	vld [tilespmem:s20+$0x5850];
	v59 =	vunpack.i.l.bf16.f32 v19;
	v33 =	vadd.f32 $0.0e+00, v33;
	v35 =	vmul.f32 v35, v11  }
0x315: {  	v30 =	vadd.f32 v59, v30;
	v59 =	vld [tilespmem:s20+$0x3870];
	v57 =	vmax.f32 v57, $0.0e+00;
	v37 =	vadd.f32 v60, v37  }
0x316: {  	v3 =	vunpack.i.l.bf16.f32 v56;
	v60 =	vmul.f32 v57, v12;
	v57 =	vld [tilespmem:s20+$0x5860];
	v33 =	vadd.f32 v35, v33  }
0x317: {  	v56 =	vunpack.i.l.bf16.f32 v39;
	v30 =	vadd.f32 v61, v30;
	v37 =	vmax.f32 v37, $0.0e+00  }
0x318: {  	v61 =	vld [tilespmem:s20+$0x5870];
	v33 =	vadd.f32 v60, v33;
	v63 =	vmul.f32 v37, v13;
	v60 =	vunpack.i.l.bf16.f32 v58  }
0x319: {  	v52 =	vadd.f32 v62, v52;
	v30 =	vmax.f32 v30, $0.0e+00;
	v3 =	vadd.f32 v60, v3  }
0x31a: {  	v30 =	vmul.f32 v30, v14;
	v62 =	vunpack.i.l.bf16.f32 v59;
	v33 =	vadd.f32 v63, v33  }
0x31b: {  	v35 =	vadd.f32 v62, v56;
	v63 =	vmax.f32 v52, $0.0e+00;
	v3 =	vadd.f32 v57, v3  }
0x31c: {  	v52 =	vmul.f32 v63, v15;
	v30 =	vadd.f32 v30, v33  }
0x31d: {  	v35 =	vadd.f32 v61, v35;
	v3 =	vmax.f32 v3, $0.0e+00  }
0x31e: {  	v30 =	vadd.f32 v52, v30;
	v3 =	vmul.f32 v3, v16  }
0x31f: {  	v54 =	vmax.f32 v35, $0.0e+00  }
0x320: {  	v56 =	vmul.f32 v54, v17;
	v3 =	vadd.f32 v3, v30  }
0x321: {  	v57, _, _ =	vpop (xrf2)  }
0x322: {  	v33 =	vbroadcast v57, $0xF;
	v3 =	vadd.f32 v56, v3;
	_ =	sdelay $0x1  }
0x323: {  	v60 =	vadd.f32 v33, v18;
	(xrf2) =	vadd.scan.msk.f32 $0xffff, v3;
	_ =	sdelay $0x1  }
0x324: {  	v3 =	vsub.f32 $0.0e+00, v60;
	_ =	sdelay $0x1  }
0x325: {  	v3 =	vmul.f32 $1.442695020e+00, v3;
	_ =	sdelay $0x1  }
0x326: {  	(erf) = vpow2.f32 v3;
	_ =	sdelay $0x3  }
0x327: {  	v3, _, _ =	vpop (xrf2)  }
0x328: {  	v3 =	vbroadcast v3, $0xF;
	_ =	sdelay $0x1  }
0x329: {  	v3 =	vadd.f32 v3, v18;
	_ =	sdelay $0x1  }
0x32a: {  	v61 =	vpop (erf);
	v3 =	vsub.f32 $0.0e+00, v3  }
0x32b: {  	v30 =	vadd.f32 $1.000000000e+00, v61  }
0x32c: {  	v3 =	vmul.f32 $1.442695020e+00, v3  }
0x32d: {  	(erf) = vrcp.f32 v30  }
0x32e: {  	(erf) = vpow2.f32 v3;
	_ =	sdelay $0x5  }
0x32f: {  	v3 =	vmul.f32 v55, v26  }
0x330: {  	v25 =	vmul.f32 v55, v25  }
0x331: {  	[tilespmem:s4+$0x7800] =	vst v3;
	v3 =	vmul.f32 v55, v27;
	v62 =	vpop (erf)  }
0x332: {  	v29 =	vmul.f32 v55, v29;
	v21 =	vmul.f32 v55, v21;
	[tilespmem:s4+$0x7810] =	vst v25;
	v63 =	vpop (erf)  }
0x333: {  	[tilespmem:s4+$0x7820] =	vst v3;
	v3 =	vunpack.i.u.bf16.f32 v20;
	v20 =	vunpack.i.u.bf16.f32 v36;
	v33 =	vadd.f32 $1.000000000e+00, v63  }
0x334: {  	[tilespmem:s4+$0x7830] =	vst v29;
	v35 =	vmul.f32 v55, v28;
	v3 =	vadd.f32 v20, v3  }
0x335: {  	[tilespmem:s4+$0x7850] =	vst v21;
	v20 =	vmul.f32 v55, v24;
	(erf) = vrcp.f32 v33  }
0x336: {  	[tilespmem:s4+$0x7840] =	vst v35;
	v3 =	vmul.f32 v62, v3  }
0x337: {  	[tilespmem:s4+$0x7860] =	vst v20;
	v20 =	vmul.f32 v62, v31  }
0x338: {  	[tilespmem:s17+$0x7870] =	vst v3;
	v3 =	vmul.f32 v62, v32  }
0x339: {  	v22 =	vunpack.i.u.bf16.f32 v22;
	[tilespmem:s17+$0x7800] =	vst v20  }
0x33a: {  	v37 =	vunpack.i.u.bf16.f32 v46;
	v20 =	vmul.f32 v62, v51;
	[tilespmem:s17+$0x7810] =	vst v3;
	v3 =	vmul.f32 v62, v45  }
0x33b: {  	v46 =	vunpack.i.u.bf16.f32 v48;
	v48 =	vunpack.i.u.bf16.f32 v38;
	v52 =	vmul.f32 v62, v47  }
0x33c: {  	v51 =	vunpack.i.u.bf16.f32 v53;
	v53 =	vunpack.i.u.bf16.f32 v59;
	[tilespmem:s17+$0x7820] =	vst v20;
	v20 =	vunpack.i.u.bf16.f32 v39  }
0x33d: {  	v54 =	vunpack.i.u.bf16.f32 v44;
	v23 =	vmul.f32 v62, v23;
	[tilespmem:s17+$0x7830] =	vst v52;
	v20 =	vadd.f32 v53, v20  }
0x33e: {  	v56 =	vunpack.i.u.bf16.f32 v34;
	v26 =	vmul.f32 v62, v41;
	v27 =	vadd.f32 v51, v48;
	[tilespmem:s17+$0x7840] =	vst v3;
	v3 =	vpop (erf)  }
0x33f: {  	v57 =	vadd.f32 v56, v46;
	v55 =	vunpack.i.u.bf16.f32 v43;
	[tilespmem:s17+$0x7850] =	vst v23;
	v20 =	vmul.f32 v3, v20  }
0x340: {  	v40 =	vunpack.i.u.bf16.f32 v40;
	v29 =	vadd.f32 v55, v54;
	[tilespmem:s17+$0x7860] =	vst v26;
	v59 =	vmul.f32 v3, v27  }
0x341: {  	v19 =	vunpack.i.u.bf16.f32 v19;
	v22 =	vadd.f32 v22, v40;
	v60 =	vmul.f32 v3, v57;
	[tilespmem:s20+$0x7870] =	vst v20  }
0x342: {  	v19 =	vadd.f32 v19, v37;
	v20 =	vmul.f32 v3, v29;
	[tilespmem:s20+$0x7800] =	vst v59  }
0x343: {  	v61 =	vadd.f32 v50, v49;
	v62 =	vunpack.i.u.bf16.f32 v58;
	v22 =	vmul.f32 v3, v22;
	[tilespmem:s20+$0x7820] =	vst v60  }
0x344: {  	v19 =	vmul.f32 v3, v19;
	[tilespmem:s20+$0x7810] =	vst v20;
	v20 =	vadd.f32 v62, v42  }
0x345: {  	v63 =	vmul.f32 v3, v61;
	[tilespmem:s20+$0x7830] =	vst v22  }
0x346: {  	[tilespmem:s20+$0x7840] =	vst v19;
	v3 =	vmul.f32 v3, v20  }
0x347: {  	[tilespmem:s20+$0x7850] =	vst v63  }
0x348: {  	[tilespmem:s20+$0x7860] =	vst v3  }
0x349: {  	v3 =	vld [tilespmem:$0x680]  }
0x34a: {  	v19 =	vld [tilespmem:$0x690];
	_ =	sdelay $0x1  }
.Ltmp13:
0x34b: {  	_ = 	snop;
	(pc) =	sbr.rel .LBB2_17-.Ltmp13, $4  }
0x34c: {  	_ = 	snop  }
0x34d: {  	[tilespmem:$0x780] =	vst v3  }
0x34e: {  	[tilespmem:$0x790] =	vst v19  }
0x34f: {  	[spmem:s3] =	stream.indirect.scatter.add.f32 [tilespmem:s16], [sflag:$0x6], $0x80, s8, s29, $0xb8;
	[tilespmem:$0x1E200] =	vst v63  }
.LBB2_19:
0x350: {  	_ =	sfence.sel $0x180000  }
0x351: {  	[bflag:$0x0] =	sbarrier.arrive $0xFFFF  }
0x352: {  	_ =	strace $0x90000047  }
0x353: {  	s0 =	stileid.u32;
	[bflag:$0x2] =	sbarrier.arrive $0xFFFF  }
0x354: {  	p0 =	sne.s32 s0, $0x0;
	s0 =	rddreg [dreg:$0x3]  }
0x355: {  	s0 =	sadd.s32 @!p0 $0x100000, s0  }
0x356: {  	[sflag:s0] =	ssyncadd.tile.s32 @!p0 $0x1;
	_ =	shalt  }
.Lfunc_end2:
_tile_overlayer_lowered:
.L_overlay_start_2:
0x357: {  	(tag) =	ssettag $0x2  }
0x358: {  	s0 =	rddreg [dreg:$0x0];
	s2 =	stileid.u32  }
0x359: {  	s1 =	rddreg [dreg:$0x1];
	p0 =	sne.s32 s2, $0x0  }
0x35a: {  	s3 =	rddreg [dreg:$0x2];
	[bflag:$0x3] =	sbarrier.arrive $0xFFFF;
	s2 =	simm.s32 @!p0 $0x1C07  }
0x35b: {  	[timem:s3], [sflag:s2] =	dma.local @!p0 [hbm:s0], s1  }
0x35c: {  	s0 =	simm.s32 @!p0 $0x7  }
0x35d: {  	_ =	swait.ge @!p0 [sflag:s0], s1  }
0x35e: {  	s1 =	ssub.s32 @!p0 $0x0, s1;
	[sflag:s0] =	ssyncset.done @!p0 $0x0  }
0x35f: {  	[sflag:s0] =	ssyncadd.s32 @!p0 s1  }
0x360: {  	[bflag:$0x3] =	sbarrier.arrive $0xFFFF  }
0x361: {  	_ =	shalt  }

</sc_bundles>
